<compile_context>
chip_gen: v7x
topology: tpu7x:2x2x1
jax: 0.10.2.dev20260603
libtpu: 0.0.44.dev20260713+nightly
codegen_flags: <defaults>
</compile_context>

<pallas_src>
import functools

import jax
import jax.numpy as jnp
from jax import lax
from jax.experimental import pallas as pl
from jax.experimental.pallas import tpu as pltpu
from jax.experimental.pallas import tpu_sc as plsc

N = 10000
E = 160000
D = 256
DEPTH = 3
H = 128

NC = 2
NS = 16
K = 128
CHUNKS = 80
PIPE = 2
HALVES = 2
EP = NS * CHUNKS * K
IDX_ROWS = EP // K
ACC_ROWS = 10240
ZERO_PER_TILE = ACC_ROWS // NS
OUT_PER_TILE = 1000


def _seg_sum_sc(h_stacked, src0, src1, dst2, zeros):
  mesh = plsc.VectorSubcoreMesh(core_axis_name="c", subcore_axis_name="s",
                                num_cores=NC, num_subcores=NS)

  @functools.partial(
      pl.kernel,
      mesh=mesh,
      out_type=jax.ShapeDtypeStruct((2 * N, H), jnp.float32),
      scratch_types=[
          pltpu.VMEM((CHUNKS // HALVES, K), jnp.int32),
          pltpu.VMEM((CHUNKS // HALVES, K), jnp.int32),
      ] + [pltpu.VMEM((K, H), jnp.float32)] * PIPE
      + [pltpu.VMEM_SHARED((ACC_ROWS, H), jnp.float32)]
      + [pltpu.SemaphoreType.DMA] * (2 * PIPE),
  )
  def k(h_hbm, src0_hbm, src1_hbm, dst_hbm, zeros_hbm, out_hbm,
        src_v, dst_v, *rest):
    rows = rest[:PIPE]
    acc = rest[PIPE]
    gsem = rest[PIPE + 1:2 * PIPE + 1]
    ssem = rest[2 * PIPE + 1:]
    cid = lax.axis_index("c")
    sid = lax.axis_index("s")
    hr = CHUNKS // HALVES

    pltpu.sync_copy(zeros_hbm.at[pl.ds(sid * ZERO_PER_TILE, ZERO_PER_TILE)],
                    acc.at[pl.ds(sid * ZERO_PER_TILE, ZERO_PER_TILE)])
    plsc.subcore_barrier()

    def gather(j, b):
      pltpu.async_copy(h_hbm.at[src_v.at[j]], rows[b], gsem[b])

    def wait_gather(j, b):
      pltpu.make_async_copy(h_hbm.at[src_v.at[j]], rows[b], gsem[b]).wait()

    def scatter(j, b):
      pltpu.async_copy(rows[b], acc.at[dst_v.at[j]], ssem[b], add=True)

    def wait_scatter(j, b):
      pltpu.make_async_copy(rows[b], acc.at[dst_v.at[j]], ssem[b]).wait()

    for half in range(HALVES):
      base = sid * CHUNKS + half * hr
      @pl.when(cid == 0)
      def _():
        pltpu.sync_copy(src0_hbm.at[pl.ds(base, hr)], src_v)

      @pl.when(cid != 0)
      def _():
        pltpu.sync_copy(src1_hbm.at[pl.ds(base, hr)], src_v)

      pltpu.sync_copy(dst_hbm.at[pl.ds(base, hr)], dst_v)

      gather(0, 0)

      def step(j, bcur, bnext):
        @pl.when(j >= 1)
        def _():
          wait_scatter(j - 1, bnext)

        @pl.when(j + 1 < hr)
        def _():
          gather(j + 1, bnext)

        wait_gather(j, bcur)
        scatter(j, bcur)

      def body(t, carry):
        step(2 * t, 0, 1)
        step(2 * t + 1, 1, 0)
        return carry

      lax.fori_loop(0, hr // 2, body, 0)
      wait_scatter(hr - 1, (hr - 1) % 2)
    plsc.subcore_barrier()

    @pl.when(sid < 10)
    def _():
      pltpu.sync_copy(
          acc.at[pl.ds(sid * OUT_PER_TILE, OUT_PER_TILE)],
          out_hbm.at[pl.ds(cid * N + sid * OUT_PER_TILE, OUT_PER_TILE)])

  return k(h_stacked, src0, src1, dst2, zeros)


RB = 2000
NB = N // RB
def _mm_h_kernel(x_ref, w_ref, o_ref):
  o_ref[...] = jnp.dot(x_ref[...], w_ref[...],
                       preferred_element_type=jnp.float32)


def _mm_h(x, w0):
  return pl.pallas_call(
      _mm_h_kernel,
      grid=(NC, NB),
      in_specs=[
          pl.BlockSpec((RB, D), lambda c, i: (i, 0)),
          pl.BlockSpec((D, H), lambda c, i: (0, c)),
      ],
      out_specs=pl.BlockSpec((RB, H), lambda c, i: (c * NB + i, 0)),
      out_shape=jax.ShapeDtypeStruct((2 * N, H), jnp.float32),
  )(x, w0)


def _combine_kernel(x_ref, ma_ref, mb_ref, wf_ref, wa_ref, wb_ref, o_ref):
  y = jnp.dot(x_ref[...], wf_ref[...], preferred_element_type=jnp.float32)
  y += jnp.dot(ma_ref[...], wa_ref[...], preferred_element_type=jnp.float32)
  y += jnp.dot(mb_ref[...], wb_ref[...], preferred_element_type=jnp.float32)
  mu = jnp.mean(y, axis=1, keepdims=True)
  d = y - mu
  var = jnp.mean(d * d, axis=1, keepdims=True)
  o_ref[...] = y * lax.rsqrt(var)


def _combine(x, msg, wf, w2b0, w2b1):
  return pl.pallas_call(
      _combine_kernel,
      grid=(NB,),
      in_specs=[
          pl.BlockSpec((RB, D), lambda i: (i, 0)),
          pl.BlockSpec((RB, H), lambda i: (i, 0)),
          pl.BlockSpec((RB, H), lambda i: (i + NB, 0)),
          pl.BlockSpec((D, D), lambda i: (0, 0)),
          pl.BlockSpec((H, D), lambda i: (0, 0)),
          pl.BlockSpec((H, D), lambda i: (0, 0)),
      ],
      out_specs=pl.BlockSpec((RB, D), lambda i: (i, 0)),
      out_shape=jax.ShapeDtypeStruct((N, D), jnp.float32),
  )(x, msg, msg, wf, w2b0, w2b1)


def _prep_kernel(w1_ref, w2_ref, o_ref):
  o_ref[0] = jnp.dot(w1_ref[0], w2_ref[0],
                     preferred_element_type=jnp.float32)


def _prep(w1, w2a):
  return pl.pallas_call(
      _prep_kernel,
      grid=(DEPTH,),
      in_specs=[
          pl.BlockSpec((1, D, D), lambda i: (i, 0, 0)),
          pl.BlockSpec((1, D, D), lambda i: (i, 0, 0)),
      ],
      out_specs=pl.BlockSpec((1, D, D), lambda i: (i, 0, 0)),
      out_shape=jax.ShapeDtypeStruct((DEPTH, D, D), jnp.float32),
  )(w1, w2a)


def kernel(x, edge_index, W0, W1, W2):
  src = edge_index[0].astype(jnp.int32)
  dst = edge_index[1].astype(jnp.int32)
  pad = EP - E
  pad_ar = jnp.arange(pad, dtype=jnp.int32)
  src_p = jnp.concatenate([src, (pad_ar * 61) % N])
  dst_p = jnp.concatenate([dst, N + pad_ar % (ACC_ROWS - N)])
  src0 = src_p.reshape(IDX_ROWS, K)
  src1 = src0 + N
  dst2 = dst_p.reshape(IDX_ROWS, K)
  zeros = jnp.zeros((ACC_ROWS, H), jnp.float32)

  wf = _prep(W1, W2[:, :D, :])
  w2b0 = W2[:, D:D + H, :]
  w2b1 = W2[:, D + H:, :]

  for i in range(DEPTH):
    h_stacked = _mm_h(x, W0[i])
    msg = _seg_sum_sc(h_stacked, src0, src1, dst2, zeros)
    x = _combine(x, msg, wf[i], w2b0[i], w2b1[i])
  return x

# --- scband reference (transcript-rebuilt; emitter-appended) ---
"""Pipeline reference for scband-pna-88802743812678 (READ-ONLY COPY).

The authoritative reference and input builder live on the scoring server;
editing this copy changes nothing except your own understanding.
"""

import jax, jax.numpy as jnp
import numpy as np

N_NODES = 10000
N_EDGES = 160000
D = 256
DEPTH = 3

def setup_inputs(seed: int = 0) -> dict:
    key = jax.random.key(seed)
    ks = jax.random.split(key, 6)
    x = jax.random.normal(ks[0], (N_NODES, D), dtype=jnp.float32)
    edge_index = jax.random.randint(ks[1], (2, N_EDGES), 0, N_NODES, dtype=jnp.int64)
    # learned parameters: per-depth linear layers
    # W0: pre-aggregation transform, W1: self transform, W2: combine after concat
    W0 = jax.random.normal(ks[2], (DEPTH, D, D), dtype=jnp.float32) * (1.0 / np.sqrt(D))
    W1 = jax.random.normal(ks[3], (DEPTH, D, D), dtype=jnp.float32) * (1.0 / np.sqrt(D))
    W2 = jax.random.normal(ks[4], (DEPTH, 2 * D, D), dtype=jnp.float32) * (1.0 / np.sqrt(2 * D))
    return {"x": x, "edge_index": edge_index, "W0": W0, "W1": W1, "W2": W2}

def reference(x, edge_index, W0, W1, W2):
    # Faithful translation of PNA.forward:
    #   for i in range(depth):
    #       x = L2( cat( L1(x), spmm(A, L0(x)) ) )
    #       x = x / std(x, -1, keepdim=True)
    # sparse adjacency matmul (binary adjacency -> sum aggregation) is
    # implemented as gather on src nodes + scatter-add (segment_sum) on dst nodes.
    src = edge_index[0]
    dst = edge_index[1]
    for i in range(DEPTH):
        h = x @ W0[i]                     # L0(x)
        msg = jax.ops.segment_sum(h[src], dst, num_segments=N_NODES)  # spmm(A, L0(x))
        self_h = x @ W1[i]                # L1(x)
        x = jnp.concatenate([self_h, msg], axis=-1) @ W2[i]           # L2(cat(...))
        x = x / jnp.std(x, axis=-1, keepdims=True)
    return x

if __name__ == "__main__":
    import jax
    _d = setup_inputs()
    print(jax.jit(kernel)(*tuple(_d.values())))

</pallas_src>

<mosaic_0001>
#map = affine_map<(d0, d1) -> (0, 0)>
module attributes {stable_mosaic.version = 14 : i64} {
  func.func @k(%arg0: i32, %arg1: i32, %arg2: memref<20000x128xf32, #tpu.memory_space<hbm>>, %arg3: memref<1280x128xi32, #tpu.memory_space<hbm>>, %arg4: memref<1280x128xi32, #tpu.memory_space<hbm>>, %arg5: memref<1280x128xi32, #tpu.memory_space<hbm>>, %arg6: memref<10240x128xf32, #tpu.memory_space<hbm>>, %arg7: memref<20000x128xf32, #tpu.memory_space<hbm>>, %arg8: memref<40x128xi32, #tpu.memory_space<vmem>>, %arg9: memref<40x128xi32, #tpu.memory_space<vmem>>, %arg10: memref<128x128xf32, #tpu.memory_space<vmem>>, %arg11: memref<128x128xf32, #tpu.memory_space<vmem>>, %arg12: memref<10240x128xf32, #tpu.memory_space<vmem_shared>>, %arg13: memref<!tpu.dma_semaphore, #tpu.memory_space<semaphore_mem>>, %arg14: memref<!tpu.dma_semaphore, #tpu.memory_space<semaphore_mem>>, %arg15: memref<!tpu.dma_semaphore, #tpu.memory_space<semaphore_mem>>, %arg16: memref<!tpu.dma_semaphore, #tpu.memory_space<semaphore_mem>>) attributes {dimension_semantics = [#tpu.dimension_semantics<core_parallel>, #tpu.dimension_semantics<subcore_parallel>], iteration_bounds = array<i64: 2, 16>, scalar_prefetch = 0 : i64, scratch_operands = 9 : i64, tpu.core_type = #tpu.core_type<sc_vector_subcore>, window_params = [{transform_indices = #map}, {transform_indices = #map}, {transform_indices = #map}, {transform_indices = #map}, {transform_indices = #map}, {transform_indices = #map}]} {
    %mul3A = arith.constant 640 : i32
    %mul3A_0 = arith.muli %arg1, %mul3A : i32
    %mul3A_1 = arith.constant 640 : i32
    %mul3A_2 = arith.muli %arg1, %mul3A_1 : i32
    "tpu.region"() ({
      %run_scoped3A = tpu.sem_alloc : memref<!tpu.dma_semaphore, #tpu.memory_space<semaphore_mem>>
      %dma_start3A_68 = arith.constant 0 : i32
      %dma_start3A_69 = tpu.memref_slice %arg12[%mul3A_2, %dma_start3A_68] : memref<10240x128xf32, #tpu.memory_space<vmem_shared>> -> memref<640x128xf32, #tpu.memory_space<vmem_shared>>
      %dma_start3A_70 = arith.constant 0 : i32
      %dma_start3A_71 = tpu.memref_slice %arg6[%mul3A_0, %dma_start3A_70] : memref<10240x128xf32, #tpu.memory_space<hbm>> -> memref<640x128xf32, #tpu.memory_space<hbm>>
      tpu.enqueue_dma source(%dma_start3A_71 : memref<640x128xf32, #tpu.memory_space<hbm>>) target(%dma_start3A_69 : memref<640x128xf32, #tpu.memory_space<vmem_shared>>) target_semaphore(%run_scoped3A : memref<!tpu.dma_semaphore, #tpu.memory_space<semaphore_mem>>)
      %dma_wait3A_72 = arith.constant 0 : i32
      %dma_wait3A_73 = tpu.memref_slice %arg12[%mul3A_2, %dma_wait3A_72] : memref<10240x128xf32, #tpu.memory_space<vmem_shared>> -> memref<640x128xf32, #tpu.memory_space<vmem_shared>>
      %dma_wait3A_74 = arith.constant 0 : i32
      %dma_wait3A_75 = tpu.memref_slice %arg6[%mul3A_0, %dma_wait3A_74] : memref<10240x128xf32, #tpu.memory_space<hbm>> -> memref<640x128xf32, #tpu.memory_space<hbm>>
      tpu.wait_dma2 semaphore(%run_scoped3A : memref<!tpu.dma_semaphore, #tpu.memory_space<semaphore_mem>>) src(%dma_wait3A_75 : memref<640x128xf32, #tpu.memory_space<hbm>>) dst(%dma_wait3A_73 : memref<640x128xf32, #tpu.memory_space<vmem_shared>>)
      tpu.yield
    }) : () -> ()
    %barrier3A = arith.constant 0 : index
    tpu.barrier barrier_id(%barrier3A)
    %mul3A_3 = arith.constant 80 : i32
    %mul3A_4 = arith.muli %arg1, %mul3A_3 : i32
    %add3A = arith.constant 0 : i32
    %add3A_5 = arith.addi %mul3A_4, %add3A : i32
    %eq3A = arith.constant 0 : i32
    %eq3A_6 = arith.cmpi eq, %arg0, %eq3A : i32
    %convert_element_type3A = arith.extui %eq3A_6 : i1 to i32
    %cond3A = arith.constant 0 : i32
    %cond3A_7 = arith.cmpi ne, %convert_element_type3A, %cond3A : i32
    scf.if %cond3A_7 {
      "tpu.region"() ({
        %run_scoped3A = tpu.sem_alloc : memref<!tpu.dma_semaphore, #tpu.memory_space<semaphore_mem>>
        %dma_start3A_68 = arith.constant 0 : i32
        %dma_start3A_69 = tpu.memref_slice %arg3[%add3A_5, %dma_start3A_68] : memref<1280x128xi32, #tpu.memory_space<hbm>> -> memref<40x128xi32, #tpu.memory_space<hbm>>
        %dma_start3A_70 = arith.constant 0 : i32
        %dma_start3A_71 = tpu.memref_slice %arg3[%add3A_5, %dma_start3A_70] : memref<1280x128xi32, #tpu.memory_space<hbm>> -> memref<40x128xi32, #tpu.memory_space<hbm>>
        tpu.enqueue_dma source(%dma_start3A_71 : memref<40x128xi32, #tpu.memory_space<hbm>>) target(%arg8 : memref<40x128xi32, #tpu.memory_space<vmem>>) target_semaphore(%run_scoped3A : memref<!tpu.dma_semaphore, #tpu.memory_space<semaphore_mem>>)
        %dma_wait3A_72 = arith.constant 0 : i32
        %dma_wait3A_73 = tpu.memref_slice %arg3[%add3A_5, %dma_wait3A_72] : memref<1280x128xi32, #tpu.memory_space<hbm>> -> memref<40x128xi32, #tpu.memory_space<hbm>>
        %dma_wait3A_74 = arith.constant 0 : i32
        %dma_wait3A_75 = tpu.memref_slice %arg3[%add3A_5, %dma_wait3A_74] : memref<1280x128xi32, #tpu.memory_space<hbm>> -> memref<40x128xi32, #tpu.memory_space<hbm>>
        tpu.wait_dma2 semaphore(%run_scoped3A : memref<!tpu.dma_semaphore, #tpu.memory_space<semaphore_mem>>) src(%dma_wait3A_75 : memref<40x128xi32, #tpu.memory_space<hbm>>) dst(%arg8 : memref<40x128xi32, #tpu.memory_space<vmem>>)
        tpu.yield
      }) : () -> ()
    } else {
    }
    %ne3A = arith.constant 0 : i32
    %ne3A_8 = arith.cmpi ne, %arg0, %ne3A : i32
    %convert_element_type3A_9 = arith.extui %ne3A_8 : i1 to i32
    %cond3A_10 = arith.constant 0 : i32
    %cond3A_11 = arith.cmpi ne, %convert_element_type3A_9, %cond3A_10 : i32
    scf.if %cond3A_11 {
      "tpu.region"() ({
        %run_scoped3A = tpu.sem_alloc : memref<!tpu.dma_semaphore, #tpu.memory_space<semaphore_mem>>
        %dma_start3A_68 = arith.constant 0 : i32
        %dma_start3A_69 = tpu.memref_slice %arg4[%add3A_5, %dma_start3A_68] : memref<1280x128xi32, #tpu.memory_space<hbm>> -> memref<40x128xi32, #tpu.memory_space<hbm>>
        %dma_start3A_70 = arith.constant 0 : i32
        %dma_start3A_71 = tpu.memref_slice %arg4[%add3A_5, %dma_start3A_70] : memref<1280x128xi32, #tpu.memory_space<hbm>> -> memref<40x128xi32, #tpu.memory_space<hbm>>
        tpu.enqueue_dma source(%dma_start3A_71 : memref<40x128xi32, #tpu.memory_space<hbm>>) target(%arg8 : memref<40x128xi32, #tpu.memory_space<vmem>>) target_semaphore(%run_scoped3A : memref<!tpu.dma_semaphore, #tpu.memory_space<semaphore_mem>>)
        %dma_wait3A_72 = arith.constant 0 : i32
        %dma_wait3A_73 = tpu.memref_slice %arg4[%add3A_5, %dma_wait3A_72] : memref<1280x128xi32, #tpu.memory_space<hbm>> -> memref<40x128xi32, #tpu.memory_space<hbm>>
        %dma_wait3A_74 = arith.constant 0 : i32
        %dma_wait3A_75 = tpu.memref_slice %arg4[%add3A_5, %dma_wait3A_74] : memref<1280x128xi32, #tpu.memory_space<hbm>> -> memref<40x128xi32, #tpu.memory_space<hbm>>
        tpu.wait_dma2 semaphore(%run_scoped3A : memref<!tpu.dma_semaphore, #tpu.memory_space<semaphore_mem>>) src(%dma_wait3A_75 : memref<40x128xi32, #tpu.memory_space<hbm>>) dst(%arg8 : memref<40x128xi32, #tpu.memory_space<vmem>>)
        tpu.yield
      }) : () -> ()
    } else {
    }
    "tpu.region"() ({
      %run_scoped3A = tpu.sem_alloc : memref<!tpu.dma_semaphore, #tpu.memory_space<semaphore_mem>>
      %dma_start3A_68 = arith.constant 0 : i32
      %dma_start3A_69 = tpu.memref_slice %arg5[%add3A_5, %dma_start3A_68] : memref<1280x128xi32, #tpu.memory_space<hbm>> -> memref<40x128xi32, #tpu.memory_space<hbm>>
      %dma_start3A_70 = arith.constant 0 : i32
      %dma_start3A_71 = tpu.memref_slice %arg5[%add3A_5, %dma_start3A_70] : memref<1280x128xi32, #tpu.memory_space<hbm>> -> memref<40x128xi32, #tpu.memory_space<hbm>>
      tpu.enqueue_dma source(%dma_start3A_71 : memref<40x128xi32, #tpu.memory_space<hbm>>) target(%arg9 : memref<40x128xi32, #tpu.memory_space<vmem>>) target_semaphore(%run_scoped3A : memref<!tpu.dma_semaphore, #tpu.memory_space<semaphore_mem>>)
      %dma_wait3A_72 = arith.constant 0 : i32
      %dma_wait3A_73 = tpu.memref_slice %arg5[%add3A_5, %dma_wait3A_72] : memref<1280x128xi32, #tpu.memory_space<hbm>> -> memref<40x128xi32, #tpu.memory_space<hbm>>
      %dma_wait3A_74 = arith.constant 0 : i32
      %dma_wait3A_75 = tpu.memref_slice %arg5[%add3A_5, %dma_wait3A_74] : memref<1280x128xi32, #tpu.memory_space<hbm>> -> memref<40x128xi32, #tpu.memory_space<hbm>>
      tpu.wait_dma2 semaphore(%run_scoped3A : memref<!tpu.dma_semaphore, #tpu.memory_space<semaphore_mem>>) src(%dma_wait3A_75 : memref<40x128xi32, #tpu.memory_space<hbm>>) dst(%arg9 : memref<40x128xi32, #tpu.memory_space<vmem>>)
      tpu.yield
    }) : () -> ()
    %dma_start3A = arith.constant 0 : i32
    %dma_start3A_12 = arith.constant 0 : i32
    %dma_start3A_13 = tpu.memref_slice %arg8[%dma_start3A, %dma_start3A_12] : memref<40x128xi32, #tpu.memory_space<vmem>> -> memref<1x128xi32, #tpu.memory_space<vmem>>
    %dma_start3A_14 = tpu.memref_squeeze %dma_start3A_13 : memref<1x128xi32, #tpu.memory_space<vmem>> -> memref<128xi32, #tpu.memory_space<vmem>>
    %dma_start3A_15 = arith.constant 0 : i32
    %dma_start3A_16 = arith.constant 0 : i32
    %dma_start3A_17 = tpu.memref_slice %arg2[%dma_start3A_15, %dma_start3A_16] : memref<20000x128xf32, #tpu.memory_space<hbm>> -> memref<20000x128xf32, #tpu.memory_space<hbm>>
    tpu.enqueue_indirect_dma source(%dma_start3A_17 : memref<20000x128xf32, #tpu.memory_space<hbm>>) target(%arg10 : memref<128x128xf32, #tpu.memory_space<vmem>>) offsets(%dma_start3A_14 : memref<128xi32, #tpu.memory_space<vmem>>) semaphore(%arg13 : memref<!tpu.dma_semaphore, #tpu.memory_space<semaphore_mem>>)
    %scan3A = arith.constant 0 : i32
    %scan3A_18 = arith.constant 0 : i32
    %scan3A_19 = arith.constant 20 : i32
    %scan3A_20 = arith.addi %scan3A_18, %scan3A_19 : i32
    %scan3A_21 = arith.constant 1 : i32
    scf.for %scan3A_68 = %scan3A_18 to %scan3A_20 step %scan3A_21  : i32 {
      %mul3A_69 = arith.constant 2 : i32
      %mul3A_70 = arith.muli %mul3A_69, %scan3A_68 : i32
      %ge3A = arith.constant 1 : i32
      %ge3A_71 = arith.cmpi sge, %mul3A_70, %ge3A : i32
      %convert_element_type3A_72 = arith.extui %ge3A_71 : i1 to i32
      %cond3A_73 = arith.constant 0 : i32
      %cond3A_74 = arith.cmpi ne, %convert_element_type3A_72, %cond3A_73 : i32
      scf.if %cond3A_74 {
        %sub3A = arith.constant 1 : i32
        %sub3A_122 = arith.subi %mul3A_70, %sub3A : i32
        %dma_wait3A_123 = arith.constant 0 : i32
        %dma_wait3A_124 = tpu.memref_slice %arg9[%sub3A_122, %dma_wait3A_123] : memref<40x128xi32, #tpu.memory_space<vmem>> -> memref<1x128xi32, #tpu.memory_space<vmem>>
        %dma_wait3A_125 = tpu.memref_squeeze %dma_wait3A_124 : memref<1x128xi32, #tpu.memory_space<vmem>> -> memref<128xi32, #tpu.memory_space<vmem>>
        %dma_wait3A_126 = arith.constant 0 : i32
        %dma_wait3A_127 = arith.constant 0 : i32
        %dma_wait3A_128 = tpu.memref_slice %arg12[%dma_wait3A_126, %dma_wait3A_127] : memref<10240x128xf32, #tpu.memory_space<vmem_shared>> -> memref<10240x128xf32, #tpu.memory_space<vmem_shared>>
        tpu.wait_indirect_dma semaphore(%arg16 : memref<!tpu.dma_semaphore, #tpu.memory_space<semaphore_mem>>) src(%arg11 : memref<128x128xf32, #tpu.memory_space<vmem>>) dst(%dma_wait3A_128 : memref<10240x128xf32, #tpu.memory_space<vmem_shared>>)
      } else {
      }
      %add3A_75 = arith.constant 1 : i32
      %add3A_76 = arith.addi %mul3A_70, %add3A_75 : i32
      %lt3A_77 = arith.constant 40 : i32
      %lt3A_78 = arith.cmpi slt, %add3A_76, %lt3A_77 : i32
      %convert_element_type3A_79 = arith.extui %lt3A_78 : i1 to i32
      %cond3A_80 = arith.constant 0 : i32
      %cond3A_81 = arith.cmpi ne, %convert_element_type3A_79, %cond3A_80 : i32
      scf.if %cond3A_81 {
        %add3A_122 = arith.constant 1 : i32
        %add3A_123 = arith.addi %mul3A_70, %add3A_122 : i32
        %dma_start3A_124 = arith.constant 0 : i32
        %dma_start3A_125 = tpu.memref_slice %arg8[%add3A_123, %dma_start3A_124] : memref<40x128xi32, #tpu.memory_space<vmem>> -> memref<1x128xi32, #tpu.memory_space<vmem>>
        %dma_start3A_126 = tpu.memref_squeeze %dma_start3A_125 : memref<1x128xi32, #tpu.memory_space<vmem>> -> memref<128xi32, #tpu.memory_space<vmem>>
        %dma_start3A_127 = arith.constant 0 : i32
        %dma_start3A_128 = arith.constant 0 : i32
        %dma_start3A_129 = tpu.memref_slice %arg2[%dma_start3A_127, %dma_start3A_128] : memref<20000x128xf32, #tpu.memory_space<hbm>> -> memref<20000x128xf32, #tpu.memory_space<hbm>>
        tpu.enqueue_indirect_dma source(%dma_start3A_129 : memref<20000x128xf32, #tpu.memory_space<hbm>>) target(%arg11 : memref<128x128xf32, #tpu.memory_space<vmem>>) offsets(%dma_start3A_126 : memref<128xi32, #tpu.memory_space<vmem>>) semaphore(%arg14 : memref<!tpu.dma_semaphore, #tpu.memory_space<semaphore_mem>>)
      } else {
      }
      %dma_wait3A_82 = arith.constant 0 : i32
      %dma_wait3A_83 = tpu.memref_slice %arg8[%mul3A_70, %dma_wait3A_82] : memref<40x128xi32, #tpu.memory_space<vmem>> -> memref<1x128xi32, #tpu.memory_space<vmem>>
      %dma_wait3A_84 = tpu.memref_squeeze %dma_wait3A_83 : memref<1x128xi32, #tpu.memory_space<vmem>> -> memref<128xi32, #tpu.memory_space<vmem>>
      %dma_wait3A_85 = arith.constant 0 : i32
      %dma_wait3A_86 = arith.constant 0 : i32
      %dma_wait3A_87 = tpu.memref_slice %arg2[%dma_wait3A_85, %dma_wait3A_86] : memref<20000x128xf32, #tpu.memory_space<hbm>> -> memref<20000x128xf32, #tpu.memory_space<hbm>>
      tpu.wait_indirect_dma semaphore(%arg13 : memref<!tpu.dma_semaphore, #tpu.memory_space<semaphore_mem>>) src(%dma_wait3A_87 : memref<20000x128xf32, #tpu.memory_space<hbm>>) dst(%arg10 : memref<128x128xf32, #tpu.memory_space<vmem>>)
      %dma_start3A_88 = arith.constant 0 : i32
      %dma_start3A_89 = tpu.memref_slice %arg9[%mul3A_70, %dma_start3A_88] : memref<40x128xi32, #tpu.memory_space<vmem>> -> memref<1x128xi32, #tpu.memory_space<vmem>>
      %dma_start3A_90 = tpu.memref_squeeze %dma_start3A_89 : memref<1x128xi32, #tpu.memory_space<vmem>> -> memref<128xi32, #tpu.memory_space<vmem>>
      %dma_start3A_91 = arith.constant 0 : i32
      %dma_start3A_92 = arith.constant 0 : i32
      %dma_start3A_93 = tpu.memref_slice %arg12[%dma_start3A_91, %dma_start3A_92] : memref<10240x128xf32, #tpu.memory_space<vmem_shared>> -> memref<10240x128xf32, #tpu.memory_space<vmem_shared>>
      tpu.enqueue_indirect_dma source(%arg10 : memref<128x128xf32, #tpu.memory_space<vmem>>) target(%dma_start3A_93 : memref<10240x128xf32, #tpu.memory_space<vmem_shared>>) offsets(%dma_start3A_90 : memref<128xi32, #tpu.memory_space<vmem>>) semaphore(%arg15 : memref<!tpu.dma_semaphore, #tpu.memory_space<semaphore_mem>>) {add = true}
      %mul3A_94 = arith.constant 2 : i32
      %mul3A_95 = arith.muli %mul3A_94, %scan3A_68 : i32
      %add3A_96 = arith.constant 1 : i32
      %add3A_97 = arith.addi %mul3A_95, %add3A_96 : i32
      %ge3A_98 = arith.constant 1 : i32
      %ge3A_99 = arith.cmpi sge, %add3A_97, %ge3A_98 : i32
      %convert_element_type3A_100 = arith.extui %ge3A_99 : i1 to i32
      %cond3A_101 = arith.constant 0 : i32
      %cond3A_102 = arith.cmpi ne, %convert_element_type3A_100, %cond3A_101 : i32
      scf.if %cond3A_102 {
        %sub3A = arith.constant 1 : i32
        %sub3A_122 = arith.subi %add3A_97, %sub3A : i32
        %dma_wait3A_123 = arith.constant 0 : i32
        %dma_wait3A_124 = tpu.memref_slice %arg9[%sub3A_122, %dma_wait3A_123] : memref<40x128xi32, #tpu.memory_space<vmem>> -> memref<1x128xi32, #tpu.memory_space<vmem>>
        %dma_wait3A_125 = tpu.memref_squeeze %dma_wait3A_124 : memref<1x128xi32, #tpu.memory_space<vmem>> -> memref<128xi32, #tpu.memory_space<vmem>>
        %dma_wait3A_126 = arith.constant 0 : i32
        %dma_wait3A_127 = arith.constant 0 : i32
        %dma_wait3A_128 = tpu.memref_slice %arg12[%dma_wait3A_126, %dma_wait3A_127] : memref<10240x128xf32, #tpu.memory_space<vmem_shared>> -> memref<10240x128xf32, #tpu.memory_space<vmem_shared>>
        tpu.wait_indirect_dma semaphore(%arg15 : memref<!tpu.dma_semaphore, #tpu.memory_space<semaphore_mem>>) src(%arg10 : memref<128x128xf32, #tpu.memory_space<vmem>>) dst(%dma_wait3A_128 : memref<10240x128xf32, #tpu.memory_space<vmem_shared>>)
      } else {
      }
      %add3A_103 = arith.constant 1 : i32
      %add3A_104 = arith.addi %add3A_97, %add3A_103 : i32
      %lt3A_105 = arith.constant 40 : i32
      %lt3A_106 = arith.cmpi slt, %add3A_104, %lt3A_105 : i32
      %convert_element_type3A_107 = arith.extui %lt3A_106 : i1 to i32
      %cond3A_108 = arith.constant 0 : i32
      %cond3A_109 = arith.cmpi ne, %convert_element_type3A_107, %cond3A_108 : i32
      scf.if %cond3A_109 {
        %add3A_122 = arith.constant 1 : i32
        %add3A_123 = arith.addi %add3A_97, %add3A_122 : i32
        %dma_start3A_124 = arith.constant 0 : i32
        %dma_start3A_125 = tpu.memref_slice %arg8[%add3A_123, %dma_start3A_124] : memref<40x128xi32, #tpu.memory_space<vmem>> -> memref<1x128xi32, #tpu.memory_space<vmem>>
        %dma_start3A_126 = tpu.memref_squeeze %dma_start3A_125 : memref<1x128xi32, #tpu.memory_space<vmem>> -> memref<128xi32, #tpu.memory_space<vmem>>
        %dma_start3A_127 = arith.constant 0 : i32
        %dma_start3A_128 = arith.constant 0 : i32
        %dma_start3A_129 = tpu.memref_slice %arg2[%dma_start3A_127, %dma_start3A_128] : memref<20000x128xf32, #tpu.memory_space<hbm>> -> memref<20000x128xf32, #tpu.memory_space<hbm>>
        tpu.enqueue_indirect_dma source(%dma_start3A_129 : memref<20000x128xf32, #tpu.memory_space<hbm>>) target(%arg10 : memref<128x128xf32, #tpu.memory_space<vmem>>) offsets(%dma_start3A_126 : memref<128xi32, #tpu.memory_space<vmem>>) semaphore(%arg13 : memref<!tpu.dma_semaphore, #tpu.memory_space<semaphore_mem>>)
      } else {
      }
      %dma_wait3A_110 = arith.constant 0 : i32
      %dma_wait3A_111 = tpu.memref_slice %arg8[%add3A_97, %dma_wait3A_110] : memref<40x128xi32, #tpu.memory_space<vmem>> -> memref<1x128xi32, #tpu.memory_space<vmem>>
      %dma_wait3A_112 = tpu.memref_squeeze %dma_wait3A_111 : memref<1x128xi32, #tpu.memory_space<vmem>> -> memref<128xi32, #tpu.memory_space<vmem>>
      %dma_wait3A_113 = arith.constant 0 : i32
      %dma_wait3A_114 = arith.constant 0 : i32
      %dma_wait3A_115 = tpu.memref_slice %arg2[%dma_wait3A_113, %dma_wait3A_114] : memref<20000x128xf32, #tpu.memory_space<hbm>> -> memref<20000x128xf32, #tpu.memory_space<hbm>>
      tpu.wait_indirect_dma semaphore(%arg14 : memref<!tpu.dma_semaphore, #tpu.memory_space<semaphore_mem>>) src(%dma_wait3A_115 : memref<20000x128xf32, #tpu.memory_space<hbm>>) dst(%arg11 : memref<128x128xf32, #tpu.memory_space<vmem>>)
      %dma_start3A_116 = arith.constant 0 : i32
      %dma_start3A_117 = tpu.memref_slice %arg9[%add3A_97, %dma_start3A_116] : memref<40x128xi32, #tpu.memory_space<vmem>> -> memref<1x128xi32, #tpu.memory_space<vmem>>
      %dma_start3A_118 = tpu.memref_squeeze %dma_start3A_117 : memref<1x128xi32, #tpu.memory_space<vmem>> -> memref<128xi32, #tpu.memory_space<vmem>>
      %dma_start3A_119 = arith.constant 0 : i32
      %dma_start3A_120 = arith.constant 0 : i32
      %dma_start3A_121 = tpu.memref_slice %arg12[%dma_start3A_119, %dma_start3A_120] : memref<10240x128xf32, #tpu.memory_space<vmem_shared>> -> memref<10240x128xf32, #tpu.memory_space<vmem_shared>>
      tpu.enqueue_indirect_dma source(%arg11 : memref<128x128xf32, #tpu.memory_space<vmem>>) target(%dma_start3A_121 : memref<10240x128xf32, #tpu.memory_space<vmem_shared>>) offsets(%dma_start3A_118 : memref<128xi32, #tpu.memory_space<vmem>>) semaphore(%arg16 : memref<!tpu.dma_semaphore, #tpu.memory_space<semaphore_mem>>) {add = true}
    }
    %scan3A_22 = arith.constant 20 : i32
    %dma_wait3A = arith.constant 39 : i32
    %dma_wait3A_23 = arith.constant 0 : i32
    %dma_wait3A_24 = tpu.memref_slice %arg9[%dma_wait3A, %dma_wait3A_23] : memref<40x128xi32, #tpu.memory_space<vmem>> -> memref<1x128xi32, #tpu.memory_space<vmem>>
    %dma_wait3A_25 = tpu.memref_squeeze %dma_wait3A_24 : memref<1x128xi32, #tpu.memory_space<vmem>> -> memref<128xi32, #tpu.memory_space<vmem>>
    %dma_wait3A_26 = arith.constant 0 : i32
    %dma_wait3A_27 = arith.constant 0 : i32
    %dma_wait3A_28 = tpu.memref_slice %arg12[%dma_wait3A_26, %dma_wait3A_27] : memref<10240x128xf32, #tpu.memory_space<vmem_shared>> -> memref<10240x128xf32, #tpu.memory_space<vmem_shared>>
    tpu.wait_indirect_dma semaphore(%arg16 : memref<!tpu.dma_semaphore, #tpu.memory_space<semaphore_mem>>) src(%arg11 : memref<128x128xf32, #tpu.memory_space<vmem>>) dst(%dma_wait3A_28 : memref<10240x128xf32, #tpu.memory_space<vmem_shared>>)
    %mul3A_29 = arith.constant 80 : i32
    %mul3A_30 = arith.muli %arg1, %mul3A_29 : i32
    %add3A_31 = arith.constant 40 : i32
    %add3A_32 = arith.addi %mul3A_30, %add3A_31 : i32
    %eq3A_33 = arith.constant 0 : i32
    %eq3A_34 = arith.cmpi eq, %arg0, %eq3A_33 : i32
    %convert_element_type3A_35 = arith.extui %eq3A_34 : i1 to i32
    %cond3A_36 = arith.constant 0 : i32
    %cond3A_37 = arith.cmpi ne, %convert_element_type3A_35, %cond3A_36 : i32
    scf.if %cond3A_37 {
      "tpu.region"() ({
        %run_scoped3A = tpu.sem_alloc : memref<!tpu.dma_semaphore, #tpu.memory_space<semaphore_mem>>
        %dma_start3A_68 = arith.constant 0 : i32
        %dma_start3A_69 = tpu.memref_slice %arg3[%add3A_32, %dma_start3A_68] : memref<1280x128xi32, #tpu.memory_space<hbm>> -> memref<40x128xi32, #tpu.memory_space<hbm>>
        %dma_start3A_70 = arith.constant 0 : i32
        %dma_start3A_71 = tpu.memref_slice %arg3[%add3A_32, %dma_start3A_70] : memref<1280x128xi32, #tpu.memory_space<hbm>> -> memref<40x128xi32, #tpu.memory_space<hbm>>
        tpu.enqueue_dma source(%dma_start3A_71 : memref<40x128xi32, #tpu.memory_space<hbm>>) target(%arg8 : memref<40x128xi32, #tpu.memory_space<vmem>>) target_semaphore(%run_scoped3A : memref<!tpu.dma_semaphore, #tpu.memory_space<semaphore_mem>>)
        %dma_wait3A_72 = arith.constant 0 : i32
        %dma_wait3A_73 = tpu.memref_slice %arg3[%add3A_32, %dma_wait3A_72] : memref<1280x128xi32, #tpu.memory_space<hbm>> -> memref<40x128xi32, #tpu.memory_space<hbm>>
        %dma_wait3A_74 = arith.constant 0 : i32
        %dma_wait3A_75 = tpu.memref_slice %arg3[%add3A_32, %dma_wait3A_74] : memref<1280x128xi32, #tpu.memory_space<hbm>> -> memref<40x128xi32, #tpu.memory_space<hbm>>
        tpu.wait_dma2 semaphore(%run_scoped3A : memref<!tpu.dma_semaphore, #tpu.memory_space<semaphore_mem>>) src(%dma_wait3A_75 : memref<40x128xi32, #tpu.memory_space<hbm>>) dst(%arg8 : memref<40x128xi32, #tpu.memory_space<vmem>>)
        tpu.yield
      }) : () -> ()
    } else {
    }
    %ne3A_38 = arith.constant 0 : i32
    %ne3A_39 = arith.cmpi ne, %arg0, %ne3A_38 : i32
    %convert_element_type3A_40 = arith.extui %ne3A_39 : i1 to i32
    %cond3A_41 = arith.constant 0 : i32
    %cond3A_42 = arith.cmpi ne, %convert_element_type3A_40, %cond3A_41 : i32
    scf.if %cond3A_42 {
      "tpu.region"() ({
        %run_scoped3A = tpu.sem_alloc : memref<!tpu.dma_semaphore, #tpu.memory_space<semaphore_mem>>
        %dma_start3A_68 = arith.constant 0 : i32
        %dma_start3A_69 = tpu.memref_slice %arg4[%add3A_32, %dma_start3A_68] : memref<1280x128xi32, #tpu.memory_space<hbm>> -> memref<40x128xi32, #tpu.memory_space<hbm>>
        %dma_start3A_70 = arith.constant 0 : i32
        %dma_start3A_71 = tpu.memref_slice %arg4[%add3A_32, %dma_start3A_70] : memref<1280x128xi32, #tpu.memory_space<hbm>> -> memref<40x128xi32, #tpu.memory_space<hbm>>
        tpu.enqueue_dma source(%dma_start3A_71 : memref<40x128xi32, #tpu.memory_space<hbm>>) target(%arg8 : memref<40x128xi32, #tpu.memory_space<vmem>>) target_semaphore(%run_scoped3A : memref<!tpu.dma_semaphore, #tpu.memory_space<semaphore_mem>>)
        %dma_wait3A_72 = arith.constant 0 : i32
        %dma_wait3A_73 = tpu.memref_slice %arg4[%add3A_32, %dma_wait3A_72] : memref<1280x128xi32, #tpu.memory_space<hbm>> -> memref<40x128xi32, #tpu.memory_space<hbm>>
        %dma_wait3A_74 = arith.constant 0 : i32
        %dma_wait3A_75 = tpu.memref_slice %arg4[%add3A_32, %dma_wait3A_74] : memref<1280x128xi32, #tpu.memory_space<hbm>> -> memref<40x128xi32, #tpu.memory_space<hbm>>
        tpu.wait_dma2 semaphore(%run_scoped3A : memref<!tpu.dma_semaphore, #tpu.memory_space<semaphore_mem>>) src(%dma_wait3A_75 : memref<40x128xi32, #tpu.memory_space<hbm>>) dst(%arg8 : memref<40x128xi32, #tpu.memory_space<vmem>>)
        tpu.yield
      }) : () -> ()
    } else {
    }
    "tpu.region"() ({
      %run_scoped3A = tpu.sem_alloc : memref<!tpu.dma_semaphore, #tpu.memory_space<semaphore_mem>>
      %dma_start3A_68 = arith.constant 0 : i32
      %dma_start3A_69 = tpu.memref_slice %arg5[%add3A_32, %dma_start3A_68] : memref<1280x128xi32, #tpu.memory_space<hbm>> -> memref<40x128xi32, #tpu.memory_space<hbm>>
      %dma_start3A_70 = arith.constant 0 : i32
      %dma_start3A_71 = tpu.memref_slice %arg5[%add3A_32, %dma_start3A_70] : memref<1280x128xi32, #tpu.memory_space<hbm>> -> memref<40x128xi32, #tpu.memory_space<hbm>>
      tpu.enqueue_dma source(%dma_start3A_71 : memref<40x128xi32, #tpu.memory_space<hbm>>) target(%arg9 : memref<40x128xi32, #tpu.memory_space<vmem>>) target_semaphore(%run_scoped3A : memref<!tpu.dma_semaphore, #tpu.memory_space<semaphore_mem>>)
      %dma_wait3A_72 = arith.constant 0 : i32
      %dma_wait3A_73 = tpu.memref_slice %arg5[%add3A_32, %dma_wait3A_72] : memref<1280x128xi32, #tpu.memory_space<hbm>> -> memref<40x128xi32, #tpu.memory_space<hbm>>
      %dma_wait3A_74 = arith.constant 0 : i32
      %dma_wait3A_75 = tpu.memref_slice %arg5[%add3A_32, %dma_wait3A_74] : memref<1280x128xi32, #tpu.memory_space<hbm>> -> memref<40x128xi32, #tpu.memory_space<hbm>>
      tpu.wait_dma2 semaphore(%run_scoped3A : memref<!tpu.dma_semaphore, #tpu.memory_space<semaphore_mem>>) src(%dma_wait3A_75 : memref<40x128xi32, #tpu.memory_space<hbm>>) dst(%arg9 : memref<40x128xi32, #tpu.memory_space<vmem>>)
      tpu.yield
    }) : () -> ()
    %dma_start3A_43 = arith.constant 0 : i32
    %dma_start3A_44 = arith.constant 0 : i32
    %dma_start3A_45 = tpu.memref_slice %arg8[%dma_start3A_43, %dma_start3A_44] : memref<40x128xi32, #tpu.memory_space<vmem>> -> memref<1x128xi32, #tpu.memory_space<vmem>>
    %dma_start3A_46 = tpu.memref_squeeze %dma_start3A_45 : memref<1x128xi32, #tpu.memory_space<vmem>> -> memref<128xi32, #tpu.memory_space<vmem>>
    %dma_start3A_47 = arith.constant 0 : i32
    %dma_start3A_48 = arith.constant 0 : i32
    %dma_start3A_49 = tpu.memref_slice %arg2[%dma_start3A_47, %dma_start3A_48] : memref<20000x128xf32, #tpu.memory_space<hbm>> -> memref<20000x128xf32, #tpu.memory_space<hbm>>
    tpu.enqueue_indirect_dma source(%dma_start3A_49 : memref<20000x128xf32, #tpu.memory_space<hbm>>) target(%arg10 : memref<128x128xf32, #tpu.memory_space<vmem>>) offsets(%dma_start3A_46 : memref<128xi32, #tpu.memory_space<vmem>>) semaphore(%arg13 : memref<!tpu.dma_semaphore, #tpu.memory_space<semaphore_mem>>)
    %scan3A_50 = arith.constant 0 : i32
    %scan3A_51 = arith.constant 0 : i32
    %scan3A_52 = arith.constant 20 : i32
    %scan3A_53 = arith.addi %scan3A_51, %scan3A_52 : i32
    %scan3A_54 = arith.constant 1 : i32
    scf.for %scan3A_68 = %scan3A_51 to %scan3A_53 step %scan3A_54  : i32 {
      %mul3A_69 = arith.constant 2 : i32
      %mul3A_70 = arith.muli %mul3A_69, %scan3A_68 : i32
      %ge3A = arith.constant 1 : i32
      %ge3A_71 = arith.cmpi sge, %mul3A_70, %ge3A : i32
      %convert_element_type3A_72 = arith.extui %ge3A_71 : i1 to i32
      %cond3A_73 = arith.constant 0 : i32
      %cond3A_74 = arith.cmpi ne, %convert_element_type3A_72, %cond3A_73 : i32
      scf.if %cond3A_74 {
        %sub3A = arith.constant 1 : i32
        %sub3A_122 = arith.subi %mul3A_70, %sub3A : i32
        %dma_wait3A_123 = arith.constant 0 : i32
        %dma_wait3A_124 = tpu.memref_slice %arg9[%sub3A_122, %dma_wait3A_123] : memref<40x128xi32, #tpu.memory_space<vmem>> -> memref<1x128xi32, #tpu.memory_space<vmem>>
        %dma_wait3A_125 = tpu.memref_squeeze %dma_wait3A_124 : memref<1x128xi32, #tpu.memory_space<vmem>> -> memref<128xi32, #tpu.memory_space<vmem>>
        %dma_wait3A_126 = arith.constant 0 : i32
        %dma_wait3A_127 = arith.constant 0 : i32
        %dma_wait3A_128 = tpu.memref_slice %arg12[%dma_wait3A_126, %dma_wait3A_127] : memref<10240x128xf32, #tpu.memory_space<vmem_shared>> -> memref<10240x128xf32, #tpu.memory_space<vmem_shared>>
        tpu.wait_indirect_dma semaphore(%arg16 : memref<!tpu.dma_semaphore, #tpu.memory_space<semaphore_mem>>) src(%arg11 : memref<128x128xf32, #tpu.memory_space<vmem>>) dst(%dma_wait3A_128 : memref<10240x128xf32, #tpu.memory_space<vmem_shared>>)
      } else {
      }
      %add3A_75 = arith.constant 1 : i32
      %add3A_76 = arith.addi %mul3A_70, %add3A_75 : i32
      %lt3A_77 = arith.constant 40 : i32
      %lt3A_78 = arith.cmpi slt, %add3A_76, %lt3A_77 : i32
      %convert_element_type3A_79 = arith.extui %lt3A_78 : i1 to i32
      %cond3A_80 = arith.constant 0 : i32
      %cond3A_81 = arith.cmpi ne, %convert_element_type3A_79, %cond3A_80 : i32
      scf.if %cond3A_81 {
        %add3A_122 = arith.constant 1 : i32
        %add3A_123 = arith.addi %mul3A_70, %add3A_122 : i32
        %dma_start3A_124 = arith.constant 0 : i32
        %dma_start3A_125 = tpu.memref_slice %arg8[%add3A_123, %dma_start3A_124] : memref<40x128xi32, #tpu.memory_space<vmem>> -> memref<1x128xi32, #tpu.memory_space<vmem>>
        %dma_start3A_126 = tpu.memref_squeeze %dma_start3A_125 : memref<1x128xi32, #tpu.memory_space<vmem>> -> memref<128xi32, #tpu.memory_space<vmem>>
        %dma_start3A_127 = arith.constant 0 : i32
        %dma_start3A_128 = arith.constant 0 : i32
        %dma_start3A_129 = tpu.memref_slice %arg2[%dma_start3A_127, %dma_start3A_128] : memref<20000x128xf32, #tpu.memory_space<hbm>> -> memref<20000x128xf32, #tpu.memory_space<hbm>>
        tpu.enqueue_indirect_dma source(%dma_start3A_129 : memref<20000x128xf32, #tpu.memory_space<hbm>>) target(%arg11 : memref<128x128xf32, #tpu.memory_space<vmem>>) offsets(%dma_start3A_126 : memref<128xi32, #tpu.memory_space<vmem>>) semaphore(%arg14 : memref<!tpu.dma_semaphore, #tpu.memory_space<semaphore_mem>>)
      } else {
      }
      %dma_wait3A_82 = arith.constant 0 : i32
      %dma_wait3A_83 = tpu.memref_slice %arg8[%mul3A_70, %dma_wait3A_82] : memref<40x128xi32, #tpu.memory_space<vmem>> -> memref<1x128xi32, #tpu.memory_space<vmem>>
      %dma_wait3A_84 = tpu.memref_squeeze %dma_wait3A_83 : memref<1x128xi32, #tpu.memory_space<vmem>> -> memref<128xi32, #tpu.memory_space<vmem>>
      %dma_wait3A_85 = arith.constant 0 : i32
      %dma_wait3A_86 = arith.constant 0 : i32
      %dma_wait3A_87 = tpu.memref_slice %arg2[%dma_wait3A_85, %dma_wait3A_86] : memref<20000x128xf32, #tpu.memory_space<hbm>> -> memref<20000x128xf32, #tpu.memory_space<hbm>>
      tpu.wait_indirect_dma semaphore(%arg13 : memref<!tpu.dma_semaphore, #tpu.memory_space<semaphore_mem>>) src(%dma_wait3A_87 : memref<20000x128xf32, #tpu.memory_space<hbm>>) dst(%arg10 : memref<128x128xf32, #tpu.memory_space<vmem>>)
      %dma_start3A_88 = arith.constant 0 : i32
      %dma_start3A_89 = tpu.memref_slice %arg9[%mul3A_70, %dma_start3A_88] : memref<40x128xi32, #tpu.memory_space<vmem>> -> memref<1x128xi32, #tpu.memory_space<vmem>>
      %dma_start3A_90 = tpu.memref_squeeze %dma_start3A_89 : memref<1x128xi32, #tpu.memory_space<vmem>> -> memref<128xi32, #tpu.memory_space<vmem>>
      %dma_start3A_91 = arith.constant 0 : i32
      %dma_start3A_92 = arith.constant 0 : i32
      %dma_start3A_93 = tpu.memref_slice %arg12[%dma_start3A_91, %dma_start3A_92] : memref<10240x128xf32, #tpu.memory_space<vmem_shared>> -> memref<10240x128xf32, #tpu.memory_space<vmem_shared>>
      tpu.enqueue_indirect_dma source(%arg10 : memref<128x128xf32, #tpu.memory_space<vmem>>) target(%dma_start3A_93 : memref<10240x128xf32, #tpu.memory_space<vmem_shared>>) offsets(%dma_start3A_90 : memref<128xi32, #tpu.memory_space<vmem>>) semaphore(%arg15 : memref<!tpu.dma_semaphore, #tpu.memory_space<semaphore_mem>>) {add = true}
      %mul3A_94 = arith.constant 2 : i32
      %mul3A_95 = arith.muli %mul3A_94, %scan3A_68 : i32
      %add3A_96 = arith.constant 1 : i32
      %add3A_97 = arith.addi %mul3A_95, %add3A_96 : i32
      %ge3A_98 = arith.constant 1 : i32
      %ge3A_99 = arith.cmpi sge, %add3A_97, %ge3A_98 : i32
      %convert_element_type3A_100 = arith.extui %ge3A_99 : i1 to i32
      %cond3A_101 = arith.constant 0 : i32
      %cond3A_102 = arith.cmpi ne, %convert_element_type3A_100, %cond3A_101 : i32
      scf.if %cond3A_102 {
        %sub3A = arith.constant 1 : i32
        %sub3A_122 = arith.subi %add3A_97, %sub3A : i32
        %dma_wait3A_123 = arith.constant 0 : i32
        %dma_wait3A_124 = tpu.memref_slice %arg9[%sub3A_122, %dma_wait3A_123] : memref<40x128xi32, #tpu.memory_space<vmem>> -> memref<1x128xi32, #tpu.memory_space<vmem>>
        %dma_wait3A_125 = tpu.memref_squeeze %dma_wait3A_124 : memref<1x128xi32, #tpu.memory_space<vmem>> -> memref<128xi32, #tpu.memory_space<vmem>>
        %dma_wait3A_126 = arith.constant 0 : i32
        %dma_wait3A_127 = arith.constant 0 : i32
        %dma_wait3A_128 = tpu.memref_slice %arg12[%dma_wait3A_126, %dma_wait3A_127] : memref<10240x128xf32, #tpu.memory_space<vmem_shared>> -> memref<10240x128xf32, #tpu.memory_space<vmem_shared>>
        tpu.wait_indirect_dma semaphore(%arg15 : memref<!tpu.dma_semaphore, #tpu.memory_space<semaphore_mem>>) src(%arg10 : memref<128x128xf32, #tpu.memory_space<vmem>>) dst(%dma_wait3A_128 : memref<10240x128xf32, #tpu.memory_space<vmem_shared>>)
      } else {
      }
      %add3A_103 = arith.constant 1 : i32
      %add3A_104 = arith.addi %add3A_97, %add3A_103 : i32
      %lt3A_105 = arith.constant 40 : i32
      %lt3A_106 = arith.cmpi slt, %add3A_104, %lt3A_105 : i32
      %convert_element_type3A_107 = arith.extui %lt3A_106 : i1 to i32
      %cond3A_108 = arith.constant 0 : i32
      %cond3A_109 = arith.cmpi ne, %convert_element_type3A_107, %cond3A_108 : i32
      scf.if %cond3A_109 {
        %add3A_122 = arith.constant 1 : i32
        %add3A_123 = arith.addi %add3A_97, %add3A_122 : i32
        %dma_start3A_124 = arith.constant 0 : i32
        %dma_start3A_125 = tpu.memref_slice %arg8[%add3A_123, %dma_start3A_124] : memref<40x128xi32, #tpu.memory_space<vmem>> -> memref<1x128xi32, #tpu.memory_space<vmem>>
        %dma_start3A_126 = tpu.memref_squeeze %dma_start3A_125 : memref<1x128xi32, #tpu.memory_space<vmem>> -> memref<128xi32, #tpu.memory_space<vmem>>
        %dma_start3A_127 = arith.constant 0 : i32
        %dma_start3A_128 = arith.constant 0 : i32
        %dma_start3A_129 = tpu.memref_slice %arg2[%dma_start3A_127, %dma_start3A_128] : memref<20000x128xf32, #tpu.memory_space<hbm>> -> memref<20000x128xf32, #tpu.memory_space<hbm>>
        tpu.enqueue_indirect_dma source(%dma_start3A_129 : memref<20000x128xf32, #tpu.memory_space<hbm>>) target(%arg10 : memref<128x128xf32, #tpu.memory_space<vmem>>) offsets(%dma_start3A_126 : memref<128xi32, #tpu.memory_space<vmem>>) semaphore(%arg13 : memref<!tpu.dma_semaphore, #tpu.memory_space<semaphore_mem>>)
      } else {
      }
      %dma_wait3A_110 = arith.constant 0 : i32
      %dma_wait3A_111 = tpu.memref_slice %arg8[%add3A_97, %dma_wait3A_110] : memref<40x128xi32, #tpu.memory_space<vmem>> -> memref<1x128xi32, #tpu.memory_space<vmem>>
      %dma_wait3A_112 = tpu.memref_squeeze %dma_wait3A_111 : memref<1x128xi32, #tpu.memory_space<vmem>> -> memref<128xi32, #tpu.memory_space<vmem>>
      %dma_wait3A_113 = arith.constant 0 : i32
      %dma_wait3A_114 = arith.constant 0 : i32
      %dma_wait3A_115 = tpu.memref_slice %arg2[%dma_wait3A_113, %dma_wait3A_114] : memref<20000x128xf32, #tpu.memory_space<hbm>> -> memref<20000x128xf32, #tpu.memory_space<hbm>>
      tpu.wait_indirect_dma semaphore(%arg14 : memref<!tpu.dma_semaphore, #tpu.memory_space<semaphore_mem>>) src(%dma_wait3A_115 : memref<20000x128xf32, #tpu.memory_space<hbm>>) dst(%arg11 : memref<128x128xf32, #tpu.memory_space<vmem>>)
      %dma_start3A_116 = arith.constant 0 : i32
      %dma_start3A_117 = tpu.memref_slice %arg9[%add3A_97, %dma_start3A_116] : memref<40x128xi32, #tpu.memory_space<vmem>> -> memref<1x128xi32, #tpu.memory_space<vmem>>
      %dma_start3A_118 = tpu.memref_squeeze %dma_start3A_117 : memref<1x128xi32, #tpu.memory_space<vmem>> -> memref<128xi32, #tpu.memory_space<vmem>>
      %dma_start3A_119 = arith.constant 0 : i32
      %dma_start3A_120 = arith.constant 0 : i32
      %dma_start3A_121 = tpu.memref_slice %arg12[%dma_start3A_119, %dma_start3A_120] : memref<10240x128xf32, #tpu.memory_space<vmem_shared>> -> memref<10240x128xf32, #tpu.memory_space<vmem_shared>>
      tpu.enqueue_indirect_dma source(%arg11 : memref<128x128xf32, #tpu.memory_space<vmem>>) target(%dma_start3A_121 : memref<10240x128xf32, #tpu.memory_space<vmem_shared>>) offsets(%dma_start3A_118 : memref<128xi32, #tpu.memory_space<vmem>>) semaphore(%arg16 : memref<!tpu.dma_semaphore, #tpu.memory_space<semaphore_mem>>) {add = true}
    }
    %scan3A_55 = arith.constant 20 : i32
    %dma_wait3A_56 = arith.constant 39 : i32
    %dma_wait3A_57 = arith.constant 0 : i32
    %dma_wait3A_58 = tpu.memref_slice %arg9[%dma_wait3A_56, %dma_wait3A_57] : memref<40x128xi32, #tpu.memory_space<vmem>> -> memref<1x128xi32, #tpu.memory_space<vmem>>
    %dma_wait3A_59 = tpu.memref_squeeze %dma_wait3A_58 : memref<1x128xi32, #tpu.memory_space<vmem>> -> memref<128xi32, #tpu.memory_space<vmem>>
    %dma_wait3A_60 = arith.constant 0 : i32
    %dma_wait3A_61 = arith.constant 0 : i32
    %dma_wait3A_62 = tpu.memref_slice %arg12[%dma_wait3A_60, %dma_wait3A_61] : memref<10240x128xf32, #tpu.memory_space<vmem_shared>> -> memref<10240x128xf32, #tpu.memory_space<vmem_shared>>
    tpu.wait_indirect_dma semaphore(%arg16 : memref<!tpu.dma_semaphore, #tpu.memory_space<semaphore_mem>>) src(%arg11 : memref<128x128xf32, #tpu.memory_space<vmem>>) dst(%dma_wait3A_62 : memref<10240x128xf32, #tpu.memory_space<vmem_shared>>)
    %barrier3A_63 = arith.constant 0 : index
    tpu.barrier barrier_id(%barrier3A_63)
    %lt3A = arith.constant 10 : i32
    %lt3A_64 = arith.cmpi slt, %arg1, %lt3A : i32
    %convert_element_type3A_65 = arith.extui %lt3A_64 : i1 to i32
    %cond3A_66 = arith.constant 0 : i32
    %cond3A_67 = arith.cmpi ne, %convert_element_type3A_65, %cond3A_66 : i32
    scf.if %cond3A_67 {
      %mul3A_68 = arith.constant 1000 : i32
      %mul3A_69 = arith.muli %arg1, %mul3A_68 : i32
      %mul3A_70 = arith.constant 10000 : i32
      %mul3A_71 = arith.muli %arg0, %mul3A_70 : i32
      %mul3A_72 = arith.constant 1000 : i32
      %mul3A_73 = arith.muli %arg1, %mul3A_72 : i32
      %add3A_74 = arith.addi %mul3A_71, %mul3A_73 : i32
      "tpu.region"() ({
        %run_scoped3A = tpu.sem_alloc : memref<!tpu.dma_semaphore, #tpu.memory_space<semaphore_mem>>
        %dma_start3A_75 = arith.constant 0 : i32
        %dma_start3A_76 = tpu.memref_slice %arg7[%add3A_74, %dma_start3A_75] : memref<20000x128xf32, #tpu.memory_space<hbm>> -> memref<1000x128xf32, #tpu.memory_space<hbm>>
        %dma_start3A_77 = arith.constant 0 : i32
        %dma_start3A_78 = tpu.memref_slice %arg12[%mul3A_69, %dma_start3A_77] : memref<10240x128xf32, #tpu.memory_space<vmem_shared>> -> memref<1000x128xf32, #tpu.memory_space<vmem_shared>>
        tpu.enqueue_dma source(%dma_start3A_78 : memref<1000x128xf32, #tpu.memory_space<vmem_shared>>) target(%dma_start3A_76 : memref<1000x128xf32, #tpu.memory_space<hbm>>) target_semaphore(%run_scoped3A : memref<!tpu.dma_semaphore, #tpu.memory_space<semaphore_mem>>)
        %dma_wait3A_79 = arith.constant 0 : i32
        %dma_wait3A_80 = tpu.memref_slice %arg7[%add3A_74, %dma_wait3A_79] : memref<20000x128xf32, #tpu.memory_space<hbm>> -> memref<1000x128xf32, #tpu.memory_space<hbm>>
        %dma_wait3A_81 = arith.constant 0 : i32
        %dma_wait3A_82 = tpu.memref_slice %arg12[%mul3A_69, %dma_wait3A_81] : memref<10240x128xf32, #tpu.memory_space<vmem_shared>> -> memref<1000x128xf32, #tpu.memory_space<vmem_shared>>
        tpu.wait_dma2 semaphore(%run_scoped3A : memref<!tpu.dma_semaphore, #tpu.memory_space<semaphore_mem>>) src(%dma_wait3A_82 : memref<1000x128xf32, #tpu.memory_space<vmem_shared>>) dst(%dma_wait3A_80 : memref<1000x128xf32, #tpu.memory_space<hbm>>)
        tpu.yield
      }) : () -> ()
    } else {
    }
    return
  }
}

#map = affine_map<(d0, d1) -> (0, 0)>
module attributes {stable_mosaic.version = 14 : i64} {
  func.func @k(%arg0: i32, %arg1: i32, %arg2: memref<20000x128xf32, #tpu.memory_space<hbm>>, %arg3: memref<1280x128xi32, #tpu.memory_space<hbm>>, %arg4: memref<1280x128xi32, #tpu.memory_space<hbm>>, %arg5: memref<1280x128xi32, #tpu.memory_space<hbm>>, %arg6: memref<10240x128xf32, #tpu.memory_space<hbm>>, %arg7: memref<20000x128xf32, #tpu.memory_space<hbm>>, %arg8: memref<40x128xi32, #tpu.memory_space<vmem>>, %arg9: memref<40x128xi32, #tpu.memory_space<vmem>>, %arg10: memref<128x128xf32, #tpu.memory_space<vmem>>, %arg11: memref<128x128xf32, #tpu.memory_space<vmem>>, %arg12: memref<10240x128xf32, #tpu.memory_space<vmem_shared>>, %arg13: memref<!tpu.dma_semaphore, #tpu.memory_space<semaphore_mem>>, %arg14: memref<!tpu.dma_semaphore, #tpu.memory_space<semaphore_mem>>, %arg15: memref<!tpu.dma_semaphore, #tpu.memory_space<semaphore_mem>>, %arg16: memref<!tpu.dma_semaphore, #tpu.memory_space<semaphore_mem>>) attributes {dimension_semantics = [#tpu.dimension_semantics<core_parallel>, #tpu.dimension_semantics<subcore_parallel>], iteration_bounds = array<i64: 2, 16>, scalar_prefetch = 0 : i64, scratch_operands = 9 : i64, tpu.core_type = #tpu.core_type<sc_vector_subcore>, window_params = [{transform_indices = #map}, {transform_indices = #map}, {transform_indices = #map}, {transform_indices = #map}, {transform_indices = #map}, {transform_indices = #map}]} {
    %mul3A = arith.constant 640 : i32
    %mul3A_0 = arith.muli %arg1, %mul3A : i32
    %mul3A_1 = arith.constant 640 : i32
    %mul3A_2 = arith.muli %arg1, %mul3A_1 : i32
    "tpu.region"() ({
      %run_scoped3A = tpu.sem_alloc : memref<!tpu.dma_semaphore, #tpu.memory_space<semaphore_mem>>
      %dma_start3A_68 = arith.constant 0 : i32
      %dma_start3A_69 = tpu.memref_slice %arg12[%mul3A_2, %dma_start3A_68] : memref<10240x128xf32, #tpu.memory_space<vmem_shared>> -> memref<640x128xf32, #tpu.memory_space<vmem_shared>>
      %dma_start3A_70 = arith.constant 0 : i32
      %dma_start3A_71 = tpu.memref_slice %arg6[%mul3A_0, %dma_start3A_70] : memref<10240x128xf32, #tpu.memory_space<hbm>> -> memref<640x128xf32, #tpu.memory_space<hbm>>
      tpu.enqueue_dma source(%dma_start3A_71 : memref<640x128xf32, #tpu.memory_space<hbm>>) target(%dma_start3A_69 : memref<640x128xf32, #tpu.memory_space<vmem_shared>>) target_semaphore(%run_scoped3A : memref<!tpu.dma_semaphore, #tpu.memory_space<semaphore_mem>>)
      %dma_wait3A_72 = arith.constant 0 : i32
      %dma_wait3A_73 = tpu.memref_slice %arg12[%mul3A_2, %dma_wait3A_72] : memref<10240x128xf32, #tpu.memory_space<vmem_shared>> -> memref<640x128xf32, #tpu.memory_space<vmem_shared>>
      %dma_wait3A_74 = arith.constant 0 : i32
      %dma_wait3A_75 = tpu.memref_slice %arg6[%mul3A_0, %dma_wait3A_74] : memref<10240x128xf32, #tpu.memory_space<hbm>> -> memref<640x128xf32, #tpu.memory_space<hbm>>
      tpu.wait_dma2 semaphore(%run_scoped3A : memref<!tpu.dma_semaphore, #tpu.memory_space<semaphore_mem>>) src(%dma_wait3A_75 : memref<640x128xf32, #tpu.memory_space<hbm>>) dst(%dma_wait3A_73 : memref<640x128xf32, #tpu.memory_space<vmem_shared>>)
      tpu.yield
    }) : () -> ()
    %barrier3A = arith.constant 0 : index
    tpu.barrier barrier_id(%barrier3A)
    %mul3A_3 = arith.constant 80 : i32
    %mul3A_4 = arith.muli %arg1, %mul3A_3 : i32
    %add3A = arith.constant 0 : i32
    %add3A_5 = arith.addi %mul3A_4, %add3A : i32
    %eq3A = arith.constant 0 : i32
    %eq3A_6 = arith.cmpi eq, %arg0, %eq3A : i32
    %convert_element_type3A = arith.extui %eq3A_6 : i1 to i32
    %cond3A = arith.constant 0 : i32
    %cond3A_7 = arith.cmpi ne, %convert_element_type3A, %cond3A : i32
    scf.if %cond3A_7 {
      "tpu.region"() ({
        %run_scoped3A = tpu.sem_alloc : memref<!tpu.dma_semaphore, #tpu.memory_space<semaphore_mem>>
        %dma_start3A_68 = arith.constant 0 : i32
        %dma_start3A_69 = tpu.memref_slice %arg3[%add3A_5, %dma_start3A_68] : memref<1280x128xi32, #tpu.memory_space<hbm>> -> memref<40x128xi32, #tpu.memory_space<hbm>>
        %dma_start3A_70 = arith.constant 0 : i32
        %dma_start3A_71 = tpu.memref_slice %arg3[%add3A_5, %dma_start3A_70] : memref<1280x128xi32, #tpu.memory_space<hbm>> -> memref<40x128xi32, #tpu.memory_space<hbm>>
        tpu.enqueue_dma source(%dma_start3A_71 : memref<40x128xi32, #tpu.memory_space<hbm>>) target(%arg8 : memref<40x128xi32, #tpu.memory_space<vmem>>) target_semaphore(%run_scoped3A : memref<!tpu.dma_semaphore, #tpu.memory_space<semaphore_mem>>)
        %dma_wait3A_72 = arith.constant 0 : i32
        %dma_wait3A_73 = tpu.memref_slice %arg3[%add3A_5, %dma_wait3A_72] : memref<1280x128xi32, #tpu.memory_space<hbm>> -> memref<40x128xi32, #tpu.memory_space<hbm>>
        %dma_wait3A_74 = arith.constant 0 : i32
        %dma_wait3A_75 = tpu.memref_slice %arg3[%add3A_5, %dma_wait3A_74] : memref<1280x128xi32, #tpu.memory_space<hbm>> -> memref<40x128xi32, #tpu.memory_space<hbm>>
        tpu.wait_dma2 semaphore(%run_scoped3A : memref<!tpu.dma_semaphore, #tpu.memory_space<semaphore_mem>>) src(%dma_wait3A_75 : memref<40x128xi32, #tpu.memory_space<hbm>>) dst(%arg8 : memref<40x128xi32, #tpu.memory_space<vmem>>)
        tpu.yield
      }) : () -> ()
    } else {
    }
    %ne3A = arith.constant 0 : i32
    %ne3A_8 = arith.cmpi ne, %arg0, %ne3A : i32
    %convert_element_type3A_9 = arith.extui %ne3A_8 : i1 to i32
    %cond3A_10 = arith.constant 0 : i32
    %cond3A_11 = arith.cmpi ne, %convert_element_type3A_9, %cond3A_10 : i32
    scf.if %cond3A_11 {
      "tpu.region"() ({
        %run_scoped3A = tpu.sem_alloc : memref<!tpu.dma_semaphore, #tpu.memory_space<semaphore_mem>>
        %dma_start3A_68 = arith.constant 0 : i32
        %dma_start3A_69 = tpu.memref_slice %arg4[%add3A_5, %dma_start3A_68] : memref<1280x128xi32, #tpu.memory_space<hbm>> -> memref<40x128xi32, #tpu.memory_space<hbm>>
        %dma_start3A_70 = arith.constant 0 : i32
        %dma_start3A_71 = tpu.memref_slice %arg4[%add3A_5, %dma_start3A_70] : memref<1280x128xi32, #tpu.memory_space<hbm>> -> memref<40x128xi32, #tpu.memory_space<hbm>>
        tpu.enqueue_dma source(%dma_start3A_71 : memref<40x128xi32, #tpu.memory_space<hbm>>) target(%arg8 : memref<40x128xi32, #tpu.memory_space<vmem>>) target_semaphore(%run_scoped3A : memref<!tpu.dma_semaphore, #tpu.memory_space<semaphore_mem>>)
        %dma_wait3A_72 = arith.constant 0 : i32
        %dma_wait3A_73 = tpu.memref_slice %arg4[%add3A_5, %dma_wait3A_72] : memref<1280x128xi32, #tpu.memory_space<hbm>> -> memref<40x128xi32, #tpu.memory_space<hbm>>
        %dma_wait3A_74 = arith.constant 0 : i32
        %dma_wait3A_75 = tpu.memref_slice %arg4[%add3A_5, %dma_wait3A_74] : memref<1280x128xi32, #tpu.memory_space<hbm>> -> memref<40x128xi32, #tpu.memory_space<hbm>>
        tpu.wait_dma2 semaphore(%run_scoped3A : memref<!tpu.dma_semaphore, #tpu.memory_space<semaphore_mem>>) src(%dma_wait3A_75 : memref<40x128xi32, #tpu.memory_space<hbm>>) dst(%arg8 : memref<40x128xi32, #tpu.memory_space<vmem>>)
        tpu.yield
      }) : () -> ()
    } else {
    }
    "tpu.region"() ({
      %run_scoped3A = tpu.sem_alloc : memref<!tpu.dma_semaphore, #tpu.memory_space<semaphore_mem>>
      %dma_start3A_68 = arith.constant 0 : i32
      %dma_start3A_69 = tpu.memref_slice %arg5[%add3A_5, %dma_start3A_68] : memref<1280x128xi32, #tpu.memory_space<hbm>> -> memref<40x128xi32, #tpu.memory_space<hbm>>
      %dma_start3A_70 = arith.constant 0 : i32
      %dma_start3A_71 = tpu.memref_slice %arg5[%add3A_5, %dma_start3A_70] : memref<1280x128xi32, #tpu.memory_space<hbm>> -> memref<40x128xi32, #tpu.memory_space<hbm>>
      tpu.enqueue_dma source(%dma_start3A_71 : memref<40x128xi32, #tpu.memory_space<hbm>>) target(%arg9 : memref<40x128xi32, #tpu.memory_space<vmem>>) target_semaphore(%run_scoped3A : memref<!tpu.dma_semaphore, #tpu.memory_space<semaphore_mem>>)
      %dma_wait3A_72 = arith.constant 0 : i32
      %dma_wait3A_73 = tpu.memref_slice %arg5[%add3A_5, %dma_wait3A_72] : memref<1280x128xi32, #tpu.memory_space<hbm>> -> memref<40x128xi32, #tpu.memory_space<hbm>>
      %dma_wait3A_74 = arith.constant 0 : i32
      %dma_wait3A_75 = tpu.memref_slice %arg5[%add3A_5, %dma_wait3A_74] : memref<1280x128xi32, #tpu.memory_space<hbm>> -> memref<40x128xi32, #tpu.memory_space<hbm>>
      tpu.wait_dma2 semaphore(%run_scoped3A : memref<!tpu.dma_semaphore, #tpu.memory_space<semaphore_mem>>) src(%dma_wait3A_75 : memref<40x128xi32, #tpu.memory_space<hbm>>) dst(%arg9 : memref<40x128xi32, #tpu.memory_space<vmem>>)
      tpu.yield
    }) : () -> ()
    %dma_start3A = arith.constant 0 : i32
    %dma_start3A_12 = arith.constant 0 : i32
    %dma_start3A_13 = tpu.memref_slice %arg8[%dma_start3A, %dma_start3A_12] : memref<40x128xi32, #tpu.memory_space<vmem>> -> memref<1x128xi32, #tpu.memory_space<vmem>>
    %dma_start3A_14 = tpu.memref_squeeze %dma_start3A_13 : memref<1x128xi32, #tpu.memory_space<vmem>> -> memref<128xi32, #tpu.memory_space<vmem>>
    %dma_start3A_15 = arith.constant 0 : i32
    %dma_start3A_16 = arith.constant 0 : i32
    %dma_start3A_17 = tpu.memref_slice %arg2[%dma_start3A_15, %dma_start3A_16] : memref<20000x128xf32, #tpu.memory_space<hbm>> -> memref<20000x128xf32, #tpu.memory_space<hbm>>
    tpu.enqueue_indirect_dma source(%dma_start3A_17 : memref<20000x128xf32, #tpu.memory_space<hbm>>) target(%arg10 : memref<128x128xf32, #tpu.memory_space<vmem>>) offsets(%dma_start3A_14 : memref<128xi32, #tpu.memory_space<vmem>>) semaphore(%arg13 : memref<!tpu.dma_semaphore, #tpu.memory_space<semaphore_mem>>)
    %scan3A = arith.constant 0 : i32
    %scan3A_18 = arith.constant 0 : i32
    %scan3A_19 = arith.constant 20 : i32
    %scan3A_20 = arith.addi %scan3A_18, %scan3A_19 : i32
    %scan3A_21 = arith.constant 1 : i32
    scf.for %scan3A_68 = %scan3A_18 to %scan3A_20 step %scan3A_21  : i32 {
      %mul3A_69 = arith.constant 2 : i32
      %mul3A_70 = arith.muli %mul3A_69, %scan3A_68 : i32
      %ge3A = arith.constant 1 : i32
      %ge3A_71 = arith.cmpi sge, %mul3A_70, %ge3A : i32
      %convert_element_type3A_72 = arith.extui %ge3A_71 : i1 to i32
      %cond3A_73 = arith.constant 0 : i32
      %cond3A_74 = arith.cmpi ne, %convert_element_type3A_72, %cond3A_73 : i32
      scf.if %cond3A_74 {
        %sub3A = arith.constant 1 : i32
        %sub3A_122 = arith.subi %mul3A_70, %sub3A : i32
        %dma_wait3A_123 = arith.constant 0 : i32
        %dma_wait3A_124 = tpu.memref_slice %arg9[%sub3A_122, %dma_wait3A_123] : memref<40x128xi32, #tpu.memory_space<vmem>> -> memref<1x128xi32, #tpu.memory_space<vmem>>
        %dma_wait3A_125 = tpu.memref_squeeze %dma_wait3A_124 : memref<1x128xi32, #tpu.memory_space<vmem>> -> memref<128xi32, #tpu.memory_space<vmem>>
        %dma_wait3A_126 = arith.constant 0 : i32
        %dma_wait3A_127 = arith.constant 0 : i32
        %dma_wait3A_128 = tpu.memref_slice %arg12[%dma_wait3A_126, %dma_wait3A_127] : memref<10240x128xf32, #tpu.memory_space<vmem_shared>> -> memref<10240x128xf32, #tpu.memory_space<vmem_shared>>
        tpu.wait_indirect_dma semaphore(%arg16 : memref<!tpu.dma_semaphore, #tpu.memory_space<semaphore_mem>>) src(%arg11 : memref<128x128xf32, #tpu.memory_space<vmem>>) dst(%dma_wait3A_128 : memref<10240x128xf32, #tpu.memory_space<vmem_shared>>)
      } else {
      }
      %add3A_75 = arith.constant 1 : i32
      %add3A_76 = arith.addi %mul3A_70, %add3A_75 : i32
      %lt3A_77 = arith.constant 40 : i32
      %lt3A_78 = arith.cmpi slt, %add3A_76, %lt3A_77 : i32
      %convert_element_type3A_79 = arith.extui %lt3A_78 : i1 to i32
      %cond3A_80 = arith.constant 0 : i32
      %cond3A_81 = arith.cmpi ne, %convert_element_type3A_79, %cond3A_80 : i32
      scf.if %cond3A_81 {
        %add3A_122 = arith.constant 1 : i32
        %add3A_123 = arith.addi %mul3A_70, %add3A_122 : i32
        %dma_start3A_124 = arith.constant 0 : i32
        %dma_start3A_125 = tpu.memref_slice %arg8[%add3A_123, %dma_start3A_124] : memref<40x128xi32, #tpu.memory_space<vmem>> -> memref<1x128xi32, #tpu.memory_space<vmem>>
        %dma_start3A_126 = tpu.memref_squeeze %dma_start3A_125 : memref<1x128xi32, #tpu.memory_space<vmem>> -> memref<128xi32, #tpu.memory_space<vmem>>
        %dma_start3A_127 = arith.constant 0 : i32
        %dma_start3A_128 = arith.constant 0 : i32
        %dma_start3A_129 = tpu.memref_slice %arg2[%dma_start3A_127, %dma_start3A_128] : memref<20000x128xf32, #tpu.memory_space<hbm>> -> memref<20000x128xf32, #tpu.memory_space<hbm>>
        tpu.enqueue_indirect_dma source(%dma_start3A_129 : memref<20000x128xf32, #tpu.memory_space<hbm>>) target(%arg11 : memref<128x128xf32, #tpu.memory_space<vmem>>) offsets(%dma_start3A_126 : memref<128xi32, #tpu.memory_space<vmem>>) semaphore(%arg14 : memref<!tpu.dma_semaphore, #tpu.memory_space<semaphore_mem>>)
      } else {
      }
      %dma_wait3A_82 = arith.constant 0 : i32
      %dma_wait3A_83 = tpu.memref_slice %arg8[%mul3A_70, %dma_wait3A_82] : memref<40x128xi32, #tpu.memory_space<vmem>> -> memref<1x128xi32, #tpu.memory_space<vmem>>
      %dma_wait3A_84 = tpu.memref_squeeze %dma_wait3A_83 : memref<1x128xi32, #tpu.memory_space<vmem>> -> memref<128xi32, #tpu.memory_space<vmem>>
      %dma_wait3A_85 = arith.constant 0 : i32
      %dma_wait3A_86 = arith.constant 0 : i32
      %dma_wait3A_87 = tpu.memref_slice %arg2[%dma_wait3A_85, %dma_wait3A_86] : memref<20000x128xf32, #tpu.memory_space<hbm>> -> memref<20000x128xf32, #tpu.memory_space<hbm>>
      tpu.wait_indirect_dma semaphore(%arg13 : memref<!tpu.dma_semaphore, #tpu.memory_space<semaphore_mem>>) src(%dma_wait3A_87 : memref<20000x128xf32, #tpu.memory_space<hbm>>) dst(%arg10 : memref<128x128xf32, #tpu.memory_space<vmem>>)
      %dma_start3A_88 = arith.constant 0 : i32
      %dma_start3A_89 = tpu.memref_slice %arg9[%mul3A_70, %dma_start3A_88] : memref<40x128xi32, #tpu.memory_space<vmem>> -> memref<1x128xi32, #tpu.memory_space<vmem>>
      %dma_start3A_90 = tpu.memref_squeeze %dma_start3A_89 : memref<1x128xi32, #tpu.memory_space<vmem>> -> memref<128xi32, #tpu.memory_space<vmem>>
      %dma_start3A_91 = arith.constant 0 : i32
      %dma_start3A_92 = arith.constant 0 : i32
      %dma_start3A_93 = tpu.memref_slice %arg12[%dma_start3A_91, %dma_start3A_92] : memref<10240x128xf32, #tpu.memory_space<vmem_shared>> -> memref<10240x128xf32, #tpu.memory_space<vmem_shared>>
      tpu.enqueue_indirect_dma source(%arg10 : memref<128x128xf32, #tpu.memory_space<vmem>>) target(%dma_start3A_93 : memref<10240x128xf32, #tpu.memory_space<vmem_shared>>) offsets(%dma_start3A_90 : memref<128xi32, #tpu.memory_space<vmem>>) semaphore(%arg15 : memref<!tpu.dma_semaphore, #tpu.memory_space<semaphore_mem>>) {add = true}
      %mul3A_94 = arith.constant 2 : i32
      %mul3A_95 = arith.muli %mul3A_94, %scan3A_68 : i32
      %add3A_96 = arith.constant 1 : i32
      %add3A_97 = arith.addi %mul3A_95, %add3A_96 : i32
      %ge3A_98 = arith.constant 1 : i32
      %ge3A_99 = arith.cmpi sge, %add3A_97, %ge3A_98 : i32
      %convert_element_type3A_100 = arith.extui %ge3A_99 : i1 to i32
      %cond3A_101 = arith.constant 0 : i32
      %cond3A_102 = arith.cmpi ne, %convert_element_type3A_100, %cond3A_101 : i32
      scf.if %cond3A_102 {
        %sub3A = arith.constant 1 : i32
        %sub3A_122 = arith.subi %add3A_97, %sub3A : i32
        %dma_wait3A_123 = arith.constant 0 : i32
        %dma_wait3A_124 = tpu.memref_slice %arg9[%sub3A_122, %dma_wait3A_123] : memref<40x128xi32, #tpu.memory_space<vmem>> -> memref<1x128xi32, #tpu.memory_space<vmem>>
        %dma_wait3A_125 = tpu.memref_squeeze %dma_wait3A_124 : memref<1x128xi32, #tpu.memory_space<vmem>> -> memref<128xi32, #tpu.memory_space<vmem>>
        %dma_wait3A_126 = arith.constant 0 : i32
        %dma_wait3A_127 = arith.constant 0 : i32
        %dma_wait3A_128 = tpu.memref_slice %arg12[%dma_wait3A_126, %dma_wait3A_127] : memref<10240x128xf32, #tpu.memory_space<vmem_shared>> -> memref<10240x128xf32, #tpu.memory_space<vmem_shared>>
        tpu.wait_indirect_dma semaphore(%arg15 : memref<!tpu.dma_semaphore, #tpu.memory_space<semaphore_mem>>) src(%arg10 : memref<128x128xf32, #tpu.memory_space<vmem>>) dst(%dma_wait3A_128 : memref<10240x128xf32, #tpu.memory_space<vmem_shared>>)
      } else {
      }
      %add3A_103 = arith.constant 1 : i32
      %add3A_104 = arith.addi %add3A_97, %add3A_103 : i32
      %lt3A_105 = arith.constant 40 : i32
      %lt3A_106 = arith.cmpi slt, %add3A_104, %lt3A_105 : i32
      %convert_element_type3A_107 = arith.extui %lt3A_106 : i1 to i32
      %cond3A_108 = arith.constant 0 : i32
      %cond3A_109 = arith.cmpi ne, %convert_element_type3A_107, %cond3A_108 : i32
      scf.if %cond3A_109 {
        %add3A_122 = arith.constant 1 : i32
        %add3A_123 = arith.addi %add3A_97, %add3A_122 : i32
        %dma_start3A_124 = arith.constant 0 : i32
        %dma_start3A_125 = tpu.memref_slice %arg8[%add3A_123, %dma_start3A_124] : memref<40x128xi32, #tpu.memory_space<vmem>> -> memref<1x128xi32, #tpu.memory_space<vmem>>
        %dma_start3A_126 = tpu.memref_squeeze %dma_start3A_125 : memref<1x128xi32, #tpu.memory_space<vmem>> -> memref<128xi32, #tpu.memory_space<vmem>>
        %dma_start3A_127 = arith.constant 0 : i32
        %dma_start3A_128 = arith.constant 0 : i32
        %dma_start3A_129 = tpu.memref_slice %arg2[%dma_start3A_127, %dma_start3A_128] : memref<20000x128xf32, #tpu.memory_space<hbm>> -> memref<20000x128xf32, #tpu.memory_space<hbm>>
        tpu.enqueue_indirect_dma source(%dma_start3A_129 : memref<20000x128xf32, #tpu.memory_space<hbm>>) target(%arg10 : memref<128x128xf32, #tpu.memory_space<vmem>>) offsets(%dma_start3A_126 : memref<128xi32, #tpu.memory_space<vmem>>) semaphore(%arg13 : memref<!tpu.dma_semaphore, #tpu.memory_space<semaphore_mem>>)
      } else {
      }
      %dma_wait3A_110 = arith.constant 0 : i32
      %dma_wait3A_111 = tpu.memref_slice %arg8[%add3A_97, %dma_wait3A_110] : memref<40x128xi32, #tpu.memory_space<vmem>> -> memref<1x128xi32, #tpu.memory_space<vmem>>
      %dma_wait3A_112 = tpu.memref_squeeze %dma_wait3A_111 : memref<1x128xi32, #tpu.memory_space<vmem>> -> memref<128xi32, #tpu.memory_space<vmem>>
      %dma_wait3A_113 = arith.constant 0 : i32
      %dma_wait3A_114 = arith.constant 0 : i32
      %dma_wait3A_115 = tpu.memref_slice %arg2[%dma_wait3A_113, %dma_wait3A_114] : memref<20000x128xf32, #tpu.memory_space<hbm>> -> memref<20000x128xf32, #tpu.memory_space<hbm>>
      tpu.wait_indirect_dma semaphore(%arg14 : memref<!tpu.dma_semaphore, #tpu.memory_space<semaphore_mem>>) src(%dma_wait3A_115 : memref<20000x128xf32, #tpu.memory_space<hbm>>) dst(%arg11 : memref<128x128xf32, #tpu.memory_space<vmem>>)
      %dma_start3A_116 = arith.constant 0 : i32
      %dma_start3A_117 = tpu.memref_slice %arg9[%add3A_97, %dma_start3A_116] : memref<40x128xi32, #tpu.memory_space<vmem>> -> memref<1x128xi32, #tpu.memory_space<vmem>>
      %dma_start3A_118 = tpu.memref_squeeze %dma_start3A_117 : memref<1x128xi32, #tpu.memory_space<vmem>> -> memref<128xi32, #tpu.memory_space<vmem>>
      %dma_start3A_119 = arith.constant 0 : i32
      %dma_start3A_120 = arith.constant 0 : i32
      %dma_start3A_121 = tpu.memref_slice %arg12[%dma_start3A_119, %dma_start3A_120] : memref<10240x128xf32, #tpu.memory_space<vmem_shared>> -> memref<10240x128xf32, #tpu.memory_space<vmem_shared>>
      tpu.enqueue_indirect_dma source(%arg11 : memref<128x128xf32, #tpu.memory_space<vmem>>) target(%dma_start3A_121 : memref<10240x128xf32, #tpu.memory_space<vmem_shared>>) offsets(%dma_start3A_118 : memref<128xi32, #tpu.memory_space<vmem>>) semaphore(%arg16 : memref<!tpu.dma_semaphore, #tpu.memory_space<semaphore_mem>>) {add = true}
    }
    %scan3A_22 = arith.constant 20 : i32
    %dma_wait3A = arith.constant 39 : i32
    %dma_wait3A_23 = arith.constant 0 : i32
    %dma_wait3A_24 = tpu.memref_slice %arg9[%dma_wait3A, %dma_wait3A_23] : memref<40x128xi32, #tpu.memory_space<vmem>> -> memref<1x128xi32, #tpu.memory_space<vmem>>
    %dma_wait3A_25 = tpu.memref_squeeze %dma_wait3A_24 : memref<1x128xi32, #tpu.memory_space<vmem>> -> memref<128xi32, #tpu.memory_space<vmem>>
    %dma_wait3A_26 = arith.constant 0 : i32
    %dma_wait3A_27 = arith.constant 0 : i32
    %dma_wait3A_28 = tpu.memref_slice %arg12[%dma_wait3A_26, %dma_wait3A_27] : memref<10240x128xf32, #tpu.memory_space<vmem_shared>> -> memref<10240x128xf32, #tpu.memory_space<vmem_shared>>
    tpu.wait_indirect_dma semaphore(%arg16 : memref<!tpu.dma_semaphore, #tpu.memory_space<semaphore_mem>>) src(%arg11 : memref<128x128xf32, #tpu.memory_space<vmem>>) dst(%dma_wait3A_28 : memref<10240x128xf32, #tpu.memory_space<vmem_shared>>)
    %mul3A_29 = arith.constant 80 : i32
    %mul3A_30 = arith.muli %arg1, %mul3A_29 : i32
    %add3A_31 = arith.constant 40 : i32
    %add3A_32 = arith.addi %mul3A_30, %add3A_31 : i32
    %eq3A_33 = arith.constant 0 : i32
    %eq3A_34 = arith.cmpi eq, %arg0, %eq3A_33 : i32
    %convert_element_type3A_35 = arith.extui %eq3A_34 : i1 to i32
    %cond3A_36 = arith.constant 0 : i32
    %cond3A_37 = arith.cmpi ne, %convert_element_type3A_35, %cond3A_36 : i32
    scf.if %cond3A_37 {
      "tpu.region"() ({
        %run_scoped3A = tpu.sem_alloc : memref<!tpu.dma_semaphore, #tpu.memory_space<semaphore_mem>>
        %dma_start3A_68 = arith.constant 0 : i32
        %dma_start3A_69 = tpu.memref_slice %arg3[%add3A_32, %dma_start3A_68] : memref<1280x128xi32, #tpu.memory_space<hbm>> -> memref<40x128xi32, #tpu.memory_space<hbm>>
        %dma_start3A_70 = arith.constant 0 : i32
        %dma_start3A_71 = tpu.memref_slice %arg3[%add3A_32, %dma_start3A_70] : memref<1280x128xi32, #tpu.memory_space<hbm>> -> memref<40x128xi32, #tpu.memory_space<hbm>>
        tpu.enqueue_dma source(%dma_start3A_71 : memref<40x128xi32, #tpu.memory_space<hbm>>) target(%arg8 : memref<40x128xi32, #tpu.memory_space<vmem>>) target_semaphore(%run_scoped3A : memref<!tpu.dma_semaphore, #tpu.memory_space<semaphore_mem>>)
        %dma_wait3A_72 = arith.constant 0 : i32
        %dma_wait3A_73 = tpu.memref_slice %arg3[%add3A_32, %dma_wait3A_72] : memref<1280x128xi32, #tpu.memory_space<hbm>> -> memref<40x128xi32, #tpu.memory_space<hbm>>
        %dma_wait3A_74 = arith.constant 0 : i32
        %dma_wait3A_75 = tpu.memref_slice %arg3[%add3A_32, %dma_wait3A_74] : memref<1280x128xi32, #tpu.memory_space<hbm>> -> memref<40x128xi32, #tpu.memory_space<hbm>>
        tpu.wait_dma2 semaphore(%run_scoped3A : memref<!tpu.dma_semaphore, #tpu.memory_space<semaphore_mem>>) src(%dma_wait3A_75 : memref<40x128xi32, #tpu.memory_space<hbm>>) dst(%arg8 : memref<40x128xi32, #tpu.memory_space<vmem>>)
        tpu.yield
      }) : () -> ()
    } else {
    }
    %ne3A_38 = arith.constant 0 : i32
    %ne3A_39 = arith.cmpi ne, %arg0, %ne3A_38 : i32
    %convert_element_type3A_40 = arith.extui %ne3A_39 : i1 to i32
    %cond3A_41 = arith.constant 0 : i32
    %cond3A_42 = arith.cmpi ne, %convert_element_type3A_40, %cond3A_41 : i32
    scf.if %cond3A_42 {
      "tpu.region"() ({
        %run_scoped3A = tpu.sem_alloc : memref<!tpu.dma_semaphore, #tpu.memory_space<semaphore_mem>>
        %dma_start3A_68 = arith.constant 0 : i32
        %dma_start3A_69 = tpu.memref_slice %arg4[%add3A_32, %dma_start3A_68] : memref<1280x128xi32, #tpu.memory_space<hbm>> -> memref<40x128xi32, #tpu.memory_space<hbm>>
        %dma_start3A_70 = arith.constant 0 : i32
        %dma_start3A_71 = tpu.memref_slice %arg4[%add3A_32, %dma_start3A_70] : memref<1280x128xi32, #tpu.memory_space<hbm>> -> memref<40x128xi32, #tpu.memory_space<hbm>>
        tpu.enqueue_dma source(%dma_start3A_71 : memref<40x128xi32, #tpu.memory_space<hbm>>) target(%arg8 : memref<40x128xi32, #tpu.memory_space<vmem>>) target_semaphore(%run_scoped3A : memref<!tpu.dma_semaphore, #tpu.memory_space<semaphore_mem>>)
        %dma_wait3A_72 = arith.constant 0 : i32
        %dma_wait3A_73 = tpu.memref_slice %arg4[%add3A_32, %dma_wait3A_72] : memref<1280x128xi32, #tpu.memory_space<hbm>> -> memref<40x128xi32, #tpu.memory_space<hbm>>
        %dma_wait3A_74 = arith.constant 0 : i32
        %dma_wait3A_75 = tpu.memref_slice %arg4[%add3A_32, %dma_wait3A_74] : memref<1280x128xi32, #tpu.memory_space<hbm>> -> memref<40x128xi32, #tpu.memory_space<hbm>>
        tpu.wait_dma2 semaphore(%run_scoped3A : memref<!tpu.dma_semaphore, #tpu.memory_space<semaphore_mem>>) src(%dma_wait3A_75 : memref<40x128xi32, #tpu.memory_space<hbm>>) dst(%arg8 : memref<40x128xi32, #tpu.memory_space<vmem>>)
        tpu.yield
      }) : () -> ()
    } else {
    }
    "tpu.region"() ({
      %run_scoped3A = tpu.sem_alloc : memref<!tpu.dma_semaphore, #tpu.memory_space<semaphore_mem>>
      %dma_start3A_68 = arith.constant 0 : i32
      %dma_start3A_69 = tpu.memref_slice %arg5[%add3A_32, %dma_start3A_68] : memref<1280x128xi32, #tpu.memory_space<hbm>> -> memref<40x128xi32, #tpu.memory_space<hbm>>
      %dma_start3A_70 = arith.constant 0 : i32
      %dma_start3A_71 = tpu.memref_slice %arg5[%add3A_32, %dma_start3A_70] : memref<1280x128xi32, #tpu.memory_space<hbm>> -> memref<40x128xi32, #tpu.memory_space<hbm>>
      tpu.enqueue_dma source(%dma_start3A_71 : memref<40x128xi32, #tpu.memory_space<hbm>>) target(%arg9 : memref<40x128xi32, #tpu.memory_space<vmem>>) target_semaphore(%run_scoped3A : memref<!tpu.dma_semaphore, #tpu.memory_space<semaphore_mem>>)
      %dma_wait3A_72 = arith.constant 0 : i32
      %dma_wait3A_73 = tpu.memref_slice %arg5[%add3A_32, %dma_wait3A_72] : memref<1280x128xi32, #tpu.memory_space<hbm>> -> memref<40x128xi32, #tpu.memory_space<hbm>>
      %dma_wait3A_74 = arith.constant 0 : i32
      %dma_wait3A_75 = tpu.memref_slice %arg5[%add3A_32, %dma_wait3A_74] : memref<1280x128xi32, #tpu.memory_space<hbm>> -> memref<40x128xi32, #tpu.memory_space<hbm>>
      tpu.wait_dma2 semaphore(%run_scoped3A : memref<!tpu.dma_semaphore, #tpu.memory_space<semaphore_mem>>) src(%dma_wait3A_75 : memref<40x128xi32, #tpu.memory_space<hbm>>) dst(%arg9 : memref<40x128xi32, #tpu.memory_space<vmem>>)
      tpu.yield
    }) : () -> ()
    %dma_start3A_43 = arith.constant 0 : i32
    %dma_start3A_44 = arith.constant 0 : i32
    %dma_start3A_45 = tpu.memref_slice %arg8[%dma_start3A_43, %dma_start3A_44] : memref<40x128xi32, #tpu.memory_space<vmem>> -> memref<1x128xi32, #tpu.memory_space<vmem>>
    %dma_start3A_46 = tpu.memref_squeeze %dma_start3A_45 : memref<1x128xi32, #tpu.memory_space<vmem>> -> memref<128xi32, #tpu.memory_space<vmem>>
    %dma_start3A_47 = arith.constant 0 : i32
    %dma_start3A_48 = arith.constant 0 : i32
    %dma_start3A_49 = tpu.memref_slice %arg2[%dma_start3A_47, %dma_start3A_48] : memref<20000x128xf32, #tpu.memory_space<hbm>> -> memref<20000x128xf32, #tpu.memory_space<hbm>>
    tpu.enqueue_indirect_dma source(%dma_start3A_49 : memref<20000x128xf32, #tpu.memory_space<hbm>>) target(%arg10 : memref<128x128xf32, #tpu.memory_space<vmem>>) offsets(%dma_start3A_46 : memref<128xi32, #tpu.memory_space<vmem>>) semaphore(%arg13 : memref<!tpu.dma_semaphore, #tpu.memory_space<semaphore_mem>>)
    %scan3A_50 = arith.constant 0 : i32
    %scan3A_51 = arith.constant 0 : i32
    %scan3A_52 = arith.constant 20 : i32
    %scan3A_53 = arith.addi %scan3A_51, %scan3A_52 : i32
    %scan3A_54 = arith.constant 1 : i32
    scf.for %scan3A_68 = %scan3A_51 to %scan3A_53 step %scan3A_54  : i32 {
      %mul3A_69 = arith.constant 2 : i32
      %mul3A_70 = arith.muli %mul3A_69, %scan3A_68 : i32
      %ge3A = arith.constant 1 : i32
      %ge3A_71 = arith.cmpi sge, %mul3A_70, %ge3A : i32
      %convert_element_type3A_72 = arith.extui %ge3A_71 : i1 to i32
      %cond3A_73 = arith.constant 0 : i32
      %cond3A_74 = arith.cmpi ne, %convert_element_type3A_72, %cond3A_73 : i32
      scf.if %cond3A_74 {
        %sub3A = arith.constant 1 : i32
        %sub3A_122 = arith.subi %mul3A_70, %sub3A : i32
        %dma_wait3A_123 = arith.constant 0 : i32
        %dma_wait3A_124 = tpu.memref_slice %arg9[%sub3A_122, %dma_wait3A_123] : memref<40x128xi32, #tpu.memory_space<vmem>> -> memref<1x128xi32, #tpu.memory_space<vmem>>
        %dma_wait3A_125 = tpu.memref_squeeze %dma_wait3A_124 : memref<1x128xi32, #tpu.memory_space<vmem>> -> memref<128xi32, #tpu.memory_space<vmem>>
        %dma_wait3A_126 = arith.constant 0 : i32
        %dma_wait3A_127 = arith.constant 0 : i32
        %dma_wait3A_128 = tpu.memref_slice %arg12[%dma_wait3A_126, %dma_wait3A_127] : memref<10240x128xf32, #tpu.memory_space<vmem_shared>> -> memref<10240x128xf32, #tpu.memory_space<vmem_shared>>
        tpu.wait_indirect_dma semaphore(%arg16 : memref<!tpu.dma_semaphore, #tpu.memory_space<semaphore_mem>>) src(%arg11 : memref<128x128xf32, #tpu.memory_space<vmem>>) dst(%dma_wait3A_128 : memref<10240x128xf32, #tpu.memory_space<vmem_shared>>)
      } else {
      }
      %add3A_75 = arith.constant 1 : i32
      %add3A_76 = arith.addi %mul3A_70, %add3A_75 : i32
      %lt3A_77 = arith.constant 40 : i32
      %lt3A_78 = arith.cmpi slt, %add3A_76, %lt3A_77 : i32
      %convert_element_type3A_79 = arith.extui %lt3A_78 : i1 to i32
      %cond3A_80 = arith.constant 0 : i32
      %cond3A_81 = arith.cmpi ne, %convert_element_type3A_79, %cond3A_80 : i32
      scf.if %cond3A_81 {
        %add3A_122 = arith.constant 1 : i32
        %add3A_123 = arith.addi %mul3A_70, %add3A_122 : i32
        %dma_start3A_124 = arith.constant 0 : i32
        %dma_start3A_125 = tpu.memref_slice %arg8[%add3A_123, %dma_start3A_124] : memref<40x128xi32, #tpu.memory_space<vmem>> -> memref<1x128xi32, #tpu.memory_space<vmem>>
        %dma_start3A_126 = tpu.memref_squeeze %dma_start3A_125 : memref<1x128xi32, #tpu.memory_space<vmem>> -> memref<128xi32, #tpu.memory_space<vmem>>
        %dma_start3A_127 = arith.constant 0 : i32
        %dma_start3A_128 = arith.constant 0 : i32
        %dma_start3A_129 = tpu.memref_slice %arg2[%dma_start3A_127, %dma_start3A_128] : memref<20000x128xf32, #tpu.memory_space<hbm>> -> memref<20000x128xf32, #tpu.memory_space<hbm>>
        tpu.enqueue_indirect_dma source(%dma_start3A_129 : memref<20000x128xf32, #tpu.memory_space<hbm>>) target(%arg11 : memref<128x128xf32, #tpu.memory_space<vmem>>) offsets(%dma_start3A_126 : memref<128xi32, #tpu.memory_space<vmem>>) semaphore(%arg14 : memref<!tpu.dma_semaphore, #tpu.memory_space<semaphore_mem>>)
      } else {
      }
      %dma_wait3A_82 = arith.constant 0 : i32
      %dma_wait3A_83 = tpu.memref_slice %arg8[%mul3A_70, %dma_wait3A_82] : memref<40x128xi32, #tpu.memory_space<vmem>> -> memref<1x128xi32, #tpu.memory_space<vmem>>
      %dma_wait3A_84 = tpu.memref_squeeze %dma_wait3A_83 : memref<1x128xi32, #tpu.memory_space<vmem>> -> memref<128xi32, #tpu.memory_space<vmem>>
      %dma_wait3A_85 = arith.constant 0 : i32
      %dma_wait3A_86 = arith.constant 0 : i32
      %dma_wait3A_87 = tpu.memref_slice %arg2[%dma_wait3A_85, %dma_wait3A_86] : memref<20000x128xf32, #tpu.memory_space<hbm>> -> memref<20000x128xf32, #tpu.memory_space<hbm>>
      tpu.wait_indirect_dma semaphore(%arg13 : memref<!tpu.dma_semaphore, #tpu.memory_space<semaphore_mem>>) src(%dma_wait3A_87 : memref<20000x128xf32, #tpu.memory_space<hbm>>) dst(%arg10 : memref<128x128xf32, #tpu.memory_space<vmem>>)
      %dma_start3A_88 = arith.constant 0 : i32
      %dma_start3A_89 = tpu.memref_slice %arg9[%mul3A_70, %dma_start3A_88] : memref<40x128xi32, #tpu.memory_space<vmem>> -> memref<1x128xi32, #tpu.memory_space<vmem>>
      %dma_start3A_90 = tpu.memref_squeeze %dma_start3A_89 : memref<1x128xi32, #tpu.memory_space<vmem>> -> memref<128xi32, #tpu.memory_space<vmem>>
      %dma_start3A_91 = arith.constant 0 : i32
      %dma_start3A_92 = arith.constant 0 : i32
      %dma_start3A_93 = tpu.memref_slice %arg12[%dma_start3A_91, %dma_start3A_92] : memref<10240x128xf32, #tpu.memory_space<vmem_shared>> -> memref<10240x128xf32, #tpu.memory_space<vmem_shared>>
      tpu.enqueue_indirect_dma source(%arg10 : memref<128x128xf32, #tpu.memory_space<vmem>>) target(%dma_start3A_93 : memref<10240x128xf32, #tpu.memory_space<vmem_shared>>) offsets(%dma_start3A_90 : memref<128xi32, #tpu.memory_space<vmem>>) semaphore(%arg15 : memref<!tpu.dma_semaphore, #tpu.memory_space<semaphore_mem>>) {add = true}
      %mul3A_94 = arith.constant 2 : i32
      %mul3A_95 = arith.muli %mul3A_94, %scan3A_68 : i32
      %add3A_96 = arith.constant 1 : i32
      %add3A_97 = arith.addi %mul3A_95, %add3A_96 : i32
      %ge3A_98 = arith.constant 1 : i32
      %ge3A_99 = arith.cmpi sge, %add3A_97, %ge3A_98 : i32
      %convert_element_type3A_100 = arith.extui %ge3A_99 : i1 to i32
      %cond3A_101 = arith.constant 0 : i32
      %cond3A_102 = arith.cmpi ne, %convert_element_type3A_100, %cond3A_101 : i32
      scf.if %cond3A_102 {
        %sub3A = arith.constant 1 : i32
        %sub3A_122 = arith.subi %add3A_97, %sub3A : i32
        %dma_wait3A_123 = arith.constant 0 : i32
        %dma_wait3A_124 = tpu.memref_slice %arg9[%sub3A_122, %dma_wait3A_123] : memref<40x128xi32, #tpu.memory_space<vmem>> -> memref<1x128xi32, #tpu.memory_space<vmem>>
        %dma_wait3A_125 = tpu.memref_squeeze %dma_wait3A_124 : memref<1x128xi32, #tpu.memory_space<vmem>> -> memref<128xi32, #tpu.memory_space<vmem>>
        %dma_wait3A_126 = arith.constant 0 : i32
        %dma_wait3A_127 = arith.constant 0 : i32
        %dma_wait3A_128 = tpu.memref_slice %arg12[%dma_wait3A_126, %dma_wait3A_127] : memref<10240x128xf32, #tpu.memory_space<vmem_shared>> -> memref<10240x128xf32, #tpu.memory_space<vmem_shared>>
        tpu.wait_indirect_dma semaphore(%arg15 : memref<!tpu.dma_semaphore, #tpu.memory_space<semaphore_mem>>) src(%arg10 : memref<128x128xf32, #tpu.memory_space<vmem>>) dst(%dma_wait3A_128 : memref<10240x128xf32, #tpu.memory_space<vmem_shared>>)
      } else {
      }
      %add3A_103 = arith.constant 1 : i32
      %add3A_104 = arith.addi %add3A_97, %add3A_103 : i32
      %lt3A_105 = arith.constant 40 : i32
      %lt3A_106 = arith.cmpi slt, %add3A_104, %lt3A_105 : i32
      %convert_element_type3A_107 = arith.extui %lt3A_106 : i1 to i32
      %cond3A_108 = arith.constant 0 : i32
      %cond3A_109 = arith.cmpi ne, %convert_element_type3A_107, %cond3A_108 : i32
      scf.if %cond3A_109 {
        %add3A_122 = arith.constant 1 : i32
        %add3A_123 = arith.addi %add3A_97, %add3A_122 : i32
        %dma_start3A_124 = arith.constant 0 : i32
        %dma_start3A_125 = tpu.memref_slice %arg8[%add3A_123, %dma_start3A_124] : memref<40x128xi32, #tpu.memory_space<vmem>> -> memref<1x128xi32, #tpu.memory_space<vmem>>
        %dma_start3A_126 = tpu.memref_squeeze %dma_start3A_125 : memref<1x128xi32, #tpu.memory_space<vmem>> -> memref<128xi32, #tpu.memory_space<vmem>>
        %dma_start3A_127 = arith.constant 0 : i32
        %dma_start3A_128 = arith.constant 0 : i32
        %dma_start3A_129 = tpu.memref_slice %arg2[%dma_start3A_127, %dma_start3A_128] : memref<20000x128xf32, #tpu.memory_space<hbm>> -> memref<20000x128xf32, #tpu.memory_space<hbm>>
        tpu.enqueue_indirect_dma source(%dma_start3A_129 : memref<20000x128xf32, #tpu.memory_space<hbm>>) target(%arg10 : memref<128x128xf32, #tpu.memory_space<vmem>>) offsets(%dma_start3A_126 : memref<128xi32, #tpu.memory_space<vmem>>) semaphore(%arg13 : memref<!tpu.dma_semaphore, #tpu.memory_space<semaphore_mem>>)
      } else {
      }
      %dma_wait3A_110 = arith.constant 0 : i32
      %dma_wait3A_111 = tpu.memref_slice %arg8[%add3A_97, %dma_wait3A_110] : memref<40x128xi32, #tpu.memory_space<vmem>> -> memref<1x128xi32, #tpu.memory_space<vmem>>
      %dma_wait3A_112 = tpu.memref_squeeze %dma_wait3A_111 : memref<1x128xi32, #tpu.memory_space<vmem>> -> memref<128xi32, #tpu.memory_space<vmem>>
      %dma_wait3A_113 = arith.constant 0 : i32
      %dma_wait3A_114 = arith.constant 0 : i32
      %dma_wait3A_115 = tpu.memref_slice %arg2[%dma_wait3A_113, %dma_wait3A_114] : memref<20000x128xf32, #tpu.memory_space<hbm>> -> memref<20000x128xf32, #tpu.memory_space<hbm>>
      tpu.wait_indirect_dma semaphore(%arg14 : memref<!tpu.dma_semaphore, #tpu.memory_space<semaphore_mem>>) src(%dma_wait3A_115 : memref<20000x128xf32, #tpu.memory_space<hbm>>) dst(%arg11 : memref<128x128xf32, #tpu.memory_space<vmem>>)
      %dma_start3A_116 = arith.constant 0 : i32
      %dma_start3A_117 = tpu.memref_slice %arg9[%add3A_97, %dma_start3A_116] : memref<40x128xi32, #tpu.memory_space<vmem>> -> memref<1x128xi32, #tpu.memory_space<vmem>>
      %dma_start3A_118 = tpu.memref_squeeze %dma_start3A_117 : memref<1x128xi32, #tpu.memory_space<vmem>> -> memref<128xi32, #tpu.memory_space<vmem>>
      %dma_start3A_119 = arith.constant 0 : i32
      %dma_start3A_120 = arith.constant 0 : i32
      %dma_start3A_121 = tpu.memref_slice %arg12[%dma_start3A_119, %dma_start3A_120] : memref<10240x128xf32, #tpu.memory_space<vmem_shared>> -> memref<10240x128xf32, #tpu.memory_space<vmem_shared>>
      tpu.enqueue_indirect_dma source(%arg11 : memref<128x128xf32, #tpu.memory_space<vmem>>) target(%dma_start3A_121 : memref<10240x128xf32, #tpu.memory_space<vmem_shared>>) offsets(%dma_start3A_118 : memref<128xi32, #tpu.memory_space<vmem>>) semaphore(%arg16 : memref<!tpu.dma_semaphore, #tpu.memory_space<semaphore_mem>>) {add = true}
    }
    %scan3A_55 = arith.constant 20 : i32
    %dma_wait3A_56 = arith.constant 39 : i32
    %dma_wait3A_57 = arith.constant 0 : i32
    %dma_wait3A_58 = tpu.memref_slice %arg9[%dma_wait3A_56, %dma_wait3A_57] : memref<40x128xi32, #tpu.memory_space<vmem>> -> memref<1x128xi32, #tpu.memory_space<vmem>>
    %dma_wait3A_59 = tpu.memref_squeeze %dma_wait3A_58 : memref<1x128xi32, #tpu.memory_space<vmem>> -> memref<128xi32, #tpu.memory_space<vmem>>
    %dma_wait3A_60 = arith.constant 0 : i32
    %dma_wait3A_61 = arith.constant 0 : i32
    %dma_wait3A_62 = tpu.memref_slice %arg12[%dma_wait3A_60, %dma_wait3A_61] : memref<10240x128xf32, #tpu.memory_space<vmem_shared>> -> memref<10240x128xf32, #tpu.memory_space<vmem_shared>>
    tpu.wait_indirect_dma semaphore(%arg16 : memref<!tpu.dma_semaphore, #tpu.memory_space<semaphore_mem>>) src(%arg11 : memref<128x128xf32, #tpu.memory_space<vmem>>) dst(%dma_wait3A_62 : memref<10240x128xf32, #tpu.memory_space<vmem_shared>>)
    %barrier3A_63 = arith.constant 0 : index
    tpu.barrier barrier_id(%barrier3A_63)
    %lt3A = arith.constant 10 : i32
    %lt3A_64 = arith.cmpi slt, %arg1, %lt3A : i32
    %convert_element_type3A_65 = arith.extui %lt3A_64 : i1 to i32
    %cond3A_66 = arith.constant 0 : i32
    %cond3A_67 = arith.cmpi ne, %convert_element_type3A_65, %cond3A_66 : i32
    scf.if %cond3A_67 {
      %mul3A_68 = arith.constant 1000 : i32
      %mul3A_69 = arith.muli %arg1, %mul3A_68 : i32
      %mul3A_70 = arith.constant 10000 : i32
      %mul3A_71 = arith.muli %arg0, %mul3A_70 : i32
      %mul3A_72 = arith.constant 1000 : i32
      %mul3A_73 = arith.muli %arg1, %mul3A_72 : i32
      %add3A_74 = arith.addi %mul3A_71, %mul3A_73 : i32
      "tpu.region"() ({
        %run_scoped3A = tpu.sem_alloc : memref<!tpu.dma_semaphore, #tpu.memory_space<semaphore_mem>>
        %dma_start3A_75 = arith.constant 0 : i32
        %dma_start3A_76 = tpu.memref_slice %arg7[%add3A_74, %dma_start3A_75] : memref<20000x128xf32, #tpu.memory_space<hbm>> -> memref<1000x128xf32, #tpu.memory_space<hbm>>
        %dma_start3A_77 = arith.constant 0 : i32
        %dma_start3A_78 = tpu.memref_slice %arg12[%mul3A_69, %dma_start3A_77] : memref<10240x128xf32, #tpu.memory_space<vmem_shared>> -> memref<1000x128xf32, #tpu.memory_space<vmem_shared>>
        tpu.enqueue_dma source(%dma_start3A_78 : memref<1000x128xf32, #tpu.memory_space<vmem_shared>>) target(%dma_start3A_76 : memref<1000x128xf32, #tpu.memory_space<hbm>>) target_semaphore(%run_scoped3A : memref<!tpu.dma_semaphore, #tpu.memory_space<semaphore_mem>>)
        %dma_wait3A_79 = arith.constant 0 : i32
        %dma_wait3A_80 = tpu.memref_slice %arg7[%add3A_74, %dma_wait3A_79] : memref<20000x128xf32, #tpu.memory_space<hbm>> -> memref<1000x128xf32, #tpu.memory_space<hbm>>
        %dma_wait3A_81 = arith.constant 0 : i32
        %dma_wait3A_82 = tpu.memref_slice %arg12[%mul3A_69, %dma_wait3A_81] : memref<10240x128xf32, #tpu.memory_space<vmem_shared>> -> memref<1000x128xf32, #tpu.memory_space<vmem_shared>>
        tpu.wait_dma2 semaphore(%run_scoped3A : memref<!tpu.dma_semaphore, #tpu.memory_space<semaphore_mem>>) src(%dma_wait3A_82 : memref<1000x128xf32, #tpu.memory_space<vmem_shared>>) dst(%dma_wait3A_80 : memref<1000x128xf32, #tpu.memory_space<hbm>>)
        tpu.yield
      }) : () -> ()
    } else {
    }
    return
  }
}

#map = affine_map<(d0, d1) -> (0, 0)>
module attributes {stable_mosaic.version = 14 : i64} {
  func.func @k(%arg0: i32, %arg1: i32, %arg2: memref<20000x128xf32, #tpu.memory_space<hbm>>, %arg3: memref<1280x128xi32, #tpu.memory_space<hbm>>, %arg4: memref<1280x128xi32, #tpu.memory_space<hbm>>, %arg5: memref<1280x128xi32, #tpu.memory_space<hbm>>, %arg6: memref<10240x128xf32, #tpu.memory_space<hbm>>, %arg7: memref<20000x128xf32, #tpu.memory_space<hbm>>, %arg8: memref<40x128xi32, #tpu.memory_space<vmem>>, %arg9: memref<40x128xi32, #tpu.memory_space<vmem>>, %arg10: memref<128x128xf32, #tpu.memory_space<vmem>>, %arg11: memref<128x128xf32, #tpu.memory_space<vmem>>, %arg12: memref<10240x128xf32, #tpu.memory_space<vmem_shared>>, %arg13: memref<!tpu.dma_semaphore, #tpu.memory_space<semaphore_mem>>, %arg14: memref<!tpu.dma_semaphore, #tpu.memory_space<semaphore_mem>>, %arg15: memref<!tpu.dma_semaphore, #tpu.memory_space<semaphore_mem>>, %arg16: memref<!tpu.dma_semaphore, #tpu.memory_space<semaphore_mem>>) attributes {dimension_semantics = [#tpu.dimension_semantics<core_parallel>, #tpu.dimension_semantics<subcore_parallel>], iteration_bounds = array<i64: 2, 16>, scalar_prefetch = 0 : i64, scratch_operands = 9 : i64, tpu.core_type = #tpu.core_type<sc_vector_subcore>, window_params = [{transform_indices = #map}, {transform_indices = #map}, {transform_indices = #map}, {transform_indices = #map}, {transform_indices = #map}, {transform_indices = #map}]} {
    %mul3A = arith.constant 640 : i32
    %mul3A_0 = arith.muli %arg1, %mul3A : i32
    %mul3A_1 = arith.constant 640 : i32
    %mul3A_2 = arith.muli %arg1, %mul3A_1 : i32
    "tpu.region"() ({
      %run_scoped3A = tpu.sem_alloc : memref<!tpu.dma_semaphore, #tpu.memory_space<semaphore_mem>>
      %dma_start3A_68 = arith.constant 0 : i32
      %dma_start3A_69 = tpu.memref_slice %arg12[%mul3A_2, %dma_start3A_68] : memref<10240x128xf32, #tpu.memory_space<vmem_shared>> -> memref<640x128xf32, #tpu.memory_space<vmem_shared>>
      %dma_start3A_70 = arith.constant 0 : i32
      %dma_start3A_71 = tpu.memref_slice %arg6[%mul3A_0, %dma_start3A_70] : memref<10240x128xf32, #tpu.memory_space<hbm>> -> memref<640x128xf32, #tpu.memory_space<hbm>>
      tpu.enqueue_dma source(%dma_start3A_71 : memref<640x128xf32, #tpu.memory_space<hbm>>) target(%dma_start3A_69 : memref<640x128xf32, #tpu.memory_space<vmem_shared>>) target_semaphore(%run_scoped3A : memref<!tpu.dma_semaphore, #tpu.memory_space<semaphore_mem>>)
      %dma_wait3A_72 = arith.constant 0 : i32
      %dma_wait3A_73 = tpu.memref_slice %arg12[%mul3A_2, %dma_wait3A_72] : memref<10240x128xf32, #tpu.memory_space<vmem_shared>> -> memref<640x128xf32, #tpu.memory_space<vmem_shared>>
      %dma_wait3A_74 = arith.constant 0 : i32
      %dma_wait3A_75 = tpu.memref_slice %arg6[%mul3A_0, %dma_wait3A_74] : memref<10240x128xf32, #tpu.memory_space<hbm>> -> memref<640x128xf32, #tpu.memory_space<hbm>>
      tpu.wait_dma2 semaphore(%run_scoped3A : memref<!tpu.dma_semaphore, #tpu.memory_space<semaphore_mem>>) src(%dma_wait3A_75 : memref<640x128xf32, #tpu.memory_space<hbm>>) dst(%dma_wait3A_73 : memref<640x128xf32, #tpu.memory_space<vmem_shared>>)
      tpu.yield
    }) : () -> ()
    %barrier3A = arith.constant 0 : index
    tpu.barrier barrier_id(%barrier3A)
    %mul3A_3 = arith.constant 80 : i32
    %mul3A_4 = arith.muli %arg1, %mul3A_3 : i32
    %add3A = arith.constant 0 : i32
    %add3A_5 = arith.addi %mul3A_4, %add3A : i32
    %eq3A = arith.constant 0 : i32
    %eq3A_6 = arith.cmpi eq, %arg0, %eq3A : i32
    %convert_element_type3A = arith.extui %eq3A_6 : i1 to i32
    %cond3A = arith.constant 0 : i32
    %cond3A_7 = arith.cmpi ne, %convert_element_type3A, %cond3A : i32
    scf.if %cond3A_7 {
      "tpu.region"() ({
        %run_scoped3A = tpu.sem_alloc : memref<!tpu.dma_semaphore, #tpu.memory_space<semaphore_mem>>
        %dma_start3A_68 = arith.constant 0 : i32
        %dma_start3A_69 = tpu.memref_slice %arg3[%add3A_5, %dma_start3A_68] : memref<1280x128xi32, #tpu.memory_space<hbm>> -> memref<40x128xi32, #tpu.memory_space<hbm>>
        %dma_start3A_70 = arith.constant 0 : i32
        %dma_start3A_71 = tpu.memref_slice %arg3[%add3A_5, %dma_start3A_70] : memref<1280x128xi32, #tpu.memory_space<hbm>> -> memref<40x128xi32, #tpu.memory_space<hbm>>
        tpu.enqueue_dma source(%dma_start3A_71 : memref<40x128xi32, #tpu.memory_space<hbm>>) target(%arg8 : memref<40x128xi32, #tpu.memory_space<vmem>>) target_semaphore(%run_scoped3A : memref<!tpu.dma_semaphore, #tpu.memory_space<semaphore_mem>>)
        %dma_wait3A_72 = arith.constant 0 : i32
        %dma_wait3A_73 = tpu.memref_slice %arg3[%add3A_5, %dma_wait3A_72] : memref<1280x128xi32, #tpu.memory_space<hbm>> -> memref<40x128xi32, #tpu.memory_space<hbm>>
        %dma_wait3A_74 = arith.constant 0 : i32
        %dma_wait3A_75 = tpu.memref_slice %arg3[%add3A_5, %dma_wait3A_74] : memref<1280x128xi32, #tpu.memory_space<hbm>> -> memref<40x128xi32, #tpu.memory_space<hbm>>
        tpu.wait_dma2 semaphore(%run_scoped3A : memref<!tpu.dma_semaphore, #tpu.memory_space<semaphore_mem>>) src(%dma_wait3A_75 : memref<40x128xi32, #tpu.memory_space<hbm>>) dst(%arg8 : memref<40x128xi32, #tpu.memory_space<vmem>>)
        tpu.yield
      }) : () -> ()
    } else {
    }
    %ne3A = arith.constant 0 : i32
    %ne3A_8 = arith.cmpi ne, %arg0, %ne3A : i32
    %convert_element_type3A_9 = arith.extui %ne3A_8 : i1 to i32
    %cond3A_10 = arith.constant 0 : i32
    %cond3A_11 = arith.cmpi ne, %convert_element_type3A_9, %cond3A_10 : i32
    scf.if %cond3A_11 {
      "tpu.region"() ({
        %run_scoped3A = tpu.sem_alloc : memref<!tpu.dma_semaphore, #tpu.memory_space<semaphore_mem>>
        %dma_start3A_68 = arith.constant 0 : i32
        %dma_start3A_69 = tpu.memref_slice %arg4[%add3A_5, %dma_start3A_68] : memref<1280x128xi32, #tpu.memory_space<hbm>> -> memref<40x128xi32, #tpu.memory_space<hbm>>
        %dma_start3A_70 = arith.constant 0 : i32
        %dma_start3A_71 = tpu.memref_slice %arg4[%add3A_5, %dma_start3A_70] : memref<1280x128xi32, #tpu.memory_space<hbm>> -> memref<40x128xi32, #tpu.memory_space<hbm>>
        tpu.enqueue_dma source(%dma_start3A_71 : memref<40x128xi32, #tpu.memory_space<hbm>>) target(%arg8 : memref<40x128xi32, #tpu.memory_space<vmem>>) target_semaphore(%run_scoped3A : memref<!tpu.dma_semaphore, #tpu.memory_space<semaphore_mem>>)
        %dma_wait3A_72 = arith.constant 0 : i32
        %dma_wait3A_73 = tpu.memref_slice %arg4[%add3A_5, %dma_wait3A_72] : memref<1280x128xi32, #tpu.memory_space<hbm>> -> memref<40x128xi32, #tpu.memory_space<hbm>>
        %dma_wait3A_74 = arith.constant 0 : i32
        %dma_wait3A_75 = tpu.memref_slice %arg4[%add3A_5, %dma_wait3A_74] : memref<1280x128xi32, #tpu.memory_space<hbm>> -> memref<40x128xi32, #tpu.memory_space<hbm>>
        tpu.wait_dma2 semaphore(%run_scoped3A : memref<!tpu.dma_semaphore, #tpu.memory_space<semaphore_mem>>) src(%dma_wait3A_75 : memref<40x128xi32, #tpu.memory_space<hbm>>) dst(%arg8 : memref<40x128xi32, #tpu.memory_space<vmem>>)
        tpu.yield
      }) : () -> ()
    } else {
    }
    "tpu.region"() ({
      %run_scoped3A = tpu.sem_alloc : memref<!tpu.dma_semaphore, #tpu.memory_space<semaphore_mem>>
      %dma_start3A_68 = arith.constant 0 : i32
      %dma_start3A_69 = tpu.memref_slice %arg5[%add3A_5, %dma_start3A_68] : memref<1280x128xi32, #tpu.memory_space<hbm>> -> memref<40x128xi32, #tpu.memory_space<hbm>>
      %dma_start3A_70 = arith.constant 0 : i32
      %dma_start3A_71 = tpu.memref_slice %arg5[%add3A_5, %dma_start3A_70] : memref<1280x128xi32, #tpu.memory_space<hbm>> -> memref<40x128xi32, #tpu.memory_space<hbm>>
      tpu.enqueue_dma source(%dma_start3A_71 : memref<40x128xi32, #tpu.memory_space<hbm>>) target(%arg9 : memref<40x128xi32, #tpu.memory_space<vmem>>) target_semaphore(%run_scoped3A : memref<!tpu.dma_semaphore, #tpu.memory_space<semaphore_mem>>)
      %dma_wait3A_72 = arith.constant 0 : i32
      %dma_wait3A_73 = tpu.memref_slice %arg5[%add3A_5, %dma_wait3A_72] : memref<1280x128xi32, #tpu.memory_space<hbm>> -> memref<40x128xi32, #tpu.memory_space<hbm>>
      %dma_wait3A_74 = arith.constant 0 : i32
      %dma_wait3A_75 = tpu.memref_slice %arg5[%add3A_5, %dma_wait3A_74] : memref<1280x128xi32, #tpu.memory_space<hbm>> -> memref<40x128xi32, #tpu.memory_space<hbm>>
      tpu.wait_dma2 semaphore(%run_scoped3A : memref<!tpu.dma_semaphore, #tpu.memory_space<semaphore_mem>>) src(%dma_wait3A_75 : memref<40x128xi32, #tpu.memory_space<hbm>>) dst(%arg9 : memref<40x128xi32, #tpu.memory_space<vmem>>)
      tpu.yield
    }) : () -> ()
    %dma_start3A = arith.constant 0 : i32
    %dma_start3A_12 = arith.constant 0 : i32
    %dma_start3A_13 = tpu.memref_slice %arg8[%dma_start3A, %dma_start3A_12] : memref<40x128xi32, #tpu.memory_space<vmem>> -> memref<1x128xi32, #tpu.memory_space<vmem>>
    %dma_start3A_14 = tpu.memref_squeeze %dma_start3A_13 : memref<1x128xi32, #tpu.memory_space<vmem>> -> memref<128xi32, #tpu.memory_space<vmem>>
    %dma_start3A_15 = arith.constant 0 : i32
    %dma_start3A_16 = arith.constant 0 : i32
    %dma_start3A_17 = tpu.memref_slice %arg2[%dma_start3A_15, %dma_start3A_16] : memref<20000x128xf32, #tpu.memory_space<hbm>> -> memref<20000x128xf32, #tpu.memory_space<hbm>>
    tpu.enqueue_indirect_dma source(%dma_start3A_17 : memref<20000x128xf32, #tpu.memory_space<hbm>>) target(%arg10 : memref<128x128xf32, #tpu.memory_space<vmem>>) offsets(%dma_start3A_14 : memref<128xi32, #tpu.memory_space<vmem>>) semaphore(%arg13 : memref<!tpu.dma_semaphore, #tpu.memory_space<semaphore_mem>>)
    %scan3A = arith.constant 0 : i32
    %scan3A_18 = arith.constant 0 : i32
    %scan3A_19 = arith.constant 20 : i32
    %scan3A_20 = arith.addi %scan3A_18, %scan3A_19 : i32
    %scan3A_21 = arith.constant 1 : i32
    scf.for %scan3A_68 = %scan3A_18 to %scan3A_20 step %scan3A_21  : i32 {
      %mul3A_69 = arith.constant 2 : i32
      %mul3A_70 = arith.muli %mul3A_69, %scan3A_68 : i32
      %ge3A = arith.constant 1 : i32
      %ge3A_71 = arith.cmpi sge, %mul3A_70, %ge3A : i32
      %convert_element_type3A_72 = arith.extui %ge3A_71 : i1 to i32
      %cond3A_73 = arith.constant 0 : i32
      %cond3A_74 = arith.cmpi ne, %convert_element_type3A_72, %cond3A_73 : i32
      scf.if %cond3A_74 {
        %sub3A = arith.constant 1 : i32
        %sub3A_122 = arith.subi %mul3A_70, %sub3A : i32
        %dma_wait3A_123 = arith.constant 0 : i32
        %dma_wait3A_124 = tpu.memref_slice %arg9[%sub3A_122, %dma_wait3A_123] : memref<40x128xi32, #tpu.memory_space<vmem>> -> memref<1x128xi32, #tpu.memory_space<vmem>>
        %dma_wait3A_125 = tpu.memref_squeeze %dma_wait3A_124 : memref<1x128xi32, #tpu.memory_space<vmem>> -> memref<128xi32, #tpu.memory_space<vmem>>
        %dma_wait3A_126 = arith.constant 0 : i32
        %dma_wait3A_127 = arith.constant 0 : i32
        %dma_wait3A_128 = tpu.memref_slice %arg12[%dma_wait3A_126, %dma_wait3A_127] : memref<10240x128xf32, #tpu.memory_space<vmem_shared>> -> memref<10240x128xf32, #tpu.memory_space<vmem_shared>>
        tpu.wait_indirect_dma semaphore(%arg16 : memref<!tpu.dma_semaphore, #tpu.memory_space<semaphore_mem>>) src(%arg11 : memref<128x128xf32, #tpu.memory_space<vmem>>) dst(%dma_wait3A_128 : memref<10240x128xf32, #tpu.memory_space<vmem_shared>>)
      } else {
      }
      %add3A_75 = arith.constant 1 : i32
      %add3A_76 = arith.addi %mul3A_70, %add3A_75 : i32
      %lt3A_77 = arith.constant 40 : i32
      %lt3A_78 = arith.cmpi slt, %add3A_76, %lt3A_77 : i32
      %convert_element_type3A_79 = arith.extui %lt3A_78 : i1 to i32
      %cond3A_80 = arith.constant 0 : i32
      %cond3A_81 = arith.cmpi ne, %convert_element_type3A_79, %cond3A_80 : i32
      scf.if %cond3A_81 {
        %add3A_122 = arith.constant 1 : i32
        %add3A_123 = arith.addi %mul3A_70, %add3A_122 : i32
        %dma_start3A_124 = arith.constant 0 : i32
        %dma_start3A_125 = tpu.memref_slice %arg8[%add3A_123, %dma_start3A_124] : memref<40x128xi32, #tpu.memory_space<vmem>> -> memref<1x128xi32, #tpu.memory_space<vmem>>
        %dma_start3A_126 = tpu.memref_squeeze %dma_start3A_125 : memref<1x128xi32, #tpu.memory_space<vmem>> -> memref<128xi32, #tpu.memory_space<vmem>>
        %dma_start3A_127 = arith.constant 0 : i32
        %dma_start3A_128 = arith.constant 0 : i32
        %dma_start3A_129 = tpu.memref_slice %arg2[%dma_start3A_127, %dma_start3A_128] : memref<20000x128xf32, #tpu.memory_space<hbm>> -> memref<20000x128xf32, #tpu.memory_space<hbm>>
        tpu.enqueue_indirect_dma source(%dma_start3A_129 : memref<20000x128xf32, #tpu.memory_space<hbm>>) target(%arg11 : memref<128x128xf32, #tpu.memory_space<vmem>>) offsets(%dma_start3A_126 : memref<128xi32, #tpu.memory_space<vmem>>) semaphore(%arg14 : memref<!tpu.dma_semaphore, #tpu.memory_space<semaphore_mem>>)
      } else {
      }
      %dma_wait3A_82 = arith.constant 0 : i32
      %dma_wait3A_83 = tpu.memref_slice %arg8[%mul3A_70, %dma_wait3A_82] : memref<40x128xi32, #tpu.memory_space<vmem>> -> memref<1x128xi32, #tpu.memory_space<vmem>>
      %dma_wait3A_84 = tpu.memref_squeeze %dma_wait3A_83 : memref<1x128xi32, #tpu.memory_space<vmem>> -> memref<128xi32, #tpu.memory_space<vmem>>
      %dma_wait3A_85 = arith.constant 0 : i32
      %dma_wait3A_86 = arith.constant 0 : i32
      %dma_wait3A_87 = tpu.memref_slice %arg2[%dma_wait3A_85, %dma_wait3A_86] : memref<20000x128xf32, #tpu.memory_space<hbm>> -> memref<20000x128xf32, #tpu.memory_space<hbm>>
      tpu.wait_indirect_dma semaphore(%arg13 : memref<!tpu.dma_semaphore, #tpu.memory_space<semaphore_mem>>) src(%dma_wait3A_87 : memref<20000x128xf32, #tpu.memory_space<hbm>>) dst(%arg10 : memref<128x128xf32, #tpu.memory_space<vmem>>)
      %dma_start3A_88 = arith.constant 0 : i32
      %dma_start3A_89 = tpu.memref_slice %arg9[%mul3A_70, %dma_start3A_88] : memref<40x128xi32, #tpu.memory_space<vmem>> -> memref<1x128xi32, #tpu.memory_space<vmem>>
      %dma_start3A_90 = tpu.memref_squeeze %dma_start3A_89 : memref<1x128xi32, #tpu.memory_space<vmem>> -> memref<128xi32, #tpu.memory_space<vmem>>
      %dma_start3A_91 = arith.constant 0 : i32
      %dma_start3A_92 = arith.constant 0 : i32
      %dma_start3A_93 = tpu.memref_slice %arg12[%dma_start3A_91, %dma_start3A_92] : memref<10240x128xf32, #tpu.memory_space<vmem_shared>> -> memref<10240x128xf32, #tpu.memory_space<vmem_shared>>
      tpu.enqueue_indirect_dma source(%arg10 : memref<128x128xf32, #tpu.memory_space<vmem>>) target(%dma_start3A_93 : memref<10240x128xf32, #tpu.memory_space<vmem_shared>>) offsets(%dma_start3A_90 : memref<128xi32, #tpu.memory_space<vmem>>) semaphore(%arg15 : memref<!tpu.dma_semaphore, #tpu.memory_space<semaphore_mem>>) {add = true}
      %mul3A_94 = arith.constant 2 : i32
      %mul3A_95 = arith.muli %mul3A_94, %scan3A_68 : i32
      %add3A_96 = arith.constant 1 : i32
      %add3A_97 = arith.addi %mul3A_95, %add3A_96 : i32
      %ge3A_98 = arith.constant 1 : i32
      %ge3A_99 = arith.cmpi sge, %add3A_97, %ge3A_98 : i32
      %convert_element_type3A_100 = arith.extui %ge3A_99 : i1 to i32
      %cond3A_101 = arith.constant 0 : i32
      %cond3A_102 = arith.cmpi ne, %convert_element_type3A_100, %cond3A_101 : i32
      scf.if %cond3A_102 {
        %sub3A = arith.constant 1 : i32
        %sub3A_122 = arith.subi %add3A_97, %sub3A : i32
        %dma_wait3A_123 = arith.constant 0 : i32
        %dma_wait3A_124 = tpu.memref_slice %arg9[%sub3A_122, %dma_wait3A_123] : memref<40x128xi32, #tpu.memory_space<vmem>> -> memref<1x128xi32, #tpu.memory_space<vmem>>
        %dma_wait3A_125 = tpu.memref_squeeze %dma_wait3A_124 : memref<1x128xi32, #tpu.memory_space<vmem>> -> memref<128xi32, #tpu.memory_space<vmem>>
        %dma_wait3A_126 = arith.constant 0 : i32
        %dma_wait3A_127 = arith.constant 0 : i32
        %dma_wait3A_128 = tpu.memref_slice %arg12[%dma_wait3A_126, %dma_wait3A_127] : memref<10240x128xf32, #tpu.memory_space<vmem_shared>> -> memref<10240x128xf32, #tpu.memory_space<vmem_shared>>
        tpu.wait_indirect_dma semaphore(%arg15 : memref<!tpu.dma_semaphore, #tpu.memory_space<semaphore_mem>>) src(%arg10 : memref<128x128xf32, #tpu.memory_space<vmem>>) dst(%dma_wait3A_128 : memref<10240x128xf32, #tpu.memory_space<vmem_shared>>)
      } else {
      }
      %add3A_103 = arith.constant 1 : i32
      %add3A_104 = arith.addi %add3A_97, %add3A_103 : i32
      %lt3A_105 = arith.constant 40 : i32
      %lt3A_106 = arith.cmpi slt, %add3A_104, %lt3A_105 : i32
      %convert_element_type3A_107 = arith.extui %lt3A_106 : i1 to i32
      %cond3A_108 = arith.constant 0 : i32
      %cond3A_109 = arith.cmpi ne, %convert_element_type3A_107, %cond3A_108 : i32
      scf.if %cond3A_109 {
        %add3A_122 = arith.constant 1 : i32
        %add3A_123 = arith.addi %add3A_97, %add3A_122 : i32
        %dma_start3A_124 = arith.constant 0 : i32
        %dma_start3A_125 = tpu.memref_slice %arg8[%add3A_123, %dma_start3A_124] : memref<40x128xi32, #tpu.memory_space<vmem>> -> memref<1x128xi32, #tpu.memory_space<vmem>>
        %dma_start3A_126 = tpu.memref_squeeze %dma_start3A_125 : memref<1x128xi32, #tpu.memory_space<vmem>> -> memref<128xi32, #tpu.memory_space<vmem>>
        %dma_start3A_127 = arith.constant 0 : i32
        %dma_start3A_128 = arith.constant 0 : i32
        %dma_start3A_129 = tpu.memref_slice %arg2[%dma_start3A_127, %dma_start3A_128] : memref<20000x128xf32, #tpu.memory_space<hbm>> -> memref<20000x128xf32, #tpu.memory_space<hbm>>
        tpu.enqueue_indirect_dma source(%dma_start3A_129 : memref<20000x128xf32, #tpu.memory_space<hbm>>) target(%arg10 : memref<128x128xf32, #tpu.memory_space<vmem>>) offsets(%dma_start3A_126 : memref<128xi32, #tpu.memory_space<vmem>>) semaphore(%arg13 : memref<!tpu.dma_semaphore, #tpu.memory_space<semaphore_mem>>)
      } else {
      }
      %dma_wait3A_110 = arith.constant 0 : i32
      %dma_wait3A_111 = tpu.memref_slice %arg8[%add3A_97, %dma_wait3A_110] : memref<40x128xi32, #tpu.memory_space<vmem>> -> memref<1x128xi32, #tpu.memory_space<vmem>>
      %dma_wait3A_112 = tpu.memref_squeeze %dma_wait3A_111 : memref<1x128xi32, #tpu.memory_space<vmem>> -> memref<128xi32, #tpu.memory_space<vmem>>
      %dma_wait3A_113 = arith.constant 0 : i32
      %dma_wait3A_114 = arith.constant 0 : i32
      %dma_wait3A_115 = tpu.memref_slice %arg2[%dma_wait3A_113, %dma_wait3A_114] : memref<20000x128xf32, #tpu.memory_space<hbm>> -> memref<20000x128xf32, #tpu.memory_space<hbm>>
      tpu.wait_indirect_dma semaphore(%arg14 : memref<!tpu.dma_semaphore, #tpu.memory_space<semaphore_mem>>) src(%dma_wait3A_115 : memref<20000x128xf32, #tpu.memory_space<hbm>>) dst(%arg11 : memref<128x128xf32, #tpu.memory_space<vmem>>)
      %dma_start3A_116 = arith.constant 0 : i32
      %dma_start3A_117 = tpu.memref_slice %arg9[%add3A_97, %dma_start3A_116] : memref<40x128xi32, #tpu.memory_space<vmem>> -> memref<1x128xi32, #tpu.memory_space<vmem>>
      %dma_start3A_118 = tpu.memref_squeeze %dma_start3A_117 : memref<1x128xi32, #tpu.memory_space<vmem>> -> memref<128xi32, #tpu.memory_space<vmem>>
      %dma_start3A_119 = arith.constant 0 : i32
      %dma_start3A_120 = arith.constant 0 : i32
      %dma_start3A_121 = tpu.memref_slice %arg12[%dma_start3A_119, %dma_start3A_120] : memref<10240x128xf32, #tpu.memory_space<vmem_shared>> -> memref<10240x128xf32, #tpu.memory_space<vmem_shared>>
      tpu.enqueue_indirect_dma source(%arg11 : memref<128x128xf32, #tpu.memory_space<vmem>>) target(%dma_start3A_121 : memref<10240x128xf32, #tpu.memory_space<vmem_shared>>) offsets(%dma_start3A_118 : memref<128xi32, #tpu.memory_space<vmem>>) semaphore(%arg16 : memref<!tpu.dma_semaphore, #tpu.memory_space<semaphore_mem>>) {add = true}
    }
    %scan3A_22 = arith.constant 20 : i32
    %dma_wait3A = arith.constant 39 : i32
    %dma_wait3A_23 = arith.constant 0 : i32
    %dma_wait3A_24 = tpu.memref_slice %arg9[%dma_wait3A, %dma_wait3A_23] : memref<40x128xi32, #tpu.memory_space<vmem>> -> memref<1x128xi32, #tpu.memory_space<vmem>>
    %dma_wait3A_25 = tpu.memref_squeeze %dma_wait3A_24 : memref<1x128xi32, #tpu.memory_space<vmem>> -> memref<128xi32, #tpu.memory_space<vmem>>
    %dma_wait3A_26 = arith.constant 0 : i32
    %dma_wait3A_27 = arith.constant 0 : i32
    %dma_wait3A_28 = tpu.memref_slice %arg12[%dma_wait3A_26, %dma_wait3A_27] : memref<10240x128xf32, #tpu.memory_space<vmem_shared>> -> memref<10240x128xf32, #tpu.memory_space<vmem_shared>>
    tpu.wait_indirect_dma semaphore(%arg16 : memref<!tpu.dma_semaphore, #tpu.memory_space<semaphore_mem>>) src(%arg11 : memref<128x128xf32, #tpu.memory_space<vmem>>) dst(%dma_wait3A_28 : memref<10240x128xf32, #tpu.memory_space<vmem_shared>>)
    %mul3A_29 = arith.constant 80 : i32
    %mul3A_30 = arith.muli %arg1, %mul3A_29 : i32
    %add3A_31 = arith.constant 40 : i32
    %add3A_32 = arith.addi %mul3A_30, %add3A_31 : i32
    %eq3A_33 = arith.constant 0 : i32
    %eq3A_34 = arith.cmpi eq, %arg0, %eq3A_33 : i32
    %convert_element_type3A_35 = arith.extui %eq3A_34 : i1 to i32
    %cond3A_36 = arith.constant 0 : i32
    %cond3A_37 = arith.cmpi ne, %convert_element_type3A_35, %cond3A_36 : i32
    scf.if %cond3A_37 {
      "tpu.region"() ({
        %run_scoped3A = tpu.sem_alloc : memref<!tpu.dma_semaphore, #tpu.memory_space<semaphore_mem>>
        %dma_start3A_68 = arith.constant 0 : i32
        %dma_start3A_69 = tpu.memref_slice %arg3[%add3A_32, %dma_start3A_68] : memref<1280x128xi32, #tpu.memory_space<hbm>> -> memref<40x128xi32, #tpu.memory_space<hbm>>
        %dma_start3A_70 = arith.constant 0 : i32
        %dma_start3A_71 = tpu.memref_slice %arg3[%add3A_32, %dma_start3A_70] : memref<1280x128xi32, #tpu.memory_space<hbm>> -> memref<40x128xi32, #tpu.memory_space<hbm>>
        tpu.enqueue_dma source(%dma_start3A_71 : memref<40x128xi32, #tpu.memory_space<hbm>>) target(%arg8 : memref<40x128xi32, #tpu.memory_space<vmem>>) target_semaphore(%run_scoped3A : memref<!tpu.dma_semaphore, #tpu.memory_space<semaphore_mem>>)
        %dma_wait3A_72 = arith.constant 0 : i32
        %dma_wait3A_73 = tpu.memref_slice %arg3[%add3A_32, %dma_wait3A_72] : memref<1280x128xi32, #tpu.memory_space<hbm>> -> memref<40x128xi32, #tpu.memory_space<hbm>>
        %dma_wait3A_74 = arith.constant 0 : i32
        %dma_wait3A_75 = tpu.memref_slice %arg3[%add3A_32, %dma_wait3A_74] : memref<1280x128xi32, #tpu.memory_space<hbm>> -> memref<40x128xi32, #tpu.memory_space<hbm>>
        tpu.wait_dma2 semaphore(%run_scoped3A : memref<!tpu.dma_semaphore, #tpu.memory_space<semaphore_mem>>) src(%dma_wait3A_75 : memref<40x128xi32, #tpu.memory_space<hbm>>) dst(%arg8 : memref<40x128xi32, #tpu.memory_space<vmem>>)
        tpu.yield
      }) : () -> ()
    } else {
    }
    %ne3A_38 = arith.constant 0 : i32
    %ne3A_39 = arith.cmpi ne, %arg0, %ne3A_38 : i32
    %convert_element_type3A_40 = arith.extui %ne3A_39 : i1 to i32
    %cond3A_41 = arith.constant 0 : i32
    %cond3A_42 = arith.cmpi ne, %convert_element_type3A_40, %cond3A_41 : i32
    scf.if %cond3A_42 {
      "tpu.region"() ({
        %run_scoped3A = tpu.sem_alloc : memref<!tpu.dma_semaphore, #tpu.memory_space<semaphore_mem>>
        %dma_start3A_68 = arith.constant 0 : i32
        %dma_start3A_69 = tpu.memref_slice %arg4[%add3A_32, %dma_start3A_68] : memref<1280x128xi32, #tpu.memory_space<hbm>> -> memref<40x128xi32, #tpu.memory_space<hbm>>
        %dma_start3A_70 = arith.constant 0 : i32
        %dma_start3A_71 = tpu.memref_slice %arg4[%add3A_32, %dma_start3A_70] : memref<1280x128xi32, #tpu.memory_space<hbm>> -> memref<40x128xi32, #tpu.memory_space<hbm>>
        tpu.enqueue_dma source(%dma_start3A_71 : memref<40x128xi32, #tpu.memory_space<hbm>>) target(%arg8 : memref<40x128xi32, #tpu.memory_space<vmem>>) target_semaphore(%run_scoped3A : memref<!tpu.dma_semaphore, #tpu.memory_space<semaphore_mem>>)
        %dma_wait3A_72 = arith.constant 0 : i32
        %dma_wait3A_73 = tpu.memref_slice %arg4[%add3A_32, %dma_wait3A_72] : memref<1280x128xi32, #tpu.memory_space<hbm>> -> memref<40x128xi32, #tpu.memory_space<hbm>>
        %dma_wait3A_74 = arith.constant 0 : i32
        %dma_wait3A_75 = tpu.memref_slice %arg4[%add3A_32, %dma_wait3A_74] : memref<1280x128xi32, #tpu.memory_space<hbm>> -> memref<40x128xi32, #tpu.memory_space<hbm>>
        tpu.wait_dma2 semaphore(%run_scoped3A : memref<!tpu.dma_semaphore, #tpu.memory_space<semaphore_mem>>) src(%dma_wait3A_75 : memref<40x128xi32, #tpu.memory_space<hbm>>) dst(%arg8 : memref<40x128xi32, #tpu.memory_space<vmem>>)
        tpu.yield
      }) : () -> ()
    } else {
    }
    "tpu.region"() ({
      %run_scoped3A = tpu.sem_alloc : memref<!tpu.dma_semaphore, #tpu.memory_space<semaphore_mem>>
      %dma_start3A_68 = arith.constant 0 : i32
      %dma_start3A_69 = tpu.memref_slice %arg5[%add3A_32, %dma_start3A_68] : memref<1280x128xi32, #tpu.memory_space<hbm>> -> memref<40x128xi32, #tpu.memory_space<hbm>>
      %dma_start3A_70 = arith.constant 0 : i32
      %dma_start3A_71 = tpu.memref_slice %arg5[%add3A_32, %dma_start3A_70] : memref<1280x128xi32, #tpu.memory_space<hbm>> -> memref<40x128xi32, #tpu.memory_space<hbm>>
      tpu.enqueue_dma source(%dma_start3A_71 : memref<40x128xi32, #tpu.memory_space<hbm>>) target(%arg9 : memref<40x128xi32, #tpu.memory_space<vmem>>) target_semaphore(%run_scoped3A : memref<!tpu.dma_semaphore, #tpu.memory_space<semaphore_mem>>)
      %dma_wait3A_72 = arith.constant 0 : i32
      %dma_wait3A_73 = tpu.memref_slice %arg5[%add3A_32, %dma_wait3A_72] : memref<1280x128xi32, #tpu.memory_space<hbm>> -> memref<40x128xi32, #tpu.memory_space<hbm>>
      %dma_wait3A_74 = arith.constant 0 : i32
      %dma_wait3A_75 = tpu.memref_slice %arg5[%add3A_32, %dma_wait3A_74] : memref<1280x128xi32, #tpu.memory_space<hbm>> -> memref<40x128xi32, #tpu.memory_space<hbm>>
      tpu.wait_dma2 semaphore(%run_scoped3A : memref<!tpu.dma_semaphore, #tpu.memory_space<semaphore_mem>>) src(%dma_wait3A_75 : memref<40x128xi32, #tpu.memory_space<hbm>>) dst(%arg9 : memref<40x128xi32, #tpu.memory_space<vmem>>)
      tpu.yield
    }) : () -> ()
    %dma_start3A_43 = arith.constant 0 : i32
    %dma_start3A_44 = arith.constant 0 : i32
    %dma_start3A_45 = tpu.memref_slice %arg8[%dma_start3A_43, %dma_start3A_44] : memref<40x128xi32, #tpu.memory_space<vmem>> -> memref<1x128xi32, #tpu.memory_space<vmem>>
    %dma_start3A_46 = tpu.memref_squeeze %dma_start3A_45 : memref<1x128xi32, #tpu.memory_space<vmem>> -> memref<128xi32, #tpu.memory_space<vmem>>
    %dma_start3A_47 = arith.constant 0 : i32
    %dma_start3A_48 = arith.constant 0 : i32
    %dma_start3A_49 = tpu.memref_slice %arg2[%dma_start3A_47, %dma_start3A_48] : memref<20000x128xf32, #tpu.memory_space<hbm>> -> memref<20000x128xf32, #tpu.memory_space<hbm>>
    tpu.enqueue_indirect_dma source(%dma_start3A_49 : memref<20000x128xf32, #tpu.memory_space<hbm>>) target(%arg10 : memref<128x128xf32, #tpu.memory_space<vmem>>) offsets(%dma_start3A_46 : memref<128xi32, #tpu.memory_space<vmem>>) semaphore(%arg13 : memref<!tpu.dma_semaphore, #tpu.memory_space<semaphore_mem>>)
    %scan3A_50 = arith.constant 0 : i32
    %scan3A_51 = arith.constant 0 : i32
    %scan3A_52 = arith.constant 20 : i32
    %scan3A_53 = arith.addi %scan3A_51, %scan3A_52 : i32
    %scan3A_54 = arith.constant 1 : i32
    scf.for %scan3A_68 = %scan3A_51 to %scan3A_53 step %scan3A_54  : i32 {
      %mul3A_69 = arith.constant 2 : i32
      %mul3A_70 = arith.muli %mul3A_69, %scan3A_68 : i32
      %ge3A = arith.constant 1 : i32
      %ge3A_71 = arith.cmpi sge, %mul3A_70, %ge3A : i32
      %convert_element_type3A_72 = arith.extui %ge3A_71 : i1 to i32
      %cond3A_73 = arith.constant 0 : i32
      %cond3A_74 = arith.cmpi ne, %convert_element_type3A_72, %cond3A_73 : i32
      scf.if %cond3A_74 {
        %sub3A = arith.constant 1 : i32
        %sub3A_122 = arith.subi %mul3A_70, %sub3A : i32
        %dma_wait3A_123 = arith.constant 0 : i32
        %dma_wait3A_124 = tpu.memref_slice %arg9[%sub3A_122, %dma_wait3A_123] : memref<40x128xi32, #tpu.memory_space<vmem>> -> memref<1x128xi32, #tpu.memory_space<vmem>>
        %dma_wait3A_125 = tpu.memref_squeeze %dma_wait3A_124 : memref<1x128xi32, #tpu.memory_space<vmem>> -> memref<128xi32, #tpu.memory_space<vmem>>
        %dma_wait3A_126 = arith.constant 0 : i32
        %dma_wait3A_127 = arith.constant 0 : i32
        %dma_wait3A_128 = tpu.memref_slice %arg12[%dma_wait3A_126, %dma_wait3A_127] : memref<10240x128xf32, #tpu.memory_space<vmem_shared>> -> memref<10240x128xf32, #tpu.memory_space<vmem_shared>>
        tpu.wait_indirect_dma semaphore(%arg16 : memref<!tpu.dma_semaphore, #tpu.memory_space<semaphore_mem>>) src(%arg11 : memref<128x128xf32, #tpu.memory_space<vmem>>) dst(%dma_wait3A_128 : memref<10240x128xf32, #tpu.memory_space<vmem_shared>>)
      } else {
      }
      %add3A_75 = arith.constant 1 : i32
      %add3A_76 = arith.addi %mul3A_70, %add3A_75 : i32
      %lt3A_77 = arith.constant 40 : i32
      %lt3A_78 = arith.cmpi slt, %add3A_76, %lt3A_77 : i32
      %convert_element_type3A_79 = arith.extui %lt3A_78 : i1 to i32
      %cond3A_80 = arith.constant 0 : i32
      %cond3A_81 = arith.cmpi ne, %convert_element_type3A_79, %cond3A_80 : i32
      scf.if %cond3A_81 {
        %add3A_122 = arith.constant 1 : i32
        %add3A_123 = arith.addi %mul3A_70, %add3A_122 : i32
        %dma_start3A_124 = arith.constant 0 : i32
        %dma_start3A_125 = tpu.memref_slice %arg8[%add3A_123, %dma_start3A_124] : memref<40x128xi32, #tpu.memory_space<vmem>> -> memref<1x128xi32, #tpu.memory_space<vmem>>
        %dma_start3A_126 = tpu.memref_squeeze %dma_start3A_125 : memref<1x128xi32, #tpu.memory_space<vmem>> -> memref<128xi32, #tpu.memory_space<vmem>>
        %dma_start3A_127 = arith.constant 0 : i32
        %dma_start3A_128 = arith.constant 0 : i32
        %dma_start3A_129 = tpu.memref_slice %arg2[%dma_start3A_127, %dma_start3A_128] : memref<20000x128xf32, #tpu.memory_space<hbm>> -> memref<20000x128xf32, #tpu.memory_space<hbm>>
        tpu.enqueue_indirect_dma source(%dma_start3A_129 : memref<20000x128xf32, #tpu.memory_space<hbm>>) target(%arg11 : memref<128x128xf32, #tpu.memory_space<vmem>>) offsets(%dma_start3A_126 : memref<128xi32, #tpu.memory_space<vmem>>) semaphore(%arg14 : memref<!tpu.dma_semaphore, #tpu.memory_space<semaphore_mem>>)
      } else {
      }
      %dma_wait3A_82 = arith.constant 0 : i32
      %dma_wait3A_83 = tpu.memref_slice %arg8[%mul3A_70, %dma_wait3A_82] : memref<40x128xi32, #tpu.memory_space<vmem>> -> memref<1x128xi32, #tpu.memory_space<vmem>>
      %dma_wait3A_84 = tpu.memref_squeeze %dma_wait3A_83 : memref<1x128xi32, #tpu.memory_space<vmem>> -> memref<128xi32, #tpu.memory_space<vmem>>
      %dma_wait3A_85 = arith.constant 0 : i32
      %dma_wait3A_86 = arith.constant 0 : i32
      %dma_wait3A_87 = tpu.memref_slice %arg2[%dma_wait3A_85, %dma_wait3A_86] : memref<20000x128xf32, #tpu.memory_space<hbm>> -> memref<20000x128xf32, #tpu.memory_space<hbm>>
      tpu.wait_indirect_dma semaphore(%arg13 : memref<!tpu.dma_semaphore, #tpu.memory_space<semaphore_mem>>) src(%dma_wait3A_87 : memref<20000x128xf32, #tpu.memory_space<hbm>>) dst(%arg10 : memref<128x128xf32, #tpu.memory_space<vmem>>)
      %dma_start3A_88 = arith.constant 0 : i32
      %dma_start3A_89 = tpu.memref_slice %arg9[%mul3A_70, %dma_start3A_88] : memref<40x128xi32, #tpu.memory_space<vmem>> -> memref<1x128xi32, #tpu.memory_space<vmem>>
      %dma_start3A_90 = tpu.memref_squeeze %dma_start3A_89 : memref<1x128xi32, #tpu.memory_space<vmem>> -> memref<128xi32, #tpu.memory_space<vmem>>
      %dma_start3A_91 = arith.constant 0 : i32
      %dma_start3A_92 = arith.constant 0 : i32
      %dma_start3A_93 = tpu.memref_slice %arg12[%dma_start3A_91, %dma_start3A_92] : memref<10240x128xf32, #tpu.memory_space<vmem_shared>> -> memref<10240x128xf32, #tpu.memory_space<vmem_shared>>
      tpu.enqueue_indirect_dma source(%arg10 : memref<128x128xf32, #tpu.memory_space<vmem>>) target(%dma_start3A_93 : memref<10240x128xf32, #tpu.memory_space<vmem_shared>>) offsets(%dma_start3A_90 : memref<128xi32, #tpu.memory_space<vmem>>) semaphore(%arg15 : memref<!tpu.dma_semaphore, #tpu.memory_space<semaphore_mem>>) {add = true}
      %mul3A_94 = arith.constant 2 : i32
      %mul3A_95 = arith.muli %mul3A_94, %scan3A_68 : i32
      %add3A_96 = arith.constant 1 : i32
      %add3A_97 = arith.addi %mul3A_95, %add3A_96 : i32
      %ge3A_98 = arith.constant 1 : i32
      %ge3A_99 = arith.cmpi sge, %add3A_97, %ge3A_98 : i32
      %convert_element_type3A_100 = arith.extui %ge3A_99 : i1 to i32
      %cond3A_101 = arith.constant 0 : i32
      %cond3A_102 = arith.cmpi ne, %convert_element_type3A_100, %cond3A_101 : i32
      scf.if %cond3A_102 {
        %sub3A = arith.constant 1 : i32
        %sub3A_122 = arith.subi %add3A_97, %sub3A : i32
        %dma_wait3A_123 = arith.constant 0 : i32
        %dma_wait3A_124 = tpu.memref_slice %arg9[%sub3A_122, %dma_wait3A_123] : memref<40x128xi32, #tpu.memory_space<vmem>> -> memref<1x128xi32, #tpu.memory_space<vmem>>
        %dma_wait3A_125 = tpu.memref_squeeze %dma_wait3A_124 : memref<1x128xi32, #tpu.memory_space<vmem>> -> memref<128xi32, #tpu.memory_space<vmem>>
        %dma_wait3A_126 = arith.constant 0 : i32
        %dma_wait3A_127 = arith.constant 0 : i32
        %dma_wait3A_128 = tpu.memref_slice %arg12[%dma_wait3A_126, %dma_wait3A_127] : memref<10240x128xf32, #tpu.memory_space<vmem_shared>> -> memref<10240x128xf32, #tpu.memory_space<vmem_shared>>
        tpu.wait_indirect_dma semaphore(%arg15 : memref<!tpu.dma_semaphore, #tpu.memory_space<semaphore_mem>>) src(%arg10 : memref<128x128xf32, #tpu.memory_space<vmem>>) dst(%dma_wait3A_128 : memref<10240x128xf32, #tpu.memory_space<vmem_shared>>)
      } else {
      }
      %add3A_103 = arith.constant 1 : i32
      %add3A_104 = arith.addi %add3A_97, %add3A_103 : i32
      %lt3A_105 = arith.constant 40 : i32
      %lt3A_106 = arith.cmpi slt, %add3A_104, %lt3A_105 : i32
      %convert_element_type3A_107 = arith.extui %lt3A_106 : i1 to i32
      %cond3A_108 = arith.constant 0 : i32
      %cond3A_109 = arith.cmpi ne, %convert_element_type3A_107, %cond3A_108 : i32
      scf.if %cond3A_109 {
        %add3A_122 = arith.constant 1 : i32
        %add3A_123 = arith.addi %add3A_97, %add3A_122 : i32
        %dma_start3A_124 = arith.constant 0 : i32
        %dma_start3A_125 = tpu.memref_slice %arg8[%add3A_123, %dma_start3A_124] : memref<40x128xi32, #tpu.memory_space<vmem>> -> memref<1x128xi32, #tpu.memory_space<vmem>>
        %dma_start3A_126 = tpu.memref_squeeze %dma_start3A_125 : memref<1x128xi32, #tpu.memory_space<vmem>> -> memref<128xi32, #tpu.memory_space<vmem>>
        %dma_start3A_127 = arith.constant 0 : i32
        %dma_start3A_128 = arith.constant 0 : i32
        %dma_start3A_129 = tpu.memref_slice %arg2[%dma_start3A_127, %dma_start3A_128] : memref<20000x128xf32, #tpu.memory_space<hbm>> -> memref<20000x128xf32, #tpu.memory_space<hbm>>
        tpu.enqueue_indirect_dma source(%dma_start3A_129 : memref<20000x128xf32, #tpu.memory_space<hbm>>) target(%arg10 : memref<128x128xf32, #tpu.memory_space<vmem>>) offsets(%dma_start3A_126 : memref<128xi32, #tpu.memory_space<vmem>>) semaphore(%arg13 : memref<!tpu.dma_semaphore, #tpu.memory_space<semaphore_mem>>)
      } else {
      }
      %dma_wait3A_110 = arith.constant 0 : i32
      %dma_wait3A_111 = tpu.memref_slice %arg8[%add3A_97, %dma_wait3A_110] : memref<40x128xi32, #tpu.memory_space<vmem>> -> memref<1x128xi32, #tpu.memory_space<vmem>>
      %dma_wait3A_112 = tpu.memref_squeeze %dma_wait3A_111 : memref<1x128xi32, #tpu.memory_space<vmem>> -> memref<128xi32, #tpu.memory_space<vmem>>
      %dma_wait3A_113 = arith.constant 0 : i32
      %dma_wait3A_114 = arith.constant 0 : i32
      %dma_wait3A_115 = tpu.memref_slice %arg2[%dma_wait3A_113, %dma_wait3A_114] : memref<20000x128xf32, #tpu.memory_space<hbm>> -> memref<20000x128xf32, #tpu.memory_space<hbm>>
      tpu.wait_indirect_dma semaphore(%arg14 : memref<!tpu.dma_semaphore, #tpu.memory_space<semaphore_mem>>) src(%dma_wait3A_115 : memref<20000x128xf32, #tpu.memory_space<hbm>>) dst(%arg11 : memref<128x128xf32, #tpu.memory_space<vmem>>)
      %dma_start3A_116 = arith.constant 0 : i32
      %dma_start3A_117 = tpu.memref_slice %arg9[%add3A_97, %dma_start3A_116] : memref<40x128xi32, #tpu.memory_space<vmem>> -> memref<1x128xi32, #tpu.memory_space<vmem>>
      %dma_start3A_118 = tpu.memref_squeeze %dma_start3A_117 : memref<1x128xi32, #tpu.memory_space<vmem>> -> memref<128xi32, #tpu.memory_space<vmem>>
      %dma_start3A_119 = arith.constant 0 : i32
      %dma_start3A_120 = arith.constant 0 : i32
      %dma_start3A_121 = tpu.memref_slice %arg12[%dma_start3A_119, %dma_start3A_120] : memref<10240x128xf32, #tpu.memory_space<vmem_shared>> -> memref<10240x128xf32, #tpu.memory_space<vmem_shared>>
      tpu.enqueue_indirect_dma source(%arg11 : memref<128x128xf32, #tpu.memory_space<vmem>>) target(%dma_start3A_121 : memref<10240x128xf32, #tpu.memory_space<vmem_shared>>) offsets(%dma_start3A_118 : memref<128xi32, #tpu.memory_space<vmem>>) semaphore(%arg16 : memref<!tpu.dma_semaphore, #tpu.memory_space<semaphore_mem>>) {add = true}
    }
    %scan3A_55 = arith.constant 20 : i32
    %dma_wait3A_56 = arith.constant 39 : i32
    %dma_wait3A_57 = arith.constant 0 : i32
    %dma_wait3A_58 = tpu.memref_slice %arg9[%dma_wait3A_56, %dma_wait3A_57] : memref<40x128xi32, #tpu.memory_space<vmem>> -> memref<1x128xi32, #tpu.memory_space<vmem>>
    %dma_wait3A_59 = tpu.memref_squeeze %dma_wait3A_58 : memref<1x128xi32, #tpu.memory_space<vmem>> -> memref<128xi32, #tpu.memory_space<vmem>>
    %dma_wait3A_60 = arith.constant 0 : i32
    %dma_wait3A_61 = arith.constant 0 : i32
    %dma_wait3A_62 = tpu.memref_slice %arg12[%dma_wait3A_60, %dma_wait3A_61] : memref<10240x128xf32, #tpu.memory_space<vmem_shared>> -> memref<10240x128xf32, #tpu.memory_space<vmem_shared>>
    tpu.wait_indirect_dma semaphore(%arg16 : memref<!tpu.dma_semaphore, #tpu.memory_space<semaphore_mem>>) src(%arg11 : memref<128x128xf32, #tpu.memory_space<vmem>>) dst(%dma_wait3A_62 : memref<10240x128xf32, #tpu.memory_space<vmem_shared>>)
    %barrier3A_63 = arith.constant 0 : index
    tpu.barrier barrier_id(%barrier3A_63)
    %lt3A = arith.constant 10 : i32
    %lt3A_64 = arith.cmpi slt, %arg1, %lt3A : i32
    %convert_element_type3A_65 = arith.extui %lt3A_64 : i1 to i32
    %cond3A_66 = arith.constant 0 : i32
    %cond3A_67 = arith.cmpi ne, %convert_element_type3A_65, %cond3A_66 : i32
    scf.if %cond3A_67 {
      %mul3A_68 = arith.constant 1000 : i32
      %mul3A_69 = arith.muli %arg1, %mul3A_68 : i32
      %mul3A_70 = arith.constant 10000 : i32
      %mul3A_71 = arith.muli %arg0, %mul3A_70 : i32
      %mul3A_72 = arith.constant 1000 : i32
      %mul3A_73 = arith.muli %arg1, %mul3A_72 : i32
      %add3A_74 = arith.addi %mul3A_71, %mul3A_73 : i32
      "tpu.region"() ({
        %run_scoped3A = tpu.sem_alloc : memref<!tpu.dma_semaphore, #tpu.memory_space<semaphore_mem>>
        %dma_start3A_75 = arith.constant 0 : i32
        %dma_start3A_76 = tpu.memref_slice %arg7[%add3A_74, %dma_start3A_75] : memref<20000x128xf32, #tpu.memory_space<hbm>> -> memref<1000x128xf32, #tpu.memory_space<hbm>>
        %dma_start3A_77 = arith.constant 0 : i32
        %dma_start3A_78 = tpu.memref_slice %arg12[%mul3A_69, %dma_start3A_77] : memref<10240x128xf32, #tpu.memory_space<vmem_shared>> -> memref<1000x128xf32, #tpu.memory_space<vmem_shared>>
        tpu.enqueue_dma source(%dma_start3A_78 : memref<1000x128xf32, #tpu.memory_space<vmem_shared>>) target(%dma_start3A_76 : memref<1000x128xf32, #tpu.memory_space<hbm>>) target_semaphore(%run_scoped3A : memref<!tpu.dma_semaphore, #tpu.memory_space<semaphore_mem>>)
        %dma_wait3A_79 = arith.constant 0 : i32
        %dma_wait3A_80 = tpu.memref_slice %arg7[%add3A_74, %dma_wait3A_79] : memref<20000x128xf32, #tpu.memory_space<hbm>> -> memref<1000x128xf32, #tpu.memory_space<hbm>>
        %dma_wait3A_81 = arith.constant 0 : i32
        %dma_wait3A_82 = tpu.memref_slice %arg12[%mul3A_69, %dma_wait3A_81] : memref<10240x128xf32, #tpu.memory_space<vmem_shared>> -> memref<1000x128xf32, #tpu.memory_space<vmem_shared>>
        tpu.wait_dma2 semaphore(%run_scoped3A : memref<!tpu.dma_semaphore, #tpu.memory_space<semaphore_mem>>) src(%dma_wait3A_82 : memref<1000x128xf32, #tpu.memory_space<vmem_shared>>) dst(%dma_wait3A_80 : memref<1000x128xf32, #tpu.memory_space<hbm>>)
        tpu.yield
      }) : () -> ()
    } else {
    }
    return
  }
}

module attributes {stable_mosaic.version = 14 : i64} {
  func.func @_mm_h_kernel(%arg0: i32, %arg1: i32, %arg2: memref<2000x256xf32, #tpu.memory_space<vmem>>, %arg3: memref<256x128xf32, #tpu.memory_space<vmem>>, %arg4: memref<2000x128xf32, #tpu.memory_space<vmem>>) attributes {dimension_semantics = [#tpu.dimension_semantics<arbitrary>, #tpu.dimension_semantics<arbitrary>], iteration_bounds = array<i64: 2, 5>, scalar_prefetch = 0 : i64, scratch_operands = 0 : i64, tpu.core_type = #tpu.core_type<tc>, window_params = [{transform_indices = @transform_0, window_bounds = array<i64: 2000, 256>}, {transform_indices = @transform_1, window_bounds = array<i64: 256, 128>}, {transform_indices = @transform_2, window_bounds = array<i64: 2000, 128>}]} {
    %get3A = arith.constant 0 : index
    %get3A_0 = arith.constant 0 : index
    %get3A_1 = vector.load %arg2[%get3A, %get3A_0] : memref<2000x256xf32, #tpu.memory_space<vmem>>, vector<2000x256xf32>
    %get3A_2 = arith.constant 0 : index
    %get3A_3 = arith.constant 0 : index
    %get3A_4 = vector.load %arg3[%get3A_2, %get3A_3] : memref<256x128xf32, #tpu.memory_space<vmem>>, vector<256x128xf32>
    %dot_general3A = arith.constant dense<0.000000e+00> : vector<2000x128xf32>
    %dot_general3A_5 = tpu.matmul %get3A_1, %get3A_4, %dot_general3A {dimension_numbers = #tpu.dot_dimension_numbers<[1], [0], [0], [1], [0, 0, 1, 1], [], []>, transpose_lhs_hint = false} : vector<2000x256xf32>, vector<256x128xf32>, vector<2000x128xf32> -> vector<2000x128xf32>
    %swap3A = arith.constant 0 : index
    %swap3A_6 = arith.constant 0 : index
    %swap3A_7 = vector.load %arg4[%swap3A, %swap3A_6] : memref<2000x128xf32, #tpu.memory_space<vmem>>, vector<2000x128xf32>
    tpu.vector_store %arg4[%swap3A, %swap3A_6], %dot_general3A_5 {strides = array<i32>} : memref<2000x128xf32, #tpu.memory_space<vmem>>, vector<2000x128xf32>,
    return
  }
  func.func @transform_0(%arg0: i32, %arg1: i32) -> (i32, i32) {
    %c0_i32 = arith.constant 0 : i32
    %c0_i32_0 = arith.constant 0 : i32
    return %arg1, %c0_i32 : i32, i32
  }
  func.func @transform_1(%arg0: i32, %arg1: i32) -> (i32, i32) {
    %c0_i32 = arith.constant 0 : i32
    %c0_i32_0 = arith.constant 0 : i32
    return %c0_i32, %arg0 : i32, i32
  }
  func.func @transform_2(%arg0: i32, %arg1: i32) -> (i32, i32) {
    %mul3A = arith.constant 5 : i32
    %mul3A_0 = arith.muli %arg0, %mul3A : i32
    %add3A = arith.addi %mul3A_0, %arg1 : i32
    %c0_i32 = arith.constant 0 : i32
    %c0_i32_1 = arith.constant 0 : i32
    return %add3A, %c0_i32 : i32, i32
  }
}

module attributes {stable_mosaic.version = 14 : i64} {
  func.func @_prep_kernel(%arg0: i32, %arg1: memref<1x256x256xf32, #tpu.memory_space<vmem>>, %arg2: memref<1x256x256xf32, #tpu.memory_space<vmem>>, %arg3: memref<1x256x256xf32, #tpu.memory_space<vmem>>) attributes {dimension_semantics = [#tpu.dimension_semantics<arbitrary>], iteration_bounds = array<i64: 3>, scalar_prefetch = 0 : i64, scratch_operands = 0 : i64, tpu.core_type = #tpu.core_type<tc>, window_params = [{transform_indices = @transform_0, window_bounds = array<i64: 1, 256, 256>}, {transform_indices = @transform_1, window_bounds = array<i64: 1, 256, 256>}, {transform_indices = @transform_2, window_bounds = array<i64: 1, 256, 256>}]} {
    %get3A = arith.constant 0 : index
    %get3A_0 = arith.constant 0 : index
    %get3A_1 = arith.constant 0 : index
    %get3A_2 = vector.load %arg1[%get3A, %get3A_0, %get3A_1] : memref<1x256x256xf32, #tpu.memory_space<vmem>>, vector<1x256x256xf32>
    %get3A_3 = vector.shape_cast %get3A_2 : vector<1x256x256xf32> to vector<256x256xf32>
    %get3A_4 = arith.constant 0 : index
    %get3A_5 = arith.constant 0 : index
    %get3A_6 = arith.constant 0 : index
    %get3A_7 = vector.load %arg2[%get3A_4, %get3A_5, %get3A_6] : memref<1x256x256xf32, #tpu.memory_space<vmem>>, vector<1x256x256xf32>
    %get3A_8 = vector.shape_cast %get3A_7 : vector<1x256x256xf32> to vector<256x256xf32>
    %dot_general3A = arith.constant dense<0.000000e+00> : vector<256x256xf32>
    %dot_general3A_9 = tpu.matmul %get3A_3, %get3A_8, %dot_general3A {dimension_numbers = #tpu.dot_dimension_numbers<[1], [0], [0], [1], [0, 0, 1, 1], [], []>, transpose_lhs_hint = false} : vector<256x256xf32>, vector<256x256xf32>, vector<256x256xf32> -> vector<256x256xf32>
    %swap3A = arith.constant 0 : index
    %swap3A_10 = arith.constant 0 : index
    %swap3A_11 = arith.constant 0 : index
    %swap3A_12 = vector.load %arg3[%swap3A, %swap3A_10, %swap3A_11] : memref<1x256x256xf32, #tpu.memory_space<vmem>>, vector<1x256x256xf32>
    %swap3A_13 = vector.shape_cast %swap3A_12 : vector<1x256x256xf32> to vector<256x256xf32>
    %swap3A_14 = vector.shape_cast %dot_general3A_9 : vector<256x256xf32> to vector<1x256x256xf32>
    tpu.vector_store %arg3[%swap3A, %swap3A_10, %swap3A_11], %swap3A_14 {strides = array<i32>} : memref<1x256x256xf32, #tpu.memory_space<vmem>>, vector<1x256x256xf32>,
    return
  }
  func.func @transform_0(%arg0: i32) -> (i32, i32, i32) {
    %c0_i32 = arith.constant 0 : i32
    %c0_i32_0 = arith.constant 0 : i32
    %c0_i32_1 = arith.constant 0 : i32
    return %arg0, %c0_i32, %c0_i32_0 : i32, i32, i32
  }
  func.func @transform_1(%arg0: i32) -> (i32, i32, i32) {
    %c0_i32 = arith.constant 0 : i32
    %c0_i32_0 = arith.constant 0 : i32
    %c0_i32_1 = arith.constant 0 : i32
    return %arg0, %c0_i32, %c0_i32_0 : i32, i32, i32
  }
  func.func @transform_2(%arg0: i32) -> (i32, i32, i32) {
    %c0_i32 = arith.constant 0 : i32
    %c0_i32_0 = arith.constant 0 : i32
    %c0_i32_1 = arith.constant 0 : i32
    return %arg0, %c0_i32, %c0_i32_0 : i32, i32, i32
  }
}

module attributes {stable_mosaic.version = 14 : i64} {
  func.func @_combine_kernel(%arg0: i32, %arg1: memref<2000x256xf32, #tpu.memory_space<vmem>>, %arg2: memref<2000x128xf32, #tpu.memory_space<vmem>>, %arg3: memref<2000x128xf32, #tpu.memory_space<vmem>>, %arg4: memref<256x256xf32, #tpu.memory_space<vmem>>, %arg5: memref<128x256xf32, #tpu.memory_space<vmem>>, %arg6: memref<128x256xf32, #tpu.memory_space<vmem>>, %arg7: memref<2000x256xf32, #tpu.memory_space<vmem>>) attributes {dimension_semantics = [#tpu.dimension_semantics<arbitrary>], iteration_bounds = array<i64: 5>, scalar_prefetch = 0 : i64, scratch_operands = 0 : i64, tpu.core_type = #tpu.core_type<tc>, window_params = [{transform_indices = @transform_0, window_bounds = array<i64: 2000, 256>}, {transform_indices = @transform_1, window_bounds = array<i64: 2000, 128>}, {transform_indices = @transform_2, window_bounds = array<i64: 2000, 128>}, {pipeline_mode = #tpu.pipeline_mode<synchronous>, transform_indices = @transform_3, window_bounds = array<i64: 256, 256>}, {pipeline_mode = #tpu.pipeline_mode<synchronous>, transform_indices = @transform_4, window_bounds = array<i64: 128, 256>}, {pipeline_mode = #tpu.pipeline_mode<synchronous>, transform_indices = @transform_5, window_bounds = array<i64: 128, 256>}, {transform_indices = @transform_6, window_bounds = array<i64: 2000, 256>}]} {
    %get3A = arith.constant 0 : index
    %get3A_0 = arith.constant 0 : index
    %get3A_1 = vector.load %arg1[%get3A, %get3A_0] : memref<2000x256xf32, #tpu.memory_space<vmem>>, vector<2000x256xf32>
    %get3A_2 = arith.constant 0 : index
    %get3A_3 = arith.constant 0 : index
    %get3A_4 = vector.load %arg4[%get3A_2, %get3A_3] : memref<256x256xf32, #tpu.memory_space<vmem>>, vector<256x256xf32>
    %dot_general3A = arith.constant dense<0.000000e+00> : vector<2000x256xf32>
    %dot_general3A_5 = tpu.matmul %get3A_1, %get3A_4, %dot_general3A {dimension_numbers = #tpu.dot_dimension_numbers<[1], [0], [0], [1], [0, 0, 1, 1], [], []>, transpose_lhs_hint = false} : vector<2000x256xf32>, vector<256x256xf32>, vector<2000x256xf32> -> vector<2000x256xf32>
    %get3A_6 = arith.constant 0 : index
    %get3A_7 = arith.constant 0 : index
    %get3A_8 = vector.load %arg2[%get3A_6, %get3A_7] : memref<2000x128xf32, #tpu.memory_space<vmem>>, vector<2000x128xf32>
    %get3A_9 = arith.constant 0 : index
    %get3A_10 = arith.constant 0 : index
    %get3A_11 = vector.load %arg5[%get3A_9, %get3A_10] : memref<128x256xf32, #tpu.memory_space<vmem>>, vector<128x256xf32>
    %dot_general3A_12 = arith.constant dense<0.000000e+00> : vector<2000x256xf32>
    %dot_general3A_13 = tpu.matmul %get3A_8, %get3A_11, %dot_general3A_12 {dimension_numbers = #tpu.dot_dimension_numbers<[1], [0], [0], [1], [0, 0, 1, 1], [], []>, transpose_lhs_hint = false} : vector<2000x128xf32>, vector<128x256xf32>, vector<2000x256xf32> -> vector<2000x256xf32>
    %add3A = arith.addf %dot_general3A_5, %dot_general3A_13 : vector<2000x256xf32>
    %get3A_14 = arith.constant 0 : index
    %get3A_15 = arith.constant 0 : index
    %get3A_16 = vector.load %arg3[%get3A_14, %get3A_15] : memref<2000x128xf32, #tpu.memory_space<vmem>>, vector<2000x128xf32>
    %get3A_17 = arith.constant 0 : index
    %get3A_18 = arith.constant 0 : index
    %get3A_19 = vector.load %arg6[%get3A_17, %get3A_18] : memref<128x256xf32, #tpu.memory_space<vmem>>, vector<128x256xf32>
    %dot_general3A_20 = arith.constant dense<0.000000e+00> : vector<2000x256xf32>
    %dot_general3A_21 = tpu.matmul %get3A_16, %get3A_19, %dot_general3A_20 {dimension_numbers = #tpu.dot_dimension_numbers<[1], [0], [0], [1], [0, 0, 1, 1], [], []>, transpose_lhs_hint = false} : vector<2000x128xf32>, vector<128x256xf32>, vector<2000x256xf32> -> vector<2000x256xf32>
    %add3A_22 = arith.addf %add3A, %dot_general3A_21 : vector<2000x256xf32>
    %reduce_sum3A = arith.constant dense<0.000000e+00> : vector<2000xf32>
    %reduce_sum3A_23 = vector.multi_reduction <add>, %add3A_22, %reduce_sum3A [1] : vector<2000x256xf32> to vector<2000xf32>
    %broadcast_in_dim3A = vector.shape_cast %reduce_sum3A_23 : vector<2000xf32> to vector<2000x1xf32>
    %div3A = arith.constant 2.560000e+02 : f32
    %div3A_24 = vector.broadcast %div3A : f32 to vector<2000x1xf32>
    %div3A_25 = arith.divf %broadcast_in_dim3A, %div3A_24 : vector<2000x1xf32>
    %sub3A = vector.broadcast %div3A_25 : vector<2000x1xf32> to vector<2000x256xf32>
    %sub3A_26 = arith.subf %add3A_22, %sub3A : vector<2000x256xf32>
    %mul3A = arith.mulf %sub3A_26, %sub3A_26 : vector<2000x256xf32>
    %reduce_sum3A_27 = arith.constant dense<0.000000e+00> : vector<2000xf32>
    %reduce_sum3A_28 = vector.multi_reduction <add>, %mul3A, %reduce_sum3A_27 [1] : vector<2000x256xf32> to vector<2000xf32>
    %broadcast_in_dim3A_29 = vector.shape_cast %reduce_sum3A_28 : vector<2000xf32> to vector<2000x1xf32>
    %div3A_30 = arith.constant 2.560000e+02 : f32
    %div3A_31 = vector.broadcast %div3A_30 : f32 to vector<2000x1xf32>
    %div3A_32 = arith.divf %broadcast_in_dim3A_29, %div3A_31 : vector<2000x1xf32>
    %rsqrt3A = math.rsqrt %div3A_32 : vector<2000x1xf32>
    %mul3A_33 = vector.broadcast %rsqrt3A : vector<2000x1xf32> to vector<2000x256xf32>
    %mul3A_34 = arith.mulf %add3A_22, %mul3A_33 : vector<2000x256xf32>
    %swap3A = arith.constant 0 : index
    %swap3A_35 = arith.constant 0 : index
    %swap3A_36 = vector.load %arg7[%swap3A, %swap3A_35] : memref<2000x256xf32, #tpu.memory_space<vmem>>, vector<2000x256xf32>
    tpu.vector_store %arg7[%swap3A, %swap3A_35], %mul3A_34 {strides = array<i32>} : memref<2000x256xf32, #tpu.memory_space<vmem>>, vector<2000x256xf32>,
    return
  }
  func.func @transform_0(%arg0: i32) -> (i32, i32) {
    %c0_i32 = arith.constant 0 : i32
    %c0_i32_0 = arith.constant 0 : i32
    return %arg0, %c0_i32 : i32, i32
  }
  func.func @transform_1(%arg0: i32) -> (i32, i32) {
    %c0_i32 = arith.constant 0 : i32
    %c0_i32_0 = arith.constant 0 : i32
    return %arg0, %c0_i32 : i32, i32
  }
  func.func @transform_2(%arg0: i32) -> (i32, i32) {
    %add3A = arith.constant 5 : i32
    %add3A_0 = arith.addi %arg0, %add3A : i32
    %c0_i32 = arith.constant 0 : i32
    %c0_i32_1 = arith.constant 0 : i32
    return %add3A_0, %c0_i32 : i32, i32
  }
  func.func @transform_3(%arg0: i32) -> (i32, i32) {
    %c0_i32 = arith.constant 0 : i32
    %c0_i32_0 = arith.constant 0 : i32
    %c0_i32_1 = arith.constant 0 : i32
    return %c0_i32, %c0_i32_0 : i32, i32
  }
  func.func @transform_4(%arg0: i32) -> (i32, i32) {
    %c0_i32 = arith.constant 0 : i32
    %c0_i32_0 = arith.constant 0 : i32
    %c0_i32_1 = arith.constant 0 : i32
    return %c0_i32, %c0_i32_0 : i32, i32
  }
  func.func @transform_5(%arg0: i32) -> (i32, i32) {
    %c0_i32 = arith.constant 0 : i32
    %c0_i32_0 = arith.constant 0 : i32
    %c0_i32_1 = arith.constant 0 : i32
    return %c0_i32, %c0_i32_0 : i32, i32
  }
  func.func @transform_6(%arg0: i32) -> (i32, i32) {
    %c0_i32 = arith.constant 0 : i32
    %c0_i32_0 = arith.constant 0 : i32
    return %arg0, %c0_i32 : i32, i32
  }
}

module attributes {stable_mosaic.version = 14 : i64} {
  func.func @_combine_kernel(%arg0: i32, %arg1: memref<2000x256xf32, #tpu.memory_space<vmem>>, %arg2: memref<2000x128xf32, #tpu.memory_space<vmem>>, %arg3: memref<2000x128xf32, #tpu.memory_space<vmem>>, %arg4: memref<256x256xf32, #tpu.memory_space<vmem>>, %arg5: memref<128x256xf32, #tpu.memory_space<vmem>>, %arg6: memref<128x256xf32, #tpu.memory_space<vmem>>, %arg7: memref<2000x256xf32, #tpu.memory_space<vmem>>) attributes {dimension_semantics = [#tpu.dimension_semantics<arbitrary>], iteration_bounds = array<i64: 5>, scalar_prefetch = 0 : i64, scratch_operands = 0 : i64, tpu.core_type = #tpu.core_type<tc>, window_params = [{transform_indices = @transform_0, window_bounds = array<i64: 2000, 256>}, {transform_indices = @transform_1, window_bounds = array<i64: 2000, 128>}, {transform_indices = @transform_2, window_bounds = array<i64: 2000, 128>}, {pipeline_mode = #tpu.pipeline_mode<synchronous>, transform_indices = @transform_3, window_bounds = array<i64: 256, 256>}, {pipeline_mode = #tpu.pipeline_mode<synchronous>, transform_indices = @transform_4, window_bounds = array<i64: 128, 256>}, {pipeline_mode = #tpu.pipeline_mode<synchronous>, transform_indices = @transform_5, window_bounds = array<i64: 128, 256>}, {transform_indices = @transform_6, window_bounds = array<i64: 2000, 256>}]} {
    %get3A = arith.constant 0 : index
    %get3A_0 = arith.constant 0 : index
    %get3A_1 = vector.load %arg1[%get3A, %get3A_0] : memref<2000x256xf32, #tpu.memory_space<vmem>>, vector<2000x256xf32>
    %get3A_2 = arith.constant 0 : index
    %get3A_3 = arith.constant 0 : index
    %get3A_4 = vector.load %arg4[%get3A_2, %get3A_3] : memref<256x256xf32, #tpu.memory_space<vmem>>, vector<256x256xf32>
    %dot_general3A = arith.constant dense<0.000000e+00> : vector<2000x256xf32>
    %dot_general3A_5 = tpu.matmul %get3A_1, %get3A_4, %dot_general3A {dimension_numbers = #tpu.dot_dimension_numbers<[1], [0], [0], [1], [0, 0, 1, 1], [], []>, transpose_lhs_hint = false} : vector<2000x256xf32>, vector<256x256xf32>, vector<2000x256xf32> -> vector<2000x256xf32>
    %get3A_6 = arith.constant 0 : index
    %get3A_7 = arith.constant 0 : index
    %get3A_8 = vector.load %arg2[%get3A_6, %get3A_7] : memref<2000x128xf32, #tpu.memory_space<vmem>>, vector<2000x128xf32>
    %get3A_9 = arith.constant 0 : index
    %get3A_10 = arith.constant 0 : index
    %get3A_11 = vector.load %arg5[%get3A_9, %get3A_10] : memref<128x256xf32, #tpu.memory_space<vmem>>, vector<128x256xf32>
    %dot_general3A_12 = arith.constant dense<0.000000e+00> : vector<2000x256xf32>
    %dot_general3A_13 = tpu.matmul %get3A_8, %get3A_11, %dot_general3A_12 {dimension_numbers = #tpu.dot_dimension_numbers<[1], [0], [0], [1], [0, 0, 1, 1], [], []>, transpose_lhs_hint = false} : vector<2000x128xf32>, vector<128x256xf32>, vector<2000x256xf32> -> vector<2000x256xf32>
    %add3A = arith.addf %dot_general3A_5, %dot_general3A_13 : vector<2000x256xf32>
    %get3A_14 = arith.constant 0 : index
    %get3A_15 = arith.constant 0 : index
    %get3A_16 = vector.load %arg3[%get3A_14, %get3A_15] : memref<2000x128xf32, #tpu.memory_space<vmem>>, vector<2000x128xf32>
    %get3A_17 = arith.constant 0 : index
    %get3A_18 = arith.constant 0 : index
    %get3A_19 = vector.load %arg6[%get3A_17, %get3A_18] : memref<128x256xf32, #tpu.memory_space<vmem>>, vector<128x256xf32>
    %dot_general3A_20 = arith.constant dense<0.000000e+00> : vector<2000x256xf32>
    %dot_general3A_21 = tpu.matmul %get3A_16, %get3A_19, %dot_general3A_20 {dimension_numbers = #tpu.dot_dimension_numbers<[1], [0], [0], [1], [0, 0, 1, 1], [], []>, transpose_lhs_hint = false} : vector<2000x128xf32>, vector<128x256xf32>, vector<2000x256xf32> -> vector<2000x256xf32>
    %add3A_22 = arith.addf %add3A, %dot_general3A_21 : vector<2000x256xf32>
    %reduce_sum3A = arith.constant dense<0.000000e+00> : vector<2000xf32>
    %reduce_sum3A_23 = vector.multi_reduction <add>, %add3A_22, %reduce_sum3A [1] : vector<2000x256xf32> to vector<2000xf32>
    %broadcast_in_dim3A = vector.shape_cast %reduce_sum3A_23 : vector<2000xf32> to vector<2000x1xf32>
    %div3A = arith.constant 2.560000e+02 : f32
    %div3A_24 = vector.broadcast %div3A : f32 to vector<2000x1xf32>
    %div3A_25 = arith.divf %broadcast_in_dim3A, %div3A_24 : vector<2000x1xf32>
    %sub3A = vector.broadcast %div3A_25 : vector<2000x1xf32> to vector<2000x256xf32>
    %sub3A_26 = arith.subf %add3A_22, %sub3A : vector<2000x256xf32>
    %mul3A = arith.mulf %sub3A_26, %sub3A_26 : vector<2000x256xf32>
    %reduce_sum3A_27 = arith.constant dense<0.000000e+00> : vector<2000xf32>
    %reduce_sum3A_28 = vector.multi_reduction <add>, %mul3A, %reduce_sum3A_27 [1] : vector<2000x256xf32> to vector<2000xf32>
    %broadcast_in_dim3A_29 = vector.shape_cast %reduce_sum3A_28 : vector<2000xf32> to vector<2000x1xf32>
    %div3A_30 = arith.constant 2.560000e+02 : f32
    %div3A_31 = vector.broadcast %div3A_30 : f32 to vector<2000x1xf32>
    %div3A_32 = arith.divf %broadcast_in_dim3A_29, %div3A_31 : vector<2000x1xf32>
    %rsqrt3A = math.rsqrt %div3A_32 : vector<2000x1xf32>
    %mul3A_33 = vector.broadcast %rsqrt3A : vector<2000x1xf32> to vector<2000x256xf32>
    %mul3A_34 = arith.mulf %add3A_22, %mul3A_33 : vector<2000x256xf32>
    %swap3A = arith.constant 0 : index
    %swap3A_35 = arith.constant 0 : index
    %swap3A_36 = vector.load %arg7[%swap3A, %swap3A_35] : memref<2000x256xf32, #tpu.memory_space<vmem>>, vector<2000x256xf32>
    tpu.vector_store %arg7[%swap3A, %swap3A_35], %mul3A_34 {strides = array<i32>} : memref<2000x256xf32, #tpu.memory_space<vmem>>, vector<2000x256xf32>,
    return
  }
  func.func @transform_0(%arg0: i32) -> (i32, i32) {
    %c0_i32 = arith.constant 0 : i32
    %c0_i32_0 = arith.constant 0 : i32
    return %arg0, %c0_i32 : i32, i32
  }
  func.func @transform_1(%arg0: i32) -> (i32, i32) {
    %c0_i32 = arith.constant 0 : i32
    %c0_i32_0 = arith.constant 0 : i32
    return %arg0, %c0_i32 : i32, i32
  }
  func.func @transform_2(%arg0: i32) -> (i32, i32) {
    %add3A = arith.constant 5 : i32
    %add3A_0 = arith.addi %arg0, %add3A : i32
    %c0_i32 = arith.constant 0 : i32
    %c0_i32_1 = arith.constant 0 : i32
    return %add3A_0, %c0_i32 : i32, i32
  }
  func.func @transform_3(%arg0: i32) -> (i32, i32) {
    %c0_i32 = arith.constant 0 : i32
    %c0_i32_0 = arith.constant 0 : i32
    %c0_i32_1 = arith.constant 0 : i32
    return %c0_i32, %c0_i32_0 : i32, i32
  }
  func.func @transform_4(%arg0: i32) -> (i32, i32) {
    %c0_i32 = arith.constant 0 : i32
    %c0_i32_0 = arith.constant 0 : i32
    %c0_i32_1 = arith.constant 0 : i32
    return %c0_i32, %c0_i32_0 : i32, i32
  }
  func.func @transform_5(%arg0: i32) -> (i32, i32) {
    %c0_i32 = arith.constant 0 : i32
    %c0_i32_0 = arith.constant 0 : i32
    %c0_i32_1 = arith.constant 0 : i32
    return %c0_i32, %c0_i32_0 : i32, i32
  }
  func.func @transform_6(%arg0: i32) -> (i32, i32) {
    %c0_i32 = arith.constant 0 : i32
    %c0_i32_0 = arith.constant 0 : i32
    return %arg0, %c0_i32 : i32, i32
  }
}

</mosaic_0001>

<sc_bundles>
// kernel: kernel.12.cloned.1.call-start
scs
__scs_entry_jumppad:
0x0: {  	(pc) =	sbr.rel $0x88, $3  }
0x1: {  	(tag) =	ssettag $0x0;
	lr =	simm.s32 $0x1  }
0x2: {  	[smem:$0x3F9C] =	sst lr;
	_ =	strace $0xD0000000  }
0x3: {  	_ = 	snop  }
0x4: {  	_ = 	snop  }
0x5: {  	_ = 	snop  }
0x6: {  	_ = 	snop  }
0x7: {  	_ = 	snop  }
__scs_overlays_trampoline_lowered:
0x8: {  	[smem:$0x3FAB] =	sst s0  }
0x9: {  	[smem:$0x3FAC] =	sst s1  }
0xa: {  	[smem:$0x3FAD] =	sst s2  }
0xb: {  	[smem:$0x3FAE] =	sst s3  }
0xc: {  	[smem:$0x3FAF] =	sst s4  }
0xd: {  	[smem:$0x3FB0] =	sst s5  }
0xe: {  	[smem:$0x3FB1] =	sst s6  }
0xf: {  	[smem:$0x3FB2] =	sst s7  }
0x10: {  	[smem:$0x3FB3] =	sst s8  }
0x11: {  	[smem:$0x3FB4] =	sst s9;
	s0 =	simm.s32 @!p0 $0x0  }
0x12: {  	s1 =	sld [smem:$0x3F9A];
	s0 =	simm.s32 @p0 $0x1  }
0x13: {  	[smem:$0x3FB5] =	sst s0;
	s0 =	simm.s32 @!p1 $0x0  }
0x14: {  	s2 =	sld [smem:$0x3F99];
	s0 =	simm.s32 @p1 $0x1  }
0x15: {  	[smem:$0x3FB6] =	sst s0;
	s0 =	simm.s32 @!p2 $0x0  }
0x16: {  	s3 =	sld [smem:$0x3FDB];
	s0 =	simm.s32 @p2 $0x1  }
0x17: {  	s4 =	simm.s32 $0x1BF5;
	[smem:$0x3FB8] =	sst s0  }
0x18: {  	s0 =	sld [smem:$0x3F9B];
	_ =	swait.ge [sflag:s4], $0x0  }
0x19: {  	s7 =	sld [smem:$0x3F9C]  }
0x1a: {  	s8 =	sadd.s32 $0xFFFFE003, lr  }
0x1b: {  	s9 =	sadd.s32 $0xFFFFFEF7, lr;
	s5 =	simm.s32 $0xFFFFFFFF;
	p2 =	slt.u32 s8, $0xFFFFF086  }
0x1c: {  	p1 =	slt.u32 s9, $0xF7A;
	s5 =	simm.s32 @!p2 $0x0  }
0x1d: {  	s5 =	simm.s32 @p1 $0x1;
	p0 =	seq.s32 s7, s2  }
0x1e: {  	s7 =	smul.u32 @!p0 $0xF7A, s2;
	p2 =	seq.s32 @!p0 s5, $0x0  }
0x1f: {  	s9 =	smul.u32 $0xF7A, s1;
	s8 =	simm.s32 @!p0 $0x1BF5;
	p2 =	por !p2, p0  }
0x20: {  	[sflag:s8] =	ssyncset.s32 @!p0 $0xFFFFF086;
	s6 =	sadd.s32 @!p0 s3, s7;
	s7 =	simm.s32 @!p0 $0x108  }
0x21: {  	s3 =	sadd.s32 s3, s9;
	s6 =	sadd.s32 @!p0 $0x88, s6;
	s7 =	simm.s32 @p2 $0x1082  }
0x22: {  	[simem:s7], [sflag:s8] =	dma.local @!p0 [hbm:s6], $0xF7A  }
0x23: {  	s9 =	sor.u32 $0xD0000000, s2;
	s6 =	simm.s32 $0x108;
	_ =	swait.ge @!p0 [sflag:s8], $0x0  }
0x24: {  	s3 =	sadd.s32 $0x88, s3;
	s6 =	simm.s32 @!p1 $0x1082;
	[sflag:s4] =	ssyncset.s32 $0xFFFFF086  }
0x25: {  	[simem:s6], [sflag:s4] =	dma.local [hbm:s3], $0xF7A  }
0x26: {  	[smem:$0x3F9C] =	sst s1;
	(tag) =	ssettag s2;
	_ =	strace s9  }
0x27: {  	s1 =	sld [smem:$0x3FAC]  }
0x28: {  	s2 =	sld [smem:$0x3FAD]  }
0x29: {  	s4 =	sld [smem:$0x3FAF]  }
0x2a: {  	p0 =	seq.s32 s5, $0x0;
	s5 =	sld [smem:$0x3FB0]  }
0x2b: {  	s6 =	sld [smem:$0x3FB1]  }
0x2c: {  	s7 =	sld [smem:$0x3FB2]  }
0x2d: {  	s3 =	simm.s32 $0x108;
	s8 =	sld [smem:$0x3FB3]  }
0x2e: {  	s3 =	simm.s32 @!p0 $0x1082;
	s9 =	sld [smem:$0x3FB4]  }
0x2f: {  	lr =	sadd.s32 s0, s3;
	s0 =	sld [smem:$0x3FAB]  }
0x30: {  	s3 =	sld [smem:$0x3FAE]  }
0x31: {  	[smem:$0x3FB7] =	sst s10  }
0x32: {  	s10 =	sld [smem:$0x3FB5];
	_ =	sdelay $0x3  }
0x33: {  	p0 =	seq.s32 s10, $0x1;
	s10 =	sld [smem:$0x3FB7];
	_ =	sdelay $0x3  }
0x34: {  	[smem:$0x3FB7] =	sst s10  }
0x35: {  	s10 =	sld [smem:$0x3FB6];
	_ =	sdelay $0x3  }
0x36: {  	p1 =	seq.s32 s10, $0x1;
	s10 =	sld [smem:$0x3FB7];
	_ =	sdelay $0x3  }
0x37: {  	[smem:$0x3FB7] =	sst s10  }
0x38: {  	s10 =	sld [smem:$0x3FB8]  }
0x39: {  	_ = 	snop;
	(pc) =	sbr.ind lr, $3  }
0x3a: {  	_ = 	snop  }
0x3b: {  	_ = 	snop  }
0x3c: {  	p2 =	seq.s32 s10, $0x1;
	s10 =	sld [smem:$0x3FB7]  }
0x3d: {  	_ =	shalt  }
0x3e: {  	_ =	shalt  }
0x3f: {  	_ =	shalt  }
0x40: {  	_ =	shalt  }
0x41: {  	_ =	shalt  }
0x42: {  	_ =	shalt  }
0x43: {  	_ =	shalt  }
0x44: {  	_ =	shalt  }
0x45: {  	_ =	shalt  }
0x46: {  	_ =	shalt  }
0x47: {  	_ =	shalt  }
0x48: {  	_ =	shalt  }
0x49: {  	_ =	shalt  }
0x4a: {  	_ =	shalt  }
0x4b: {  	_ =	shalt  }
0x4c: {  	_ =	shalt  }
0x4d: {  	_ =	shalt  }
0x4e: {  	_ =	shalt  }
0x4f: {  	_ =	shalt  }
0x50: {  	_ =	shalt  }
0x51: {  	_ =	shalt  }
0x52: {  	_ =	shalt  }
0x53: {  	_ =	shalt  }
0x54: {  	_ =	shalt  }
0x55: {  	_ =	shalt  }
0x56: {  	_ =	shalt  }
0x57: {  	_ =	shalt  }
0x58: {  	_ =	shalt  }
0x59: {  	_ =	shalt  }
0x5a: {  	_ =	shalt  }
0x5b: {  	_ =	shalt  }
0x5c: {  	_ =	shalt  }
0x5d: {  	_ =	shalt  }
0x5e: {  	_ =	shalt  }
0x5f: {  	_ =	shalt  }
0x60: {  	_ =	shalt  }
0x61: {  	_ =	shalt  }
0x62: {  	_ =	shalt  }
0x63: {  	_ =	shalt  }
0x64: {  	_ =	shalt  }
0x65: {  	_ =	shalt  }
0x66: {  	_ =	shalt  }
0x67: {  	_ =	shalt  }
0x68: {  	_ =	shalt  }
0x69: {  	_ =	shalt  }
0x6a: {  	_ =	shalt  }
0x6b: {  	_ =	shalt  }
0x6c: {  	_ =	shalt  }
0x6d: {  	_ =	shalt  }
0x6e: {  	_ =	shalt  }
0x6f: {  	_ =	shalt  }
0x70: {  	_ =	shalt  }
0x71: {  	_ =	shalt  }
0x72: {  	_ =	shalt  }
0x73: {  	_ =	shalt  }
0x74: {  	_ =	shalt  }
0x75: {  	_ =	shalt  }
0x76: {  	_ =	shalt  }
0x77: {  	_ =	shalt  }
0x78: {  	_ =	shalt  }
0x79: {  	_ =	shalt  }
0x7a: {  	_ =	shalt  }
0x7b: {  	_ =	shalt  }
0x7c: {  	_ =	shalt  }
0x7d: {  	_ =	shalt  }
0x7e: {  	_ =	shalt  }
0x7f: {  	_ =	shalt  }
0x80: {  	_ =	shalt  }
0x81: {  	_ =	shalt  }
0x82: {  	_ =	shalt  }
0x83: {  	_ =	shalt  }
0x84: {  	_ =	shalt  }
0x85: {  	_ =	shalt  }
0x86: {  	_ =	shalt  }
0x87: {  	_ =	shalt  }
.Lfunc_end0:
.L_simem_size_0:
called_computation_lowered:
.L_overlay_start_0:
0x88: {  	s2 =	sld [smem:$0x3FD9]  }
0x89: {  	s3 =	sld [smem:$0x3FFE];
	_ =	sdelay $0x1  }
0x8a: {  	s1 =	srdreg.scid  }
0x8b: {  	s0 =	sand.u32 $0x1, s1  }
0x8c: {  	s17 =	sshll.u32 s0, $0xA;
	s2 =	sadd.s32 s3, s2  }
0x8d: {  	s2 =	sadd.s32 s2, s17  }
0x8e: {  	[smem:$0x3FC3] =	sst s2  }
0x8f: {  	_ = 	snop  }
0x90: {  	s2 =	sld [smem:$0x3FD0];
	(tm) =	ssettm $0x1  }
0x91: {  	s18 =	sld [smem:$0x3FFB];
	_ =	sdelay $0x3  }
0x92: {  	_ =	strace s18  }
0x93: {  	s3 =	sld [smem:$0x3FFC];
	_ =	sdelay $0x3  }
0x94: {  	_ =	strace s3  }
0x95: {  	s3 =	sld [smem:$0x3FFD];
	_ =	sdelay $0x3  }
0x96: {  	_ =	strace s3  }
0x97: {  	_ =	strace $0x8FFFFFFF  }
0x98: {  	s19 =	sld [smem:$0x3FDB];
	_ =	sdelay $0x1  }
0x99: {  	s4 =	simm.s32 $_scs_section_size  }
0x9a: {  	s5 =	simm.s32 $_size__tile_overlayer_lowered;
	s6 =	simm.s32 $_tile_overlayer_lowered  }
0x9b: {  	s22 =	simm.s32 $0x1BFF;
	s21 =	sshll.u32 s6, $0x1;
	s3 =	sadd.s32 s4, s19  }
0x9c: {  	s7 =	simm.s32 $0x0;
	s20 =	sshll.u32 s5, $0x1;
	s5 =	sadd.s32 s21, s3  }
0x9d: {  	[timem:s7], [sflag:s22] =	dma.local [hbm:s5], s20  }
0x9e: {  	_ =	swait.ge [sflag:s22], s20  }
0x9f: {  	s4 =	ssub.s32 $0x0, s20;
	[sflag:s22] =	ssyncset.done $0x0  }
0xa0: {  	[sflag:s22] =	ssyncadd.s32 s4;
	_ =	sdelay $0x1  }
0xa1: {  	s23 =	simm.s32 $0x1B8B  }
0xa2: {  	_ =	swait.ge [sflag:s23], $0x1  }
0xa3: {  	[sflag:s23] =	ssyncset.done $0x0  }
0xa4: {  	s25 =	simm.s32 $0x1B8E;
	s24 =	sld [smem:$0x3FFE];
	[sflag:s23] =	ssyncadd.s32 $0xFFFFFFFF  }
0xa5: {  	s26 =	simm.s32 $execute0_lowered;
	[smem:$0x3FD2] =	sst s25  }
0xa6: {  	s5 =	sshll.u32 s26, $0x1;
	_ =	strace $0x80000046;
	[dreg:$0x1] =	wrdreg $0xFFFFFFFF  }
0xa7: {  	s28 =	simm.s32 $_size_execute0_lowered;
	s3 =	sadd.s32 s3, s5;
	[dreg:$0x0] =	wrdreg $0x0  }
0xa8: {  	s5 =	sshll.u32 s28, $0x1;
	[dreg:$0x2] =	wrdreg s3  }
0xa9: {  	[dreg:$0x3] =	wrdreg s5  }
0xaa: {  	[dreg:$0x4] =	wrdreg $0xC0  }
0xab: {  	_ =	task [dreg:s7], $0x5FFFF  }
0xac: {  	[dreg:$0x1] =	wrdreg $0xFFFFFFFF  }
0xad: {  	[dreg:$0x0] =	wrdreg $0x60  }
0xae: {  	[dreg:$0x2] =	wrdreg s2  }
0xaf: {  	[dreg:$0x3] =	wrdreg s24  }
0xb0: {  	[dreg:$0x4] =	wrdreg $0xA8000  }
0xb1: {  	[dreg:$0x5] =	wrdreg $0x9  }
0xb2: {  	_ =	task.clear_ibuf [dreg:s7], $0x6FFFF;
	_ =	strace $0x90000046  }
0xb3: {  	s29 =	simm.s32 $0x9;
	_ =	strace $0x80000048  }
0xb4: {  	_ =	swait.ge [sflag:s29], $0x1  }
0xb5: {  	[sflag:s29] =	ssyncadd.s32 $0xFFFFFFFF  }
0xb6: {  	_ =	strace $0x90000048  }
0xb7: {  	_ =	sfence  }
0xb8: {  	s30 =	sld [smem:$0x0];
	_ =	sdelay $0x2  }
0xb9: {  	s31 =	sshll.u32 s1, $0xD;
	s1 =	sshrl.u32 s1, $0x2  }
0xba: {  	s3 =	sand.u32 $0x4000, s31;
	s1 =	sadd.s32 s1, s30  }
0xbb: {  	s0 =	sor.u32 s3, s0;
	s1 =	sshll.u32 s1, $0x11  }
0xbc: {  	s0 =	sor.u32 s1, s0  }
0xbd: {  	s0 =	sadd.s32 $0x8F2B, s0  }
0xbe: {  	[sflag:s0] =	ssyncadd.remote.s32 $0x1  }
0xbf: {  	_ =	sfence.sel $0xFFFF  }
0xc0: {  	[dreg:$0x0] =	wrdreg $0xFFFFFFFF;
	(pc) =	sbr.abs _section_cstart, $3  }
0xc1: {  	[dreg:$0x1] =	wrdreg $0xFFFFFFFF  }
0xc2: {  	_ =	task.clear_ibuf [dreg:s7], $0x2FFFF;
	_ =	strace $0x9FFFFFFF  }
0xc3: {  	(tm) =	ssettm $0x7FFFFFFF  }
tec
execute0_lowered:
.L_overlay_start_1:
0x0: {  	(tag) =	ssettag $0x1  }
0x1: {  	s1 =	rddreg [dreg:$0x0]  }
0x2: {  	s2 =	rddreg [dreg:$0x1]  }
0x3: {  	s0 =	stileid.u32;
	s4 =	srdreg.scid  }
0x4: {  	s3 =	rddreg [dreg:$0x2];
	s16 =	simm.s32 $0xC000;
	s17 =	simm.s32 $0x2800  }
0x5: {  	s18 =	simm.s32 $0x6800;
	s19 =	simm.s32 $0x1;
	s20 =	simm.s32 $0x3  }
0x6: {  	s21 =	simm.s32 $0x100;
	s22 =	simm.s32 $0x2;
	s5 =	smul.u32 $0x2800, s0  }
0x7: {  	s23 =	simm.s32 $0x1480;
	s24 =	simm.s32 $0x4;
	s8 =	smul.u32 $0x3E80, s0  }
0x8: {  	s28 =	simm.s32 $0x2700;
	s29 =	simm.s32 $0x2780;
	s9 =	smul.u32 $0x50000, s0  }
0x9: {  	s30 =	simm.s32 $0x0;
	s7 =	sand.u32 $0x1, s4;
	s14 =	smul.u32 $0x500, s0  }
0xa: {  	s4 =	simm.s32 $0x0;
	s10 =	sadd.s32 $0x2000, s2;
	s31 =	smul.u32 $0x7D000, s0  }
0xb: {  	s26 =	sshll.u32 s0, $0x6;
	s6 =	smul.u32 $0x27100, s7;
	[smem:$0x7FF] =	sst s4  }
0xc: {  	s11 =	ssub.s32 $0x2, s7;
	p0 =	seq.s32 s7, $0x0;
	_ =	strace $0x80000047  }
0xd: {  	s5 =	sadd.s32 s5, s2;
	s25 =	sshrl.u32 s11, $0x1;
	s9 =	sshrl.u32 s9, $0x2  }
0xe: {  	s7 =	sadd.s32 s10, s14;
	s15 =	sadd.s32 $0x280, s14;
	s16 =	simm.s32 @!p0 $0x7000  }
0xf: {  	p0 =	sgt.u32 s0, $0x9;
	s6 =	sadd.s32 s8, s6;
	s11 =	ssub.s32 s11, s25  }
0x10: {  	s13 =	sadd.s32 s9, s3;
	s5 =	sadd.s32 $0x11000, s5;
	s8 =	sadd.s32 s10, s15  }
0x11: {  	s9 =	sshrl.u32 s31, $0x2;
	s12 =	sadd.s32 s6, s2;
	s6 =	sor.u32 $0x1C05, s26  }
0x12: {  	s25 =	sadd.s32 s9, s3;
	s2 =	sadd.s32 s16, s2;
	s10 =	smax.u32 s11, $0x1  }
0x13: {  	s13 =	sshrl.u32 s13, $0x3;
	s16 =	simm.s32 $0x80;
	s26 =	simm.s32 $0x1380  }
0x14: {  	s9 =	sadd.s32 $0x39000, s12;
	s11 =	sadd.s32 s2, s14;
	s12 =	sadd.s32 s2, s15  }
0x15: {  	s14 =	simm.s32 $0x5;
	s15 =	simm.s32 $0x1400;
	s25 =	sshrl.u32 @!p0 s25, $0x3  }
.LBB2_1:
0x16: {  	[spmem:s13], [sflag:s6] =	dma.local [hbm:s5], $0x2800  }
0x17: {  	_ =	swait.ge [sflag:s14], $0x2800  }
0x18: {  	[sflag:s14] =	ssyncset.done $0x0  }
0x19: {  	[sflag:s14] =	ssyncadd.s32 $0xFFFFD800  }
0x1a: {  	[bflag:$0x0] =	sbarrier.arrive $0xFFFF  }
0x1b: {  	[tilespmem:s4], [sflag:$0x5] =	stream.linear.gather [hbm4b:s11+s4], $0x1400, $0x38;
	[tilespmem:$0x1E800] =	vst v63  }
0x1c: {  	_ =	swait.ge [sflag:s14], $0x1400  }
0x1d: {  	[sflag:s14] =	ssyncset.done $0x0  }
0x1e: {  	[sflag:s14] =	ssyncadd.s32 $0xFFFFEC00  }
0x1f: {  	[tilespmem:s15], [sflag:$0x5] =	stream.linear.gather [hbm4b:s7+s4], $0x1400, $0x38;
	[tilespmem:$0x1E800] =	vst v63  }
0x20: {  	_ =	swait.ge [sflag:s14], $0x1400  }
0x21: {  	[sflag:s14] =	ssyncset.done $0x0  }
0x22: {  	[sflag:s14] =	ssyncadd.s32 $0xFFFFEC00  }
0x23: {  	[tilespmem:s17], [sflag:$0x1] =	stream.indirect.gather [hbm4b:s1+s16], $0x80, s4, s16, $0xb8;
	[tilespmem:$0x1E800] =	vst v63  }
0x24: {  	_ = 	snop  }
0x25: {  	[tilespmem:s18], [sflag:$0x2] =	stream.indirect.gather [hbm4b:s1+s16], $0x80, s16, s16, $0xb8;
	[tilespmem:$0x1E800] =	vst v63  }
0x26: {  	_ =	swait.ge [sflag:s19], $0x4000  }
0x27: {  	[sflag:s19] =	ssyncset.done $0x0  }
0x28: {  	[sflag:s19] =	ssyncadd.s32 $0xFFFFC000  }
0x29: {  	[spmem:s3] =	stream.indirect.scatter.add.f32 [tilespmem:s17], [sflag:$0x3], $0x80, s15, s16, $0xb8;
	[tilespmem:$0x1E800] =	vst v63  }
0x2a: {  	_ =	swait.ge [sflag:s20], $0x4000  }
0x2b: {  	[sflag:s20] =	ssyncset.done $0x0  }
0x2c: {  	[sflag:s20] =	ssyncadd.s32 $0xFFFFC000  }
0x2d: {  	[tilespmem:s17], [sflag:$0x1] =	stream.indirect.gather [hbm4b:s1+s16], $0x80, s21, s16, $0xb8;
	[tilespmem:$0x1E800] =	vst v63  }
0x2e: {  	_ =	swait.ge [sflag:s22], $0x4000  }
0x2f: {  	[sflag:s22] =	ssyncset.done $0x0  }
0x30: {  	[sflag:s22] =	ssyncadd.s32 $0xFFFFC000  }
0x31: {  	[spmem:s3] =	stream.indirect.scatter.add.f32 [tilespmem:s18], [sflag:$0x4], $0x80, s23, s16, $0xb8;
	[tilespmem:$0x1E800] =	vst v63  }
0x32: {  	_ =	swait.ge [sflag:s24], $0x4000  }
0x33: {  	[sflag:s24] =	ssyncset.done $0x0  }
0x34: {  	s2 =	simm.s32 $0x180;
	[sflag:s24] =	ssyncadd.s32 $0xFFFFC000  }
0x35: {  	[tilespmem:s18], [sflag:$0x2] =	stream.indirect.gather [hbm4b:s1+s16], $0x80, s2, s16, $0xb8;
	[tilespmem:$0x1E800] =	vst v63  }
0x36: {  	_ =	swait.ge [sflag:s19], $0x4000  }
0x37: {  	[sflag:s19] =	ssyncset.done $0x0  }
0x38: {  	s0 =	simm.s32 $0x1500;
	[sflag:s19] =	ssyncadd.s32 $0xFFFFC000  }
0x39: {  	[spmem:s3] =	stream.indirect.scatter.add.f32 [tilespmem:s17], [sflag:$0x3], $0x80, s0, s16, $0xb8;
	[tilespmem:$0x1E800] =	vst v63  }
0x3a: {  	_ =	swait.ge [sflag:s20], $0x4000  }
0x3b: {  	[sflag:s20] =	ssyncset.done $0x0  }
0x3c: {  	s0 =	simm.s32 $0x200;
	[sflag:s20] =	ssyncadd.s32 $0xFFFFC000  }
0x3d: {  	[tilespmem:s17], [sflag:$0x1] =	stream.indirect.gather [hbm4b:s1+s16], $0x80, s0, s16, $0xb8;
	[tilespmem:$0x1E800] =	vst v63  }
0x3e: {  	_ =	swait.ge [sflag:s22], $0x4000  }
0x3f: {  	[sflag:s22] =	ssyncset.done $0x0  }
0x40: {  	s31 =	simm.s32 $0xFFFFBC00;
	s2 =	simm.s32 $0x1580;
	[sflag:s22] =	ssyncadd.s32 $0xFFFFC000  }
.LBB2_2:
0x41: {  	[spmem:s3] =	stream.indirect.scatter.add.f32 [tilespmem:s18], [sflag:$0x4], $0x80, s2, s16, $0xb8;
	[tilespmem:$0x1E800] =	vst v63  }
0x42: {  	s2 =	smov.u32 s31  }
0x43: {  	p1 =	sne.s32 s31, $0xFFFFFC00;
	s31 =	sadd.s32 $0x400, s31;
	_ =	swait.ge [sflag:s24], $0x4000  }
0x44: {  	s2 =	sshra.s32 s2, $0x2;
	[sflag:s24] =	ssyncset.done $0x0  }
0x45: {  	s0 =	sadd.s32 $0x1380, s2;
	[sflag:s24] =	ssyncadd.s32 $0xFFFFC000  }
0x46: {  	[tilespmem:s18], [sflag:$0x2] =	stream.indirect.gather [hbm4b:s1+s16], $0x80, s0, s16, $0xb8;
	[tilespmem:$0x1E800] =	vst v63  }
0x47: {  	_ =	swait.ge [sflag:s19], $0x4000  }
0x48: {  	[sflag:s19] =	ssyncset.done $0x0  }
0x49: {  	s0 =	sadd.s32 $0x2700, s2;
	[sflag:s19] =	ssyncadd.s32 $0xFFFFC000  }
0x4a: {  	[spmem:s3] =	stream.indirect.scatter.add.f32 [tilespmem:s17], [sflag:$0x3], $0x80, s0, s16, $0xb8;
	[tilespmem:$0x1E800] =	vst v63  }
0x4b: {  	_ =	swait.ge [sflag:s20], $0x4000  }
0x4c: {  	[sflag:s20] =	ssyncset.done $0x0  }
.Ltmp0:
0x4d: {  	s0 =	sadd.s32 $0x1400, s2;
	[sflag:s20] =	ssyncadd.s32 $0xFFFFC000;
	(pc) =	sbr.rel @p1 .LBB2_2-.Ltmp0, $4  }
0x4e: {  	[tilespmem:s17], [sflag:$0x1] =	stream.indirect.gather [hbm4b:s1+s16], $0x80, s0, s16, $0xb8;
	[tilespmem:$0x1E800] =	vst v63  }
0x4f: {  	_ =	swait.ge [sflag:s22], $0x4000  }
0x50: {  	[sflag:s22] =	ssyncset.done $0x0  }
0x51: {  	s2 =	sadd.s32 $0x2780, s2;
	[sflag:s22] =	ssyncadd.s32 $0xFFFFC000  }
0x52: {  	[spmem:s3] =	stream.indirect.scatter.add.f32 [tilespmem:s18], [sflag:$0x4], $0x80, s2, s16, $0xb8;
	[tilespmem:$0x1E800] =	vst v63  }
0x53: {  	_ =	swait.ge [sflag:s24], $0x4000  }
0x54: {  	[sflag:s24] =	ssyncset.done $0x0  }
0x55: {  	[sflag:s24] =	ssyncadd.s32 $0xFFFFC000  }
0x56: {  	[tilespmem:s18], [sflag:$0x2] =	stream.indirect.gather [hbm4b:s1+s16], $0x80, s26, s16, $0xb8;
	[tilespmem:$0x1E800] =	vst v63  }
0x57: {  	_ =	swait.ge [sflag:s19], $0x4000  }
0x58: {  	[sflag:s19] =	ssyncset.done $0x0  }
0x59: {  	[sflag:s19] =	ssyncadd.s32 $0xFFFFC000  }
0x5a: {  	[spmem:s3] =	stream.indirect.scatter.add.f32 [tilespmem:s17], [sflag:$0x3], $0x80, s28, s16, $0xb8;
	[tilespmem:$0x1E800] =	vst v63  }
0x5b: {  	_ =	swait.ge [sflag:s20], $0x4000  }
0x5c: {  	[sflag:s20] =	ssyncset.done $0x0  }
0x5d: {  	[sflag:s20] =	ssyncadd.s32 $0xFFFFC000  }
0x5e: {  	_ =	swait.ge [sflag:s22], $0x4000  }
0x5f: {  	[sflag:s22] =	ssyncset.done $0x0  }
0x60: {  	[sflag:s22] =	ssyncadd.s32 $0xFFFFC000  }
0x61: {  	[spmem:s3] =	stream.indirect.scatter.add.f32 [tilespmem:s18], [sflag:$0x4], $0x80, s29, s16, $0xb8;
	[tilespmem:$0x1E800] =	vst v63  }
0x62: {  	_ =	swait.ge [sflag:s24], $0x4000  }
0x63: {  	[sflag:s24] =	ssyncset.done $0x0  }
0x64: {  	[sflag:s24] =	ssyncadd.s32 $0xFFFFC000  }
0x65: {  	[tilespmem:s4], [sflag:$0x5] =	stream.linear.gather [hbm4b:s12+s4], $0x1400, $0x38;
	[tilespmem:$0x1E800] =	vst v63  }
0x66: {  	_ =	swait.ge [sflag:s14], $0x1400  }
0x67: {  	[sflag:s14] =	ssyncset.done $0x0  }
0x68: {  	[sflag:s14] =	ssyncadd.s32 $0xFFFFEC00  }
0x69: {  	[tilespmem:s15], [sflag:$0x5] =	stream.linear.gather [hbm4b:s8+s4], $0x1400, $0x38;
	[tilespmem:$0x1E800] =	vst v63  }
0x6a: {  	_ =	swait.ge [sflag:s14], $0x1400  }
0x6b: {  	[sflag:s14] =	ssyncset.done $0x0  }
0x6c: {  	[sflag:s14] =	ssyncadd.s32 $0xFFFFEC00  }
0x6d: {  	[tilespmem:s17], [sflag:$0x1] =	stream.indirect.gather [hbm4b:s1+s16], $0x80, s4, s16, $0xb8;
	[tilespmem:$0x1E800] =	vst v63  }
0x6e: {  	_ = 	snop  }
0x6f: {  	[tilespmem:s18], [sflag:$0x2] =	stream.indirect.gather [hbm4b:s1+s16], $0x80, s16, s16, $0xb8;
	[tilespmem:$0x1E800] =	vst v63  }
0x70: {  	_ =	swait.ge [sflag:s19], $0x4000  }
0x71: {  	[sflag:s19] =	ssyncset.done $0x0  }
0x72: {  	[sflag:s19] =	ssyncadd.s32 $0xFFFFC000  }
0x73: {  	[spmem:s3] =	stream.indirect.scatter.add.f32 [tilespmem:s17], [sflag:$0x3], $0x80, s15, s16, $0xb8;
	[tilespmem:$0x1E800] =	vst v63  }
0x74: {  	_ =	swait.ge [sflag:s20], $0x4000  }
0x75: {  	[sflag:s20] =	ssyncset.done $0x0  }
0x76: {  	[sflag:s20] =	ssyncadd.s32 $0xFFFFC000  }
0x77: {  	[tilespmem:s17], [sflag:$0x1] =	stream.indirect.gather [hbm4b:s1+s16], $0x80, s21, s16, $0xb8;
	[tilespmem:$0x1E800] =	vst v63  }
0x78: {  	_ =	swait.ge [sflag:s22], $0x4000  }
0x79: {  	[sflag:s22] =	ssyncset.done $0x0  }
0x7a: {  	[sflag:s22] =	ssyncadd.s32 $0xFFFFC000  }
0x7b: {  	[spmem:s3] =	stream.indirect.scatter.add.f32 [tilespmem:s18], [sflag:$0x4], $0x80, s23, s16, $0xb8;
	[tilespmem:$0x1E800] =	vst v63  }
0x7c: {  	_ =	swait.ge [sflag:s24], $0x4000  }
0x7d: {  	[sflag:s24] =	ssyncset.done $0x0  }
0x7e: {  	s0 =	simm.s32 $0x180;
	[sflag:s24] =	ssyncadd.s32 $0xFFFFC000  }
0x7f: {  	[tilespmem:s18], [sflag:$0x2] =	stream.indirect.gather [hbm4b:s1+s16], $0x80, s0, s16, $0xb8;
	[tilespmem:$0x1E800] =	vst v63  }
0x80: {  	_ =	swait.ge [sflag:s19], $0x4000  }
0x81: {  	[sflag:s19] =	ssyncset.done $0x0  }
0x82: {  	s2 =	simm.s32 $0x1500;
	[sflag:s19] =	ssyncadd.s32 $0xFFFFC000  }
0x83: {  	[spmem:s3] =	stream.indirect.scatter.add.f32 [tilespmem:s17], [sflag:$0x3], $0x80, s2, s16, $0xb8;
	[tilespmem:$0x1E800] =	vst v63  }
0x84: {  	_ =	swait.ge [sflag:s20], $0x4000  }
0x85: {  	[sflag:s20] =	ssyncset.done $0x0  }
0x86: {  	s2 =	simm.s32 $0x200;
	[sflag:s20] =	ssyncadd.s32 $0xFFFFC000  }
0x87: {  	[tilespmem:s17], [sflag:$0x1] =	stream.indirect.gather [hbm4b:s1+s16], $0x80, s2, s16, $0xb8;
	[tilespmem:$0x1E800] =	vst v63  }
0x88: {  	_ =	swait.ge [sflag:s22], $0x4000  }
0x89: {  	[sflag:s22] =	ssyncset.done $0x0  }
0x8a: {  	s31 =	simm.s32 $0xFFFFBC00;
	s2 =	simm.s32 $0x1580;
	[sflag:s22] =	ssyncadd.s32 $0xFFFFC000  }
.LBB2_4:
0x8b: {  	[spmem:s3] =	stream.indirect.scatter.add.f32 [tilespmem:s18], [sflag:$0x4], $0x80, s2, s16, $0xb8;
	[tilespmem:$0x1E800] =	vst v63  }
0x8c: {  	s0 =	smov.u32 s31  }
0x8d: {  	p1 =	sne.s32 s31, $0xFFFFFC00;
	s31 =	sadd.s32 $0x400, s31;
	_ =	swait.ge [sflag:s24], $0x4000  }
0x8e: {  	s0 =	sshra.s32 s0, $0x2;
	[sflag:s24] =	ssyncset.done $0x0  }
0x8f: {  	s2 =	sadd.s32 $0x1380, s0;
	[sflag:s24] =	ssyncadd.s32 $0xFFFFC000  }
0x90: {  	[tilespmem:s18], [sflag:$0x2] =	stream.indirect.gather [hbm4b:s1+s16], $0x80, s2, s16, $0xb8;
	[tilespmem:$0x1E800] =	vst v63  }
0x91: {  	_ =	swait.ge [sflag:s19], $0x4000  }
0x92: {  	[sflag:s19] =	ssyncset.done $0x0  }
0x93: {  	s2 =	sadd.s32 $0x2700, s0;
	[sflag:s19] =	ssyncadd.s32 $0xFFFFC000  }
0x94: {  	[spmem:s3] =	stream.indirect.scatter.add.f32 [tilespmem:s17], [sflag:$0x3], $0x80, s2, s16, $0xb8;
	[tilespmem:$0x1E800] =	vst v63  }
0x95: {  	_ =	swait.ge [sflag:s20], $0x4000  }
0x96: {  	[sflag:s20] =	ssyncset.done $0x0  }
.Ltmp1:
0x97: {  	s2 =	sadd.s32 $0x1400, s0;
	[sflag:s20] =	ssyncadd.s32 $0xFFFFC000;
	(pc) =	sbr.rel @p1 .LBB2_4-.Ltmp1, $4  }
0x98: {  	[tilespmem:s17], [sflag:$0x1] =	stream.indirect.gather [hbm4b:s1+s16], $0x80, s2, s16, $0xb8;
	[tilespmem:$0x1E800] =	vst v63  }
0x99: {  	_ =	swait.ge [sflag:s22], $0x4000  }
0x9a: {  	[sflag:s22] =	ssyncset.done $0x0  }
0x9b: {  	s2 =	sadd.s32 $0x2780, s0;
	[sflag:s22] =	ssyncadd.s32 $0xFFFFC000  }
0x9c: {  	[spmem:s3] =	stream.indirect.scatter.add.f32 [tilespmem:s18], [sflag:$0x4], $0x80, s2, s16, $0xb8;
	[tilespmem:$0x1E800] =	vst v63  }
0x9d: {  	_ =	swait.ge [sflag:s24], $0x4000  }
0x9e: {  	[sflag:s24] =	ssyncset.done $0x0  }
0x9f: {  	[sflag:s24] =	ssyncadd.s32 $0xFFFFC000  }
0xa0: {  	[tilespmem:s18], [sflag:$0x2] =	stream.indirect.gather [hbm4b:s1+s16], $0x80, s26, s16, $0xb8;
	[tilespmem:$0x1E800] =	vst v63  }
0xa1: {  	_ =	swait.ge [sflag:s19], $0x4000  }
0xa2: {  	[sflag:s19] =	ssyncset.done $0x0  }
0xa3: {  	[sflag:s19] =	ssyncadd.s32 $0xFFFFC000  }
0xa4: {  	[spmem:s3] =	stream.indirect.scatter.add.f32 [tilespmem:s17], [sflag:$0x3], $0x80, s28, s16, $0xb8;
	[tilespmem:$0x1E800] =	vst v63  }
0xa5: {  	_ =	swait.ge [sflag:s20], $0x4000  }
0xa6: {  	[sflag:s20] =	ssyncset.done $0x0  }
0xa7: {  	[sflag:s20] =	ssyncadd.s32 $0xFFFFC000  }
0xa8: {  	_ =	swait.ge [sflag:s22], $0x4000  }
0xa9: {  	[sflag:s22] =	ssyncset.done $0x0  }
0xaa: {  	[sflag:s22] =	ssyncadd.s32 $0xFFFFC000  }
0xab: {  	[spmem:s3] =	stream.indirect.scatter.add.f32 [tilespmem:s18], [sflag:$0x4], $0x80, s29, s16, $0xb8;
	[tilespmem:$0x1E800] =	vst v63  }
0xac: {  	_ =	swait.ge [sflag:s24], $0x4000  }
0xad: {  	s30 =	sadd.s32 $0x1, s30;
	[sflag:s24] =	ssyncset.done $0x0  }
0xae: {  	p1 =	sne.s32 s30, s10;
	[sflag:s24] =	ssyncadd.s32 $0xFFFFC000  }
.Ltmp2:
0xaf: {  	s0 =	simm.s32 @!p0 $0x5;
	[bflag:$0x0] =	sbarrier.arrive $0xFFFF;
	(pc) =	sbr.rel @p1 .LBB2_1-.Ltmp2, $4  }
0xb0: {  	[hbm:s9], [sflag:s6] =	dma.local @!p0 [spmem:s25], $0x3E80  }
0xb1: {  	_ =	swait.ge @!p0 [sflag:s0], $0x3E80  }
0xb2: {  	[sflag:s0] =	ssyncset.done @!p0 $0x0  }
0xb3: {  	[sflag:s0] =	ssyncadd.s32 @!p0 $0xFFFFC180  }
0xb4: {  	_ =	sfence.sel $0x180000  }
0xb5: {  	[bflag:$0x0] =	sbarrier.arrive $0xFFFF  }
0xb6: {  	_ =	strace $0x90000047  }
0xb7: {  	s0 =	stileid.u32;
	[bflag:$0x2] =	sbarrier.arrive $0xFFFF  }
0xb8: {  	p0 =	sne.s32 s0, $0x0;
	s0 =	rddreg [dreg:$0x3]  }
0xb9: {  	s0 =	sadd.s32 @!p0 $0x100000, s0  }
0xba: {  	[sflag:s0] =	ssyncadd.tile.s32 @!p0 $0x1;
	_ =	shalt  }
.Lfunc_end2:
_tile_overlayer_lowered:
.L_overlay_start_2:
0xbb: {  	(tag) =	ssettag $0x2  }
0xbc: {  	s0 =	rddreg [dreg:$0x0];
	s2 =	stileid.u32  }
0xbd: {  	s1 =	rddreg [dreg:$0x1];
	p0 =	sne.s32 s2, $0x0  }
0xbe: {  	s3 =	rddreg [dreg:$0x2];
	[bflag:$0x3] =	sbarrier.arrive $0xFFFF;
	s2 =	simm.s32 @!p0 $0x1C05  }
0xbf: {  	[timem:s3], [sflag:s2] =	dma.local @!p0 [hbm:s0], s1  }
0xc0: {  	s0 =	simm.s32 @!p0 $0x5  }
0xc1: {  	_ =	swait.ge @!p0 [sflag:s0], s1  }
0xc2: {  	s1 =	ssub.s32 @!p0 $0x0, s1;
	[sflag:s0] =	ssyncset.done @!p0 $0x0  }
0xc3: {  	[sflag:s0] =	ssyncadd.s32 @!p0 s1  }
0xc4: {  	[bflag:$0x3] =	sbarrier.arrive $0xFFFF  }
0xc5: {  	_ =	shalt  }

// kernel: kernel.15.cloned.1.call-start
scs
__scs_entry_jumppad:
0x0: {  	(pc) =	sbr.rel $0x88, $3  }
0x1: {  	(tag) =	ssettag $0x0;
	lr =	simm.s32 $0x1  }
0x2: {  	[smem:$0x3F9C] =	sst lr;
	_ =	strace $0xD0000000  }
0x3: {  	_ = 	snop  }
0x4: {  	_ = 	snop  }
0x5: {  	_ = 	snop  }
0x6: {  	_ = 	snop  }
0x7: {  	_ = 	snop  }
__scs_overlays_trampoline_lowered:
0x8: {  	[smem:$0x3FAB] =	sst s0  }
0x9: {  	[smem:$0x3FAC] =	sst s1  }
0xa: {  	[smem:$0x3FAD] =	sst s2  }
0xb: {  	[smem:$0x3FAE] =	sst s3  }
0xc: {  	[smem:$0x3FAF] =	sst s4  }
0xd: {  	[smem:$0x3FB0] =	sst s5  }
0xe: {  	[smem:$0x3FB1] =	sst s6  }
0xf: {  	[smem:$0x3FB2] =	sst s7  }
0x10: {  	[smem:$0x3FB3] =	sst s8  }
0x11: {  	[smem:$0x3FB4] =	sst s9;
	s0 =	simm.s32 @!p0 $0x0  }
0x12: {  	s1 =	sld [smem:$0x3F9A];
	s0 =	simm.s32 @p0 $0x1  }
0x13: {  	[smem:$0x3FB5] =	sst s0;
	s0 =	simm.s32 @!p1 $0x0  }
0x14: {  	s2 =	sld [smem:$0x3F99];
	s0 =	simm.s32 @p1 $0x1  }
0x15: {  	[smem:$0x3FB6] =	sst s0;
	s0 =	simm.s32 @!p2 $0x0  }
0x16: {  	s3 =	sld [smem:$0x3FDB];
	s0 =	simm.s32 @p2 $0x1  }
0x17: {  	s4 =	simm.s32 $0x1BF5;
	[smem:$0x3FB8] =	sst s0  }
0x18: {  	s0 =	sld [smem:$0x3F9B];
	_ =	swait.ge [sflag:s4], $0x0  }
0x19: {  	s7 =	sld [smem:$0x3F9C]  }
0x1a: {  	s8 =	sadd.s32 $0xFFFFE003, lr  }
0x1b: {  	s9 =	sadd.s32 $0xFFFFFEF7, lr;
	s5 =	simm.s32 $0xFFFFFFFF;
	p2 =	slt.u32 s8, $0xFFFFF086  }
0x1c: {  	p1 =	slt.u32 s9, $0xF7A;
	s5 =	simm.s32 @!p2 $0x0  }
0x1d: {  	s5 =	simm.s32 @p1 $0x1;
	p0 =	seq.s32 s7, s2  }
0x1e: {  	s7 =	smul.u32 @!p0 $0xF7A, s2;
	p2 =	seq.s32 @!p0 s5, $0x0  }
0x1f: {  	s9 =	smul.u32 $0xF7A, s1;
	s8 =	simm.s32 @!p0 $0x1BF5;
	p2 =	por !p2, p0  }
0x20: {  	[sflag:s8] =	ssyncset.s32 @!p0 $0xFFFFF086;
	s6 =	sadd.s32 @!p0 s3, s7;
	s7 =	simm.s32 @!p0 $0x108  }
0x21: {  	s3 =	sadd.s32 s3, s9;
	s6 =	sadd.s32 @!p0 $0x88, s6;
	s7 =	simm.s32 @p2 $0x1082  }
0x22: {  	[simem:s7], [sflag:s8] =	dma.local @!p0 [hbm:s6], $0xF7A  }
0x23: {  	s9 =	sor.u32 $0xD0000000, s2;
	s6 =	simm.s32 $0x108;
	_ =	swait.ge @!p0 [sflag:s8], $0x0  }
0x24: {  	s3 =	sadd.s32 $0x88, s3;
	s6 =	simm.s32 @!p1 $0x1082;
	[sflag:s4] =	ssyncset.s32 $0xFFFFF086  }
0x25: {  	[simem:s6], [sflag:s4] =	dma.local [hbm:s3], $0xF7A  }
0x26: {  	[smem:$0x3F9C] =	sst s1;
	(tag) =	ssettag s2;
	_ =	strace s9  }
0x27: {  	s1 =	sld [smem:$0x3FAC]  }
0x28: {  	s2 =	sld [smem:$0x3FAD]  }
0x29: {  	s4 =	sld [smem:$0x3FAF]  }
0x2a: {  	p0 =	seq.s32 s5, $0x0;
	s5 =	sld [smem:$0x3FB0]  }
0x2b: {  	s6 =	sld [smem:$0x3FB1]  }
0x2c: {  	s7 =	sld [smem:$0x3FB2]  }
0x2d: {  	s3 =	simm.s32 $0x108;
	s8 =	sld [smem:$0x3FB3]  }
0x2e: {  	s3 =	simm.s32 @!p0 $0x1082;
	s9 =	sld [smem:$0x3FB4]  }
0x2f: {  	lr =	sadd.s32 s0, s3;
	s0 =	sld [smem:$0x3FAB]  }
0x30: {  	s3 =	sld [smem:$0x3FAE]  }
0x31: {  	[smem:$0x3FB7] =	sst s10  }
0x32: {  	s10 =	sld [smem:$0x3FB5];
	_ =	sdelay $0x3  }
0x33: {  	p0 =	seq.s32 s10, $0x1;
	s10 =	sld [smem:$0x3FB7];
	_ =	sdelay $0x3  }
0x34: {  	[smem:$0x3FB7] =	sst s10  }
0x35: {  	s10 =	sld [smem:$0x3FB6];
	_ =	sdelay $0x3  }
0x36: {  	p1 =	seq.s32 s10, $0x1;
	s10 =	sld [smem:$0x3FB7];
	_ =	sdelay $0x3  }
0x37: {  	[smem:$0x3FB7] =	sst s10  }
0x38: {  	s10 =	sld [smem:$0x3FB8]  }
0x39: {  	_ = 	snop;
	(pc) =	sbr.ind lr, $3  }
0x3a: {  	_ = 	snop  }
0x3b: {  	_ = 	snop  }
0x3c: {  	p2 =	seq.s32 s10, $0x1;
	s10 =	sld [smem:$0x3FB7]  }
0x3d: {  	_ =	shalt  }
0x3e: {  	_ =	shalt  }
0x3f: {  	_ =	shalt  }
0x40: {  	_ =	shalt  }
0x41: {  	_ =	shalt  }
0x42: {  	_ =	shalt  }
0x43: {  	_ =	shalt  }
0x44: {  	_ =	shalt  }
0x45: {  	_ =	shalt  }
0x46: {  	_ =	shalt  }
0x47: {  	_ =	shalt  }
0x48: {  	_ =	shalt  }
0x49: {  	_ =	shalt  }
0x4a: {  	_ =	shalt  }
0x4b: {  	_ =	shalt  }
0x4c: {  	_ =	shalt  }
0x4d: {  	_ =	shalt  }
0x4e: {  	_ =	shalt  }
0x4f: {  	_ =	shalt  }
0x50: {  	_ =	shalt  }
0x51: {  	_ =	shalt  }
0x52: {  	_ =	shalt  }
0x53: {  	_ =	shalt  }
0x54: {  	_ =	shalt  }
0x55: {  	_ =	shalt  }
0x56: {  	_ =	shalt  }
0x57: {  	_ =	shalt  }
0x58: {  	_ =	shalt  }
0x59: {  	_ =	shalt  }
0x5a: {  	_ =	shalt  }
0x5b: {  	_ =	shalt  }
0x5c: {  	_ =	shalt  }
0x5d: {  	_ =	shalt  }
0x5e: {  	_ =	shalt  }
0x5f: {  	_ =	shalt  }
0x60: {  	_ =	shalt  }
0x61: {  	_ =	shalt  }
0x62: {  	_ =	shalt  }
0x63: {  	_ =	shalt  }
0x64: {  	_ =	shalt  }
0x65: {  	_ =	shalt  }
0x66: {  	_ =	shalt  }
0x67: {  	_ =	shalt  }
0x68: {  	_ =	shalt  }
0x69: {  	_ =	shalt  }
0x6a: {  	_ =	shalt  }
0x6b: {  	_ =	shalt  }
0x6c: {  	_ =	shalt  }
0x6d: {  	_ =	shalt  }
0x6e: {  	_ =	shalt  }
0x6f: {  	_ =	shalt  }
0x70: {  	_ =	shalt  }
0x71: {  	_ =	shalt  }
0x72: {  	_ =	shalt  }
0x73: {  	_ =	shalt  }
0x74: {  	_ =	shalt  }
0x75: {  	_ =	shalt  }
0x76: {  	_ =	shalt  }
0x77: {  	_ =	shalt  }
0x78: {  	_ =	shalt  }
0x79: {  	_ =	shalt  }
0x7a: {  	_ =	shalt  }
0x7b: {  	_ =	shalt  }
0x7c: {  	_ =	shalt  }
0x7d: {  	_ =	shalt  }
0x7e: {  	_ =	shalt  }
0x7f: {  	_ =	shalt  }
0x80: {  	_ =	shalt  }
0x81: {  	_ =	shalt  }
0x82: {  	_ =	shalt  }
0x83: {  	_ =	shalt  }
0x84: {  	_ =	shalt  }
0x85: {  	_ =	shalt  }
0x86: {  	_ =	shalt  }
0x87: {  	_ =	shalt  }
.Lfunc_end0:
.L_simem_size_0:
called_computation.1_lowered:
.L_overlay_start_0:
0x88: {  	s2 =	sld [smem:$0x3FD9]  }
0x89: {  	s3 =	sld [smem:$0x3FFE];
	_ =	sdelay $0x1  }
0x8a: {  	s1 =	srdreg.scid  }
0x8b: {  	s0 =	sand.u32 $0x1, s1  }
0x8c: {  	s16 =	sshll.u32 s0, $0xA;
	s2 =	sadd.s32 s3, s2  }
0x8d: {  	s2 =	sadd.s32 s2, s16  }
0x8e: {  	[smem:$0x3FC3] =	sst s2  }
0x8f: {  	_ = 	snop  }
0x90: {  	(tm) =	ssettm $0x1  }
0x91: {  	s17 =	sld [smem:$0x3FFB];
	_ =	sdelay $0x3  }
0x92: {  	_ =	strace s17  }
0x93: {  	s2 =	sld [smem:$0x3FFC];
	_ =	sdelay $0x3  }
0x94: {  	_ =	strace s2  }
0x95: {  	s2 =	sld [smem:$0x3FFD];
	_ =	sdelay $0x3  }
0x96: {  	_ =	strace s2  }
0x97: {  	_ =	strace $0x8FFFFFFF  }
0x98: {  	s18 =	sld [smem:$0x3FDB];
	_ =	sdelay $0x1  }
0x99: {  	s19 =	simm.s32 $_scs_section_size  }
0x9a: {  	s4 =	simm.s32 $_size__tile_overlayer_lowered;
	s5 =	simm.s32 $_tile_overlayer_lowered  }
0x9b: {  	s22 =	simm.s32 $0x1BFF;
	s21 =	sshll.u32 s5, $0x1;
	s2 =	sadd.s32 s19, s18  }
0x9c: {  	s6 =	simm.s32 $0x0;
	s20 =	sshll.u32 s4, $0x1;
	s4 =	sadd.s32 s21, s2  }
0x9d: {  	[timem:s6], [sflag:s22] =	dma.local [hbm:s4], s20  }
0x9e: {  	_ =	swait.ge [sflag:s22], s20  }
0x9f: {  	s3 =	ssub.s32 $0x0, s20;
	[sflag:s22] =	ssyncset.done $0x0  }
0xa0: {  	[sflag:s22] =	ssyncadd.s32 s3;
	_ =	sdelay $0x1  }
0xa1: {  	s23 =	simm.s32 $0x1B8B  }
0xa2: {  	_ =	swait.ge [sflag:s23], $0x1  }
0xa3: {  	[sflag:s23] =	ssyncset.done $0x0  }
0xa4: {  	s25 =	simm.s32 $0x1B8E;
	s24 =	sld [smem:$0x3FFE];
	[sflag:s23] =	ssyncadd.s32 $0xFFFFFFFF  }
0xa5: {  	s26 =	simm.s32 $execute0_lowered;
	[smem:$0x3FD2] =	sst s25  }
0xa6: {  	s4 =	sshll.u32 s26, $0x1;
	_ =	strace $0x80000049;
	[dreg:$0x1] =	wrdreg $0xFFFFFFFF  }
0xa7: {  	s28 =	simm.s32 $_size_execute0_lowered;
	s2 =	sadd.s32 s2, s4;
	[dreg:$0x0] =	wrdreg $0x0  }
0xa8: {  	s4 =	sshll.u32 s28, $0x1;
	[dreg:$0x2] =	wrdreg s2  }
0xa9: {  	[dreg:$0x3] =	wrdreg s4  }
0xaa: {  	[dreg:$0x4] =	wrdreg $0xC0  }
0xab: {  	_ =	task [dreg:s6], $0x5FFFF  }
0xac: {  	[dreg:$0x1] =	wrdreg $0xFFFFFFFF  }
0xad: {  	[dreg:$0x0] =	wrdreg $0x60  }
0xae: {  	[dreg:$0x2] =	wrdreg s24  }
0xaf: {  	[dreg:$0x3] =	wrdreg $0xA8000  }
0xb0: {  	[dreg:$0x4] =	wrdreg $0x9  }
0xb1: {  	_ =	task.clear_ibuf [dreg:s6], $0x5FFFF;
	_ =	strace $0x90000049  }
0xb2: {  	s29 =	simm.s32 $0x9;
	_ =	strace $0x8000004B  }
0xb3: {  	_ =	swait.ge [sflag:s29], $0x1  }
0xb4: {  	[sflag:s29] =	ssyncadd.s32 $0xFFFFFFFF  }
0xb5: {  	_ =	strace $0x9000004B  }
0xb6: {  	_ =	sfence  }
0xb7: {  	s30 =	sld [smem:$0x0];
	_ =	sdelay $0x2  }
0xb8: {  	s31 =	sshll.u32 s1, $0xD;
	s1 =	sshrl.u32 s1, $0x2  }
0xb9: {  	s3 =	sand.u32 $0x4000, s31;
	s1 =	sadd.s32 s1, s30  }
0xba: {  	s0 =	sor.u32 s3, s0;
	s1 =	sshll.u32 s1, $0x11  }
0xbb: {  	s0 =	sor.u32 s1, s0  }
0xbc: {  	s0 =	sadd.s32 $0x8F2B, s0  }
0xbd: {  	[sflag:s0] =	ssyncadd.remote.s32 $0x1  }
0xbe: {  	_ =	sfence.sel $0xFFFF  }
0xbf: {  	[dreg:$0x0] =	wrdreg $0xFFFFFFFF;
	(pc) =	sbr.abs _section_cstart, $3  }
0xc0: {  	[dreg:$0x1] =	wrdreg $0xFFFFFFFF  }
0xc1: {  	_ =	task.clear_ibuf [dreg:s6], $0x2FFFF;
	_ =	strace $0x9FFFFFFF  }
0xc2: {  	(tm) =	ssettm $0x7FFFFFFF  }
0xc3: {  	_ =	shalt  }
tec
execute0_lowered:
.L_overlay_start_1:
0x0: {  	(tag) =	ssettag $0x1  }
0x1: {  	s1 =	rddreg [dreg:$0x0];
	s0 =	stileid.u32  }
0x2: {  	s3 =	srdreg.scid;
	s2 =	rddreg [dreg:$0x1]  }
0x3: {  	s16 =	simm.s32 $0xC000;
	s17 =	simm.s32 $0x2800;
	s18 =	simm.s32 $0x6800  }
0x4: {  	s19 =	simm.s32 $0x1;
	s20 =	simm.s32 $0x3;
	s21 =	simm.s32 $0x100  }
0x5: {  	s22 =	simm.s32 $0x2;
	s23 =	simm.s32 $0x1480;
	s5 =	smul.u32 $0x2800, s0  }
0x6: {  	s24 =	simm.s32 $0x4;
	s28 =	simm.s32 $0x2700;
	s8 =	smul.u32 $0x3E80, s0  }
0x7: {  	s29 =	simm.s32 $0x2780;
	s30 =	simm.s32 $0x0;
	s9 =	smul.u32 $0x50000, s0  }
0x8: {  	s7 =	sand.u32 $0x1, s3;
	s3 =	simm.s32 $0x0;
	s14 =	smul.u32 $0x500, s0  }
0x9: {  	s4 =	sadd.s32 $0x39000, s1;
	s10 =	sadd.s32 $0x2000, s1;
	s31 =	smul.u32 $0x7D000, s0  }
0xa: {  	s26 =	sshll.u32 s0, $0x6;
	s6 =	smul.u32 $0x27100, s7;
	[smem:$0x7FF] =	sst s3  }
0xb: {  	s11 =	ssub.s32 $0x2, s7;
	p0 =	seq.s32 s7, $0x0;
	_ =	strace $0x8000004A  }
0xc: {  	s5 =	sadd.s32 s5, s1;
	s25 =	sshrl.u32 s11, $0x1;
	s9 =	sshrl.u32 s9, $0x2  }
0xd: {  	s7 =	sadd.s32 s10, s14;
	s15 =	sadd.s32 $0x280, s14;
	s16 =	simm.s32 @!p0 $0x7000  }
0xe: {  	p0 =	sgt.u32 s0, $0x9;
	s6 =	sadd.s32 s8, s6;
	s11 =	ssub.s32 s11, s25  }
0xf: {  	s13 =	sadd.s32 s9, s2;
	s5 =	sadd.s32 $0x11000, s5;
	s8 =	sadd.s32 s10, s15  }
0x10: {  	s9 =	sshrl.u32 s31, $0x2;
	s12 =	sadd.s32 s6, s1;
	s6 =	sor.u32 $0x1C05, s26  }
0x11: {  	s25 =	sadd.s32 s9, s2;
	s1 =	sadd.s32 s16, s1;
	s10 =	smax.u32 s11, $0x1  }
0x12: {  	s13 =	sshrl.u32 s13, $0x3;
	s16 =	simm.s32 $0x80;
	s26 =	simm.s32 $0x1380  }
0x13: {  	s9 =	sadd.s32 $0x87200, s12;
	s11 =	sadd.s32 s1, s14;
	s12 =	sadd.s32 s1, s15  }
0x14: {  	s14 =	simm.s32 $0x5;
	s15 =	simm.s32 $0x1400;
	s25 =	sshrl.u32 @!p0 s25, $0x3  }
.LBB2_1:
0x15: {  	[spmem:s13], [sflag:s6] =	dma.local [hbm:s5], $0x2800  }
0x16: {  	_ =	swait.ge [sflag:s14], $0x2800  }
0x17: {  	[sflag:s14] =	ssyncset.done $0x0  }
0x18: {  	[sflag:s14] =	ssyncadd.s32 $0xFFFFD800  }
0x19: {  	[bflag:$0x0] =	sbarrier.arrive $0xFFFF  }
0x1a: {  	[tilespmem:s3], [sflag:$0x5] =	stream.linear.gather [hbm4b:s11+s3], $0x1400, $0x38;
	[tilespmem:$0x1E800] =	vst v63  }
0x1b: {  	_ =	swait.ge [sflag:s14], $0x1400  }
0x1c: {  	[sflag:s14] =	ssyncset.done $0x0  }
0x1d: {  	[sflag:s14] =	ssyncadd.s32 $0xFFFFEC00  }
0x1e: {  	[tilespmem:s15], [sflag:$0x5] =	stream.linear.gather [hbm4b:s7+s3], $0x1400, $0x38;
	[tilespmem:$0x1E800] =	vst v63  }
0x1f: {  	_ =	swait.ge [sflag:s14], $0x1400  }
0x20: {  	[sflag:s14] =	ssyncset.done $0x0  }
0x21: {  	[sflag:s14] =	ssyncadd.s32 $0xFFFFEC00  }
0x22: {  	[tilespmem:s17], [sflag:$0x1] =	stream.indirect.gather [hbm4b:s4+s16], $0x80, s3, s16, $0xb8;
	[tilespmem:$0x1E800] =	vst v63  }
0x23: {  	_ = 	snop  }
0x24: {  	[tilespmem:s18], [sflag:$0x2] =	stream.indirect.gather [hbm4b:s4+s16], $0x80, s16, s16, $0xb8;
	[tilespmem:$0x1E800] =	vst v63  }
0x25: {  	_ =	swait.ge [sflag:s19], $0x4000  }
0x26: {  	[sflag:s19] =	ssyncset.done $0x0  }
0x27: {  	[sflag:s19] =	ssyncadd.s32 $0xFFFFC000  }
0x28: {  	[spmem:s2] =	stream.indirect.scatter.add.f32 [tilespmem:s17], [sflag:$0x3], $0x80, s15, s16, $0xb8;
	[tilespmem:$0x1E800] =	vst v63  }
0x29: {  	_ =	swait.ge [sflag:s20], $0x4000  }
0x2a: {  	[sflag:s20] =	ssyncset.done $0x0  }
0x2b: {  	[sflag:s20] =	ssyncadd.s32 $0xFFFFC000  }
0x2c: {  	[tilespmem:s17], [sflag:$0x1] =	stream.indirect.gather [hbm4b:s4+s16], $0x80, s21, s16, $0xb8;
	[tilespmem:$0x1E800] =	vst v63  }
0x2d: {  	_ =	swait.ge [sflag:s22], $0x4000  }
0x2e: {  	[sflag:s22] =	ssyncset.done $0x0  }
0x2f: {  	[sflag:s22] =	ssyncadd.s32 $0xFFFFC000  }
0x30: {  	[spmem:s2] =	stream.indirect.scatter.add.f32 [tilespmem:s18], [sflag:$0x4], $0x80, s23, s16, $0xb8;
	[tilespmem:$0x1E800] =	vst v63  }
0x31: {  	_ =	swait.ge [sflag:s24], $0x4000  }
0x32: {  	[sflag:s24] =	ssyncset.done $0x0  }
0x33: {  	s1 =	simm.s32 $0x180;
	[sflag:s24] =	ssyncadd.s32 $0xFFFFC000  }
0x34: {  	[tilespmem:s18], [sflag:$0x2] =	stream.indirect.gather [hbm4b:s4+s16], $0x80, s1, s16, $0xb8;
	[tilespmem:$0x1E800] =	vst v63  }
0x35: {  	_ =	swait.ge [sflag:s19], $0x4000  }
0x36: {  	[sflag:s19] =	ssyncset.done $0x0  }
0x37: {  	s0 =	simm.s32 $0x1500;
	[sflag:s19] =	ssyncadd.s32 $0xFFFFC000  }
0x38: {  	[spmem:s2] =	stream.indirect.scatter.add.f32 [tilespmem:s17], [sflag:$0x3], $0x80, s0, s16, $0xb8;
	[tilespmem:$0x1E800] =	vst v63  }
0x39: {  	_ =	swait.ge [sflag:s20], $0x4000  }
0x3a: {  	[sflag:s20] =	ssyncset.done $0x0  }
0x3b: {  	s0 =	simm.s32 $0x200;
	[sflag:s20] =	ssyncadd.s32 $0xFFFFC000  }
0x3c: {  	[tilespmem:s17], [sflag:$0x1] =	stream.indirect.gather [hbm4b:s4+s16], $0x80, s0, s16, $0xb8;
	[tilespmem:$0x1E800] =	vst v63  }
0x3d: {  	_ =	swait.ge [sflag:s22], $0x4000  }
0x3e: {  	[sflag:s22] =	ssyncset.done $0x0  }
0x3f: {  	s31 =	simm.s32 $0xFFFFBC00;
	s1 =	simm.s32 $0x1580;
	[sflag:s22] =	ssyncadd.s32 $0xFFFFC000  }
.LBB2_2:
0x40: {  	[spmem:s2] =	stream.indirect.scatter.add.f32 [tilespmem:s18], [sflag:$0x4], $0x80, s1, s16, $0xb8;
	[tilespmem:$0x1E800] =	vst v63  }
0x41: {  	s1 =	smov.u32 s31  }
0x42: {  	p1 =	sne.s32 s31, $0xFFFFFC00;
	s31 =	sadd.s32 $0x400, s31;
	_ =	swait.ge [sflag:s24], $0x4000  }
0x43: {  	s1 =	sshra.s32 s1, $0x2;
	[sflag:s24] =	ssyncset.done $0x0  }
0x44: {  	s0 =	sadd.s32 $0x1380, s1;
	[sflag:s24] =	ssyncadd.s32 $0xFFFFC000  }
0x45: {  	[tilespmem:s18], [sflag:$0x2] =	stream.indirect.gather [hbm4b:s4+s16], $0x80, s0, s16, $0xb8;
	[tilespmem:$0x1E800] =	vst v63  }
0x46: {  	_ =	swait.ge [sflag:s19], $0x4000  }
0x47: {  	[sflag:s19] =	ssyncset.done $0x0  }
0x48: {  	s0 =	sadd.s32 $0x2700, s1;
	[sflag:s19] =	ssyncadd.s32 $0xFFFFC000  }
0x49: {  	[spmem:s2] =	stream.indirect.scatter.add.f32 [tilespmem:s17], [sflag:$0x3], $0x80, s0, s16, $0xb8;
	[tilespmem:$0x1E800] =	vst v63  }
0x4a: {  	_ =	swait.ge [sflag:s20], $0x4000  }
0x4b: {  	[sflag:s20] =	ssyncset.done $0x0  }
.Ltmp0:
0x4c: {  	s0 =	sadd.s32 $0x1400, s1;
	[sflag:s20] =	ssyncadd.s32 $0xFFFFC000;
	(pc) =	sbr.rel @p1 .LBB2_2-.Ltmp0, $4  }
0x4d: {  	[tilespmem:s17], [sflag:$0x1] =	stream.indirect.gather [hbm4b:s4+s16], $0x80, s0, s16, $0xb8;
	[tilespmem:$0x1E800] =	vst v63  }
0x4e: {  	_ =	swait.ge [sflag:s22], $0x4000  }
0x4f: {  	[sflag:s22] =	ssyncset.done $0x0  }
0x50: {  	s1 =	sadd.s32 $0x2780, s1;
	[sflag:s22] =	ssyncadd.s32 $0xFFFFC000  }
0x51: {  	[spmem:s2] =	stream.indirect.scatter.add.f32 [tilespmem:s18], [sflag:$0x4], $0x80, s1, s16, $0xb8;
	[tilespmem:$0x1E800] =	vst v63  }
0x52: {  	_ =	swait.ge [sflag:s24], $0x4000  }
0x53: {  	[sflag:s24] =	ssyncset.done $0x0  }
0x54: {  	[sflag:s24] =	ssyncadd.s32 $0xFFFFC000  }
0x55: {  	[tilespmem:s18], [sflag:$0x2] =	stream.indirect.gather [hbm4b:s4+s16], $0x80, s26, s16, $0xb8;
	[tilespmem:$0x1E800] =	vst v63  }
0x56: {  	_ =	swait.ge [sflag:s19], $0x4000  }
0x57: {  	[sflag:s19] =	ssyncset.done $0x0  }
0x58: {  	[sflag:s19] =	ssyncadd.s32 $0xFFFFC000  }
0x59: {  	[spmem:s2] =	stream.indirect.scatter.add.f32 [tilespmem:s17], [sflag:$0x3], $0x80, s28, s16, $0xb8;
	[tilespmem:$0x1E800] =	vst v63  }
0x5a: {  	_ =	swait.ge [sflag:s20], $0x4000  }
0x5b: {  	[sflag:s20] =	ssyncset.done $0x0  }
0x5c: {  	[sflag:s20] =	ssyncadd.s32 $0xFFFFC000  }
0x5d: {  	_ =	swait.ge [sflag:s22], $0x4000  }
0x5e: {  	[sflag:s22] =	ssyncset.done $0x0  }
0x5f: {  	[sflag:s22] =	ssyncadd.s32 $0xFFFFC000  }
0x60: {  	[spmem:s2] =	stream.indirect.scatter.add.f32 [tilespmem:s18], [sflag:$0x4], $0x80, s29, s16, $0xb8;
	[tilespmem:$0x1E800] =	vst v63  }
0x61: {  	_ =	swait.ge [sflag:s24], $0x4000  }
0x62: {  	[sflag:s24] =	ssyncset.done $0x0  }
0x63: {  	[sflag:s24] =	ssyncadd.s32 $0xFFFFC000  }
0x64: {  	[tilespmem:s3], [sflag:$0x5] =	stream.linear.gather [hbm4b:s12+s3], $0x1400, $0x38;
	[tilespmem:$0x1E800] =	vst v63  }
0x65: {  	_ =	swait.ge [sflag:s14], $0x1400  }
0x66: {  	[sflag:s14] =	ssyncset.done $0x0  }
0x67: {  	[sflag:s14] =	ssyncadd.s32 $0xFFFFEC00  }
0x68: {  	[tilespmem:s15], [sflag:$0x5] =	stream.linear.gather [hbm4b:s8+s3], $0x1400, $0x38;
	[tilespmem:$0x1E800] =	vst v63  }
0x69: {  	_ =	swait.ge [sflag:s14], $0x1400  }
0x6a: {  	[sflag:s14] =	ssyncset.done $0x0  }
0x6b: {  	[sflag:s14] =	ssyncadd.s32 $0xFFFFEC00  }
0x6c: {  	[tilespmem:s17], [sflag:$0x1] =	stream.indirect.gather [hbm4b:s4+s16], $0x80, s3, s16, $0xb8;
	[tilespmem:$0x1E800] =	vst v63  }
0x6d: {  	_ = 	snop  }
0x6e: {  	[tilespmem:s18], [sflag:$0x2] =	stream.indirect.gather [hbm4b:s4+s16], $0x80, s16, s16, $0xb8;
	[tilespmem:$0x1E800] =	vst v63  }
0x6f: {  	_ =	swait.ge [sflag:s19], $0x4000  }
0x70: {  	[sflag:s19] =	ssyncset.done $0x0  }
0x71: {  	[sflag:s19] =	ssyncadd.s32 $0xFFFFC000  }
0x72: {  	[spmem:s2] =	stream.indirect.scatter.add.f32 [tilespmem:s17], [sflag:$0x3], $0x80, s15, s16, $0xb8;
	[tilespmem:$0x1E800] =	vst v63  }
0x73: {  	_ =	swait.ge [sflag:s20], $0x4000  }
0x74: {  	[sflag:s20] =	ssyncset.done $0x0  }
0x75: {  	[sflag:s20] =	ssyncadd.s32 $0xFFFFC000  }
0x76: {  	[tilespmem:s17], [sflag:$0x1] =	stream.indirect.gather [hbm4b:s4+s16], $0x80, s21, s16, $0xb8;
	[tilespmem:$0x1E800] =	vst v63  }
0x77: {  	_ =	swait.ge [sflag:s22], $0x4000  }
0x78: {  	[sflag:s22] =	ssyncset.done $0x0  }
0x79: {  	[sflag:s22] =	ssyncadd.s32 $0xFFFFC000  }
0x7a: {  	[spmem:s2] =	stream.indirect.scatter.add.f32 [tilespmem:s18], [sflag:$0x4], $0x80, s23, s16, $0xb8;
	[tilespmem:$0x1E800] =	vst v63  }
0x7b: {  	_ =	swait.ge [sflag:s24], $0x4000  }
0x7c: {  	[sflag:s24] =	ssyncset.done $0x0  }
0x7d: {  	s0 =	simm.s32 $0x180;
	[sflag:s24] =	ssyncadd.s32 $0xFFFFC000  }
0x7e: {  	[tilespmem:s18], [sflag:$0x2] =	stream.indirect.gather [hbm4b:s4+s16], $0x80, s0, s16, $0xb8;
	[tilespmem:$0x1E800] =	vst v63  }
0x7f: {  	_ =	swait.ge [sflag:s19], $0x4000  }
0x80: {  	[sflag:s19] =	ssyncset.done $0x0  }
0x81: {  	s1 =	simm.s32 $0x1500;
	[sflag:s19] =	ssyncadd.s32 $0xFFFFC000  }
0x82: {  	[spmem:s2] =	stream.indirect.scatter.add.f32 [tilespmem:s17], [sflag:$0x3], $0x80, s1, s16, $0xb8;
	[tilespmem:$0x1E800] =	vst v63  }
0x83: {  	_ =	swait.ge [sflag:s20], $0x4000  }
0x84: {  	[sflag:s20] =	ssyncset.done $0x0  }
0x85: {  	s1 =	simm.s32 $0x200;
	[sflag:s20] =	ssyncadd.s32 $0xFFFFC000  }
0x86: {  	[tilespmem:s17], [sflag:$0x1] =	stream.indirect.gather [hbm4b:s4+s16], $0x80, s1, s16, $0xb8;
	[tilespmem:$0x1E800] =	vst v63  }
0x87: {  	_ =	swait.ge [sflag:s22], $0x4000  }
0x88: {  	[sflag:s22] =	ssyncset.done $0x0  }
0x89: {  	s31 =	simm.s32 $0xFFFFBC00;
	s1 =	simm.s32 $0x1580;
	[sflag:s22] =	ssyncadd.s32 $0xFFFFC000  }
.LBB2_4:
0x8a: {  	[spmem:s2] =	stream.indirect.scatter.add.f32 [tilespmem:s18], [sflag:$0x4], $0x80, s1, s16, $0xb8;
	[tilespmem:$0x1E800] =	vst v63  }
0x8b: {  	s0 =	smov.u32 s31  }
0x8c: {  	p1 =	sne.s32 s31, $0xFFFFFC00;
	s31 =	sadd.s32 $0x400, s31;
	_ =	swait.ge [sflag:s24], $0x4000  }
0x8d: {  	s0 =	sshra.s32 s0, $0x2;
	[sflag:s24] =	ssyncset.done $0x0  }
0x8e: {  	s1 =	sadd.s32 $0x1380, s0;
	[sflag:s24] =	ssyncadd.s32 $0xFFFFC000  }
0x8f: {  	[tilespmem:s18], [sflag:$0x2] =	stream.indirect.gather [hbm4b:s4+s16], $0x80, s1, s16, $0xb8;
	[tilespmem:$0x1E800] =	vst v63  }
0x90: {  	_ =	swait.ge [sflag:s19], $0x4000  }
0x91: {  	[sflag:s19] =	ssyncset.done $0x0  }
0x92: {  	s1 =	sadd.s32 $0x2700, s0;
	[sflag:s19] =	ssyncadd.s32 $0xFFFFC000  }
0x93: {  	[spmem:s2] =	stream.indirect.scatter.add.f32 [tilespmem:s17], [sflag:$0x3], $0x80, s1, s16, $0xb8;
	[tilespmem:$0x1E800] =	vst v63  }
0x94: {  	_ =	swait.ge [sflag:s20], $0x4000  }
0x95: {  	[sflag:s20] =	ssyncset.done $0x0  }
.Ltmp1:
0x96: {  	s1 =	sadd.s32 $0x1400, s0;
	[sflag:s20] =	ssyncadd.s32 $0xFFFFC000;
	(pc) =	sbr.rel @p1 .LBB2_4-.Ltmp1, $4  }
0x97: {  	[tilespmem:s17], [sflag:$0x1] =	stream.indirect.gather [hbm4b:s4+s16], $0x80, s1, s16, $0xb8;
	[tilespmem:$0x1E800] =	vst v63  }
0x98: {  	_ =	swait.ge [sflag:s22], $0x4000  }
0x99: {  	[sflag:s22] =	ssyncset.done $0x0  }
0x9a: {  	s1 =	sadd.s32 $0x2780, s0;
	[sflag:s22] =	ssyncadd.s32 $0xFFFFC000  }
0x9b: {  	[spmem:s2] =	stream.indirect.scatter.add.f32 [tilespmem:s18], [sflag:$0x4], $0x80, s1, s16, $0xb8;
	[tilespmem:$0x1E800] =	vst v63  }
0x9c: {  	_ =	swait.ge [sflag:s24], $0x4000  }
0x9d: {  	[sflag:s24] =	ssyncset.done $0x0  }
0x9e: {  	[sflag:s24] =	ssyncadd.s32 $0xFFFFC000  }
0x9f: {  	[tilespmem:s18], [sflag:$0x2] =	stream.indirect.gather [hbm4b:s4+s16], $0x80, s26, s16, $0xb8;
	[tilespmem:$0x1E800] =	vst v63  }
0xa0: {  	_ =	swait.ge [sflag:s19], $0x4000  }
0xa1: {  	[sflag:s19] =	ssyncset.done $0x0  }
0xa2: {  	[sflag:s19] =	ssyncadd.s32 $0xFFFFC000  }
0xa3: {  	[spmem:s2] =	stream.indirect.scatter.add.f32 [tilespmem:s17], [sflag:$0x3], $0x80, s28, s16, $0xb8;
	[tilespmem:$0x1E800] =	vst v63  }
0xa4: {  	_ =	swait.ge [sflag:s20], $0x4000  }
0xa5: {  	[sflag:s20] =	ssyncset.done $0x0  }
0xa6: {  	[sflag:s20] =	ssyncadd.s32 $0xFFFFC000  }
0xa7: {  	_ =	swait.ge [sflag:s22], $0x4000  }
0xa8: {  	[sflag:s22] =	ssyncset.done $0x0  }
0xa9: {  	[sflag:s22] =	ssyncadd.s32 $0xFFFFC000  }
0xaa: {  	[spmem:s2] =	stream.indirect.scatter.add.f32 [tilespmem:s18], [sflag:$0x4], $0x80, s29, s16, $0xb8;
	[tilespmem:$0x1E800] =	vst v63  }
0xab: {  	_ =	swait.ge [sflag:s24], $0x4000  }
0xac: {  	s30 =	sadd.s32 $0x1, s30;
	[sflag:s24] =	ssyncset.done $0x0  }
0xad: {  	p1 =	sne.s32 s30, s10;
	[sflag:s24] =	ssyncadd.s32 $0xFFFFC000  }
.Ltmp2:
0xae: {  	s0 =	simm.s32 @!p0 $0x5;
	[bflag:$0x0] =	sbarrier.arrive $0xFFFF;
	(pc) =	sbr.rel @p1 .LBB2_1-.Ltmp2, $4  }
0xaf: {  	[hbm:s9], [sflag:s6] =	dma.local @!p0 [spmem:s25], $0x3E80  }
0xb0: {  	_ =	swait.ge @!p0 [sflag:s0], $0x3E80  }
0xb1: {  	[sflag:s0] =	ssyncset.done @!p0 $0x0  }
0xb2: {  	[sflag:s0] =	ssyncadd.s32 @!p0 $0xFFFFC180  }
0xb3: {  	_ =	sfence.sel $0x180000  }
0xb4: {  	[bflag:$0x0] =	sbarrier.arrive $0xFFFF  }
0xb5: {  	_ =	strace $0x9000004A  }
0xb6: {  	s0 =	stileid.u32;
	[bflag:$0x2] =	sbarrier.arrive $0xFFFF  }
0xb7: {  	p0 =	sne.s32 s0, $0x0;
	s0 =	rddreg [dreg:$0x2]  }
0xb8: {  	s0 =	sadd.s32 @!p0 $0x100000, s0  }
0xb9: {  	[sflag:s0] =	ssyncadd.tile.s32 @!p0 $0x1;
	_ =	shalt  }
.Lfunc_end2:
_tile_overlayer_lowered:
.L_overlay_start_2:
0xba: {  	(tag) =	ssettag $0x2  }
0xbb: {  	s0 =	rddreg [dreg:$0x0];
	s2 =	stileid.u32  }
0xbc: {  	s1 =	rddreg [dreg:$0x1];
	p0 =	sne.s32 s2, $0x0  }
0xbd: {  	s3 =	rddreg [dreg:$0x2];
	[bflag:$0x3] =	sbarrier.arrive $0xFFFF;
	s2 =	simm.s32 @!p0 $0x1C05  }
0xbe: {  	[timem:s3], [sflag:s2] =	dma.local @!p0 [hbm:s0], s1  }
0xbf: {  	s0 =	simm.s32 @!p0 $0x5  }
0xc0: {  	_ =	swait.ge @!p0 [sflag:s0], s1  }
0xc1: {  	s1 =	ssub.s32 @!p0 $0x0, s1;
	[sflag:s0] =	ssyncset.done @!p0 $0x0  }
0xc2: {  	[sflag:s0] =	ssyncadd.s32 @!p0 s1  }
0xc3: {  	[bflag:$0x3] =	sbarrier.arrive $0xFFFF  }
0xc4: {  	_ =	shalt  }

// kernel: kernel.18.cloned.1.call-start
scs
__scs_entry_jumppad:
0x0: {  	(pc) =	sbr.rel $0x88, $3  }
0x1: {  	(tag) =	ssettag $0x0;
	lr =	simm.s32 $0x1  }
0x2: {  	[smem:$0x3F9C] =	sst lr;
	_ =	strace $0xD0000000  }
0x3: {  	_ = 	snop  }
0x4: {  	_ = 	snop  }
0x5: {  	_ = 	snop  }
0x6: {  	_ = 	snop  }
0x7: {  	_ = 	snop  }
__scs_overlays_trampoline_lowered:
0x8: {  	[smem:$0x3FAB] =	sst s0  }
0x9: {  	[smem:$0x3FAC] =	sst s1  }
0xa: {  	[smem:$0x3FAD] =	sst s2  }
0xb: {  	[smem:$0x3FAE] =	sst s3  }
0xc: {  	[smem:$0x3FAF] =	sst s4  }
0xd: {  	[smem:$0x3FB0] =	sst s5  }
0xe: {  	[smem:$0x3FB1] =	sst s6  }
0xf: {  	[smem:$0x3FB2] =	sst s7  }
0x10: {  	[smem:$0x3FB3] =	sst s8  }
0x11: {  	[smem:$0x3FB4] =	sst s9;
	s0 =	simm.s32 @!p0 $0x0  }
0x12: {  	s1 =	sld [smem:$0x3F9A];
	s0 =	simm.s32 @p0 $0x1  }
0x13: {  	[smem:$0x3FB5] =	sst s0;
	s0 =	simm.s32 @!p1 $0x0  }
0x14: {  	s2 =	sld [smem:$0x3F99];
	s0 =	simm.s32 @p1 $0x1  }
0x15: {  	[smem:$0x3FB6] =	sst s0;
	s0 =	simm.s32 @!p2 $0x0  }
0x16: {  	s3 =	sld [smem:$0x3FDB];
	s0 =	simm.s32 @p2 $0x1  }
0x17: {  	s4 =	simm.s32 $0x1BF5;
	[smem:$0x3FB8] =	sst s0  }
0x18: {  	s0 =	sld [smem:$0x3F9B];
	_ =	swait.ge [sflag:s4], $0x0  }
0x19: {  	s7 =	sld [smem:$0x3F9C]  }
0x1a: {  	s8 =	sadd.s32 $0xFFFFE003, lr  }
0x1b: {  	s9 =	sadd.s32 $0xFFFFFEF7, lr;
	s5 =	simm.s32 $0xFFFFFFFF;
	p2 =	slt.u32 s8, $0xFFFFF086  }
0x1c: {  	p1 =	slt.u32 s9, $0xF7A;
	s5 =	simm.s32 @!p2 $0x0  }
0x1d: {  	s5 =	simm.s32 @p1 $0x1;
	p0 =	seq.s32 s7, s2  }
0x1e: {  	s7 =	smul.u32 @!p0 $0xF7A, s2;
	p2 =	seq.s32 @!p0 s5, $0x0  }
0x1f: {  	s9 =	smul.u32 $0xF7A, s1;
	s8 =	simm.s32 @!p0 $0x1BF5;
	p2 =	por !p2, p0  }
0x20: {  	[sflag:s8] =	ssyncset.s32 @!p0 $0xFFFFF086;
	s6 =	sadd.s32 @!p0 s3, s7;
	s7 =	simm.s32 @!p0 $0x108  }
0x21: {  	s3 =	sadd.s32 s3, s9;
	s6 =	sadd.s32 @!p0 $0x88, s6;
	s7 =	simm.s32 @p2 $0x1082  }
0x22: {  	[simem:s7], [sflag:s8] =	dma.local @!p0 [hbm:s6], $0xF7A  }
0x23: {  	s9 =	sor.u32 $0xD0000000, s2;
	s6 =	simm.s32 $0x108;
	_ =	swait.ge @!p0 [sflag:s8], $0x0  }
0x24: {  	s3 =	sadd.s32 $0x88, s3;
	s6 =	simm.s32 @!p1 $0x1082;
	[sflag:s4] =	ssyncset.s32 $0xFFFFF086  }
0x25: {  	[simem:s6], [sflag:s4] =	dma.local [hbm:s3], $0xF7A  }
0x26: {  	[smem:$0x3F9C] =	sst s1;
	(tag) =	ssettag s2;
	_ =	strace s9  }
0x27: {  	s1 =	sld [smem:$0x3FAC]  }
0x28: {  	s2 =	sld [smem:$0x3FAD]  }
0x29: {  	s4 =	sld [smem:$0x3FAF]  }
0x2a: {  	p0 =	seq.s32 s5, $0x0;
	s5 =	sld [smem:$0x3FB0]  }
0x2b: {  	s6 =	sld [smem:$0x3FB1]  }
0x2c: {  	s7 =	sld [smem:$0x3FB2]  }
0x2d: {  	s3 =	simm.s32 $0x108;
	s8 =	sld [smem:$0x3FB3]  }
0x2e: {  	s3 =	simm.s32 @!p0 $0x1082;
	s9 =	sld [smem:$0x3FB4]  }
0x2f: {  	lr =	sadd.s32 s0, s3;
	s0 =	sld [smem:$0x3FAB]  }
0x30: {  	s3 =	sld [smem:$0x3FAE]  }
0x31: {  	[smem:$0x3FB7] =	sst s10  }
0x32: {  	s10 =	sld [smem:$0x3FB5];
	_ =	sdelay $0x3  }
0x33: {  	p0 =	seq.s32 s10, $0x1;
	s10 =	sld [smem:$0x3FB7];
	_ =	sdelay $0x3  }
0x34: {  	[smem:$0x3FB7] =	sst s10  }
0x35: {  	s10 =	sld [smem:$0x3FB6];
	_ =	sdelay $0x3  }
0x36: {  	p1 =	seq.s32 s10, $0x1;
	s10 =	sld [smem:$0x3FB7];
	_ =	sdelay $0x3  }
0x37: {  	[smem:$0x3FB7] =	sst s10  }
0x38: {  	s10 =	sld [smem:$0x3FB8]  }
0x39: {  	_ = 	snop;
	(pc) =	sbr.ind lr, $3  }
0x3a: {  	_ = 	snop  }
0x3b: {  	_ = 	snop  }
0x3c: {  	p2 =	seq.s32 s10, $0x1;
	s10 =	sld [smem:$0x3FB7]  }
0x3d: {  	_ =	shalt  }
0x3e: {  	_ =	shalt  }
0x3f: {  	_ =	shalt  }
0x40: {  	_ =	shalt  }
0x41: {  	_ =	shalt  }
0x42: {  	_ =	shalt  }
0x43: {  	_ =	shalt  }
0x44: {  	_ =	shalt  }
0x45: {  	_ =	shalt  }
0x46: {  	_ =	shalt  }
0x47: {  	_ =	shalt  }
0x48: {  	_ =	shalt  }
0x49: {  	_ =	shalt  }
0x4a: {  	_ =	shalt  }
0x4b: {  	_ =	shalt  }
0x4c: {  	_ =	shalt  }
0x4d: {  	_ =	shalt  }
0x4e: {  	_ =	shalt  }
0x4f: {  	_ =	shalt  }
0x50: {  	_ =	shalt  }
0x51: {  	_ =	shalt  }
0x52: {  	_ =	shalt  }
0x53: {  	_ =	shalt  }
0x54: {  	_ =	shalt  }
0x55: {  	_ =	shalt  }
0x56: {  	_ =	shalt  }
0x57: {  	_ =	shalt  }
0x58: {  	_ =	shalt  }
0x59: {  	_ =	shalt  }
0x5a: {  	_ =	shalt  }
0x5b: {  	_ =	shalt  }
0x5c: {  	_ =	shalt  }
0x5d: {  	_ =	shalt  }
0x5e: {  	_ =	shalt  }
0x5f: {  	_ =	shalt  }
0x60: {  	_ =	shalt  }
0x61: {  	_ =	shalt  }
0x62: {  	_ =	shalt  }
0x63: {  	_ =	shalt  }
0x64: {  	_ =	shalt  }
0x65: {  	_ =	shalt  }
0x66: {  	_ =	shalt  }
0x67: {  	_ =	shalt  }
0x68: {  	_ =	shalt  }
0x69: {  	_ =	shalt  }
0x6a: {  	_ =	shalt  }
0x6b: {  	_ =	shalt  }
0x6c: {  	_ =	shalt  }
0x6d: {  	_ =	shalt  }
0x6e: {  	_ =	shalt  }
0x6f: {  	_ =	shalt  }
0x70: {  	_ =	shalt  }
0x71: {  	_ =	shalt  }
0x72: {  	_ =	shalt  }
0x73: {  	_ =	shalt  }
0x74: {  	_ =	shalt  }
0x75: {  	_ =	shalt  }
0x76: {  	_ =	shalt  }
0x77: {  	_ =	shalt  }
0x78: {  	_ =	shalt  }
0x79: {  	_ =	shalt  }
0x7a: {  	_ =	shalt  }
0x7b: {  	_ =	shalt  }
0x7c: {  	_ =	shalt  }
0x7d: {  	_ =	shalt  }
0x7e: {  	_ =	shalt  }
0x7f: {  	_ =	shalt  }
0x80: {  	_ =	shalt  }
0x81: {  	_ =	shalt  }
0x82: {  	_ =	shalt  }
0x83: {  	_ =	shalt  }
0x84: {  	_ =	shalt  }
0x85: {  	_ =	shalt  }
0x86: {  	_ =	shalt  }
0x87: {  	_ =	shalt  }
.Lfunc_end0:
.L_simem_size_0:
called_computation.2_lowered:
.L_overlay_start_0:
0x88: {  	s2 =	sld [smem:$0x3FD9]  }
0x89: {  	s3 =	sld [smem:$0x3FFE];
	_ =	sdelay $0x1  }
0x8a: {  	s1 =	srdreg.scid  }
0x8b: {  	s0 =	sand.u32 $0x1, s1  }
0x8c: {  	s17 =	sshll.u32 s0, $0xA;
	s2 =	sadd.s32 s3, s2  }
0x8d: {  	s2 =	sadd.s32 s2, s17  }
0x8e: {  	[smem:$0x3FC3] =	sst s2  }
0x8f: {  	_ = 	snop  }
0x90: {  	s2 =	sld [smem:$0x3FD0];
	(tm) =	ssettm $0x1  }
0x91: {  	s18 =	sld [smem:$0x3FFB];
	_ =	sdelay $0x3  }
0x92: {  	_ =	strace s18  }
0x93: {  	s3 =	sld [smem:$0x3FFC];
	_ =	sdelay $0x3  }
0x94: {  	_ =	strace s3  }
0x95: {  	s3 =	sld [smem:$0x3FFD];
	_ =	sdelay $0x3  }
0x96: {  	_ =	strace s3  }
0x97: {  	_ =	strace $0x8FFFFFFF  }
0x98: {  	s19 =	sld [smem:$0x3FDB];
	_ =	sdelay $0x1  }
0x99: {  	s4 =	simm.s32 $_scs_section_size  }
0x9a: {  	s5 =	simm.s32 $_size__tile_overlayer_lowered;
	s6 =	simm.s32 $_tile_overlayer_lowered  }
0x9b: {  	s22 =	simm.s32 $0x1BFF;
	s21 =	sshll.u32 s6, $0x1;
	s3 =	sadd.s32 s4, s19  }
0x9c: {  	s7 =	simm.s32 $0x0;
	s20 =	sshll.u32 s5, $0x1;
	s5 =	sadd.s32 s21, s3  }
0x9d: {  	[timem:s7], [sflag:s22] =	dma.local [hbm:s5], s20  }
0x9e: {  	_ =	swait.ge [sflag:s22], s20  }
0x9f: {  	s4 =	ssub.s32 $0x0, s20;
	[sflag:s22] =	ssyncset.done $0x0  }
0xa0: {  	[sflag:s22] =	ssyncadd.s32 s4;
	_ =	sdelay $0x1  }
0xa1: {  	s23 =	simm.s32 $0x1B8B  }
0xa2: {  	_ =	swait.ge [sflag:s23], $0x1  }
0xa3: {  	[sflag:s23] =	ssyncset.done $0x0  }
0xa4: {  	s25 =	simm.s32 $0x1B8E;
	s24 =	sld [smem:$0x3FFE];
	[sflag:s23] =	ssyncadd.s32 $0xFFFFFFFF  }
0xa5: {  	s26 =	simm.s32 $execute0_lowered;
	[smem:$0x3FD2] =	sst s25  }
0xa6: {  	s5 =	sshll.u32 s26, $0x1;
	_ =	strace $0x8000004C;
	[dreg:$0x1] =	wrdreg $0xFFFFFFFF  }
0xa7: {  	s28 =	simm.s32 $_size_execute0_lowered;
	s3 =	sadd.s32 s3, s5;
	[dreg:$0x0] =	wrdreg $0x0  }
0xa8: {  	s5 =	sshll.u32 s28, $0x1;
	[dreg:$0x2] =	wrdreg s3  }
0xa9: {  	[dreg:$0x3] =	wrdreg s5  }
0xaa: {  	[dreg:$0x4] =	wrdreg $0xC0  }
0xab: {  	_ =	task [dreg:s7], $0x5FFFF  }
0xac: {  	[dreg:$0x1] =	wrdreg $0xFFFFFFFF  }
0xad: {  	[dreg:$0x0] =	wrdreg $0x60  }
0xae: {  	[dreg:$0x2] =	wrdreg s2  }
0xaf: {  	[dreg:$0x3] =	wrdreg s24  }
0xb0: {  	[dreg:$0x4] =	wrdreg $0xA8000  }
0xb1: {  	[dreg:$0x5] =	wrdreg $0x9  }
0xb2: {  	_ =	task.clear_ibuf [dreg:s7], $0x6FFFF;
	_ =	strace $0x9000004C  }
0xb3: {  	s29 =	simm.s32 $0x9;
	_ =	strace $0x8000004E  }
0xb4: {  	_ =	swait.ge [sflag:s29], $0x1  }
0xb5: {  	[sflag:s29] =	ssyncadd.s32 $0xFFFFFFFF  }
0xb6: {  	_ =	strace $0x9000004E  }
0xb7: {  	_ =	sfence  }
0xb8: {  	s30 =	sld [smem:$0x0];
	_ =	sdelay $0x2  }
0xb9: {  	s31 =	sshll.u32 s1, $0xD;
	s1 =	sshrl.u32 s1, $0x2  }
0xba: {  	s3 =	sand.u32 $0x4000, s31;
	s1 =	sadd.s32 s1, s30  }
0xbb: {  	s0 =	sor.u32 s3, s0;
	s1 =	sshll.u32 s1, $0x11  }
0xbc: {  	s0 =	sor.u32 s1, s0  }
0xbd: {  	s0 =	sadd.s32 $0x8F2B, s0  }
0xbe: {  	[sflag:s0] =	ssyncadd.remote.s32 $0x1  }
0xbf: {  	_ =	sfence.sel $0xFFFF  }
0xc0: {  	[dreg:$0x0] =	wrdreg $0xFFFFFFFF;
	(pc) =	sbr.abs _section_cstart, $3  }
0xc1: {  	[dreg:$0x1] =	wrdreg $0xFFFFFFFF  }
0xc2: {  	_ =	task.clear_ibuf [dreg:s7], $0x2FFFF;
	_ =	strace $0x9FFFFFFF  }
0xc3: {  	(tm) =	ssettm $0x7FFFFFFF  }
tec
execute0_lowered:
.L_overlay_start_1:
0x0: {  	(tag) =	ssettag $0x1  }
0x1: {  	s1 =	rddreg [dreg:$0x0]  }
0x2: {  	s2 =	rddreg [dreg:$0x1]  }
0x3: {  	s0 =	stileid.u32;
	s4 =	srdreg.scid  }
0x4: {  	s3 =	rddreg [dreg:$0x2];
	s16 =	simm.s32 $0xC000;
	s17 =	simm.s32 $0x2800  }
0x5: {  	s18 =	simm.s32 $0x6800;
	s19 =	simm.s32 $0x1;
	s20 =	simm.s32 $0x3  }
0x6: {  	s21 =	simm.s32 $0x100;
	s22 =	simm.s32 $0x2;
	s5 =	smul.u32 $0x2800, s0  }
0x7: {  	s23 =	simm.s32 $0x1480;
	s24 =	simm.s32 $0x4;
	s8 =	smul.u32 $0x3E80, s0  }
0x8: {  	s28 =	simm.s32 $0x2700;
	s29 =	simm.s32 $0x2780;
	s9 =	smul.u32 $0x50000, s0  }
0x9: {  	s30 =	simm.s32 $0x0;
	s7 =	sand.u32 $0x1, s4;
	s14 =	smul.u32 $0x500, s0  }
0xa: {  	s4 =	simm.s32 $0x0;
	s10 =	sadd.s32 $0x2000, s2;
	s31 =	smul.u32 $0x7D000, s0  }
0xb: {  	s26 =	sshll.u32 s0, $0x6;
	s6 =	smul.u32 $0x27100, s7;
	[smem:$0x7FF] =	sst s4  }
0xc: {  	s11 =	ssub.s32 $0x2, s7;
	p0 =	seq.s32 s7, $0x0;
	_ =	strace $0x8000004D  }
0xd: {  	s5 =	sadd.s32 s5, s2;
	s25 =	sshrl.u32 s11, $0x1;
	s9 =	sshrl.u32 s9, $0x2  }
0xe: {  	s7 =	sadd.s32 s10, s14;
	s15 =	sadd.s32 $0x280, s14;
	s16 =	simm.s32 @!p0 $0x7000  }
0xf: {  	p0 =	sgt.u32 s0, $0x9;
	s6 =	sadd.s32 s8, s6;
	s11 =	ssub.s32 s11, s25  }
0x10: {  	s13 =	sadd.s32 s9, s3;
	s5 =	sadd.s32 $0x11000, s5;
	s8 =	sadd.s32 s10, s15  }
0x11: {  	s9 =	sshrl.u32 s31, $0x2;
	s12 =	sadd.s32 s6, s2;
	s6 =	sor.u32 $0x1C05, s26  }
0x12: {  	s25 =	sadd.s32 s9, s3;
	s2 =	sadd.s32 s16, s2;
	s10 =	smax.u32 s11, $0x1  }
0x13: {  	s13 =	sshrl.u32 s13, $0x3;
	s16 =	simm.s32 $0x80;
	s26 =	simm.s32 $0x1380  }
0x14: {  	s9 =	sadd.s32 $0x39000, s12;
	s11 =	sadd.s32 s2, s14;
	s12 =	sadd.s32 s2, s15  }
0x15: {  	s14 =	simm.s32 $0x5;
	s15 =	simm.s32 $0x1400;
	s25 =	sshrl.u32 @!p0 s25, $0x3  }
.LBB2_1:
0x16: {  	[spmem:s13], [sflag:s6] =	dma.local [hbm:s5], $0x2800  }
0x17: {  	_ =	swait.ge [sflag:s14], $0x2800  }
0x18: {  	[sflag:s14] =	ssyncset.done $0x0  }
0x19: {  	[sflag:s14] =	ssyncadd.s32 $0xFFFFD800  }
0x1a: {  	[bflag:$0x0] =	sbarrier.arrive $0xFFFF  }
0x1b: {  	[tilespmem:s4], [sflag:$0x5] =	stream.linear.gather [hbm4b:s11+s4], $0x1400, $0x38;
	[tilespmem:$0x1E800] =	vst v63  }
0x1c: {  	_ =	swait.ge [sflag:s14], $0x1400  }
0x1d: {  	[sflag:s14] =	ssyncset.done $0x0  }
0x1e: {  	[sflag:s14] =	ssyncadd.s32 $0xFFFFEC00  }
0x1f: {  	[tilespmem:s15], [sflag:$0x5] =	stream.linear.gather [hbm4b:s7+s4], $0x1400, $0x38;
	[tilespmem:$0x1E800] =	vst v63  }
0x20: {  	_ =	swait.ge [sflag:s14], $0x1400  }
0x21: {  	[sflag:s14] =	ssyncset.done $0x0  }
0x22: {  	[sflag:s14] =	ssyncadd.s32 $0xFFFFEC00  }
0x23: {  	[tilespmem:s17], [sflag:$0x1] =	stream.indirect.gather [hbm4b:s1+s16], $0x80, s4, s16, $0xb8;
	[tilespmem:$0x1E800] =	vst v63  }
0x24: {  	_ = 	snop  }
0x25: {  	[tilespmem:s18], [sflag:$0x2] =	stream.indirect.gather [hbm4b:s1+s16], $0x80, s16, s16, $0xb8;
	[tilespmem:$0x1E800] =	vst v63  }
0x26: {  	_ =	swait.ge [sflag:s19], $0x4000  }
0x27: {  	[sflag:s19] =	ssyncset.done $0x0  }
0x28: {  	[sflag:s19] =	ssyncadd.s32 $0xFFFFC000  }
0x29: {  	[spmem:s3] =	stream.indirect.scatter.add.f32 [tilespmem:s17], [sflag:$0x3], $0x80, s15, s16, $0xb8;
	[tilespmem:$0x1E800] =	vst v63  }
0x2a: {  	_ =	swait.ge [sflag:s20], $0x4000  }
0x2b: {  	[sflag:s20] =	ssyncset.done $0x0  }
0x2c: {  	[sflag:s20] =	ssyncadd.s32 $0xFFFFC000  }
0x2d: {  	[tilespmem:s17], [sflag:$0x1] =	stream.indirect.gather [hbm4b:s1+s16], $0x80, s21, s16, $0xb8;
	[tilespmem:$0x1E800] =	vst v63  }
0x2e: {  	_ =	swait.ge [sflag:s22], $0x4000  }
0x2f: {  	[sflag:s22] =	ssyncset.done $0x0  }
0x30: {  	[sflag:s22] =	ssyncadd.s32 $0xFFFFC000  }
0x31: {  	[spmem:s3] =	stream.indirect.scatter.add.f32 [tilespmem:s18], [sflag:$0x4], $0x80, s23, s16, $0xb8;
	[tilespmem:$0x1E800] =	vst v63  }
0x32: {  	_ =	swait.ge [sflag:s24], $0x4000  }
0x33: {  	[sflag:s24] =	ssyncset.done $0x0  }
0x34: {  	s2 =	simm.s32 $0x180;
	[sflag:s24] =	ssyncadd.s32 $0xFFFFC000  }
0x35: {  	[tilespmem:s18], [sflag:$0x2] =	stream.indirect.gather [hbm4b:s1+s16], $0x80, s2, s16, $0xb8;
	[tilespmem:$0x1E800] =	vst v63  }
0x36: {  	_ =	swait.ge [sflag:s19], $0x4000  }
0x37: {  	[sflag:s19] =	ssyncset.done $0x0  }
0x38: {  	s0 =	simm.s32 $0x1500;
	[sflag:s19] =	ssyncadd.s32 $0xFFFFC000  }
0x39: {  	[spmem:s3] =	stream.indirect.scatter.add.f32 [tilespmem:s17], [sflag:$0x3], $0x80, s0, s16, $0xb8;
	[tilespmem:$0x1E800] =	vst v63  }
0x3a: {  	_ =	swait.ge [sflag:s20], $0x4000  }
0x3b: {  	[sflag:s20] =	ssyncset.done $0x0  }
0x3c: {  	s0 =	simm.s32 $0x200;
	[sflag:s20] =	ssyncadd.s32 $0xFFFFC000  }
0x3d: {  	[tilespmem:s17], [sflag:$0x1] =	stream.indirect.gather [hbm4b:s1+s16], $0x80, s0, s16, $0xb8;
	[tilespmem:$0x1E800] =	vst v63  }
0x3e: {  	_ =	swait.ge [sflag:s22], $0x4000  }
0x3f: {  	[sflag:s22] =	ssyncset.done $0x0  }
0x40: {  	s31 =	simm.s32 $0xFFFFBC00;
	s2 =	simm.s32 $0x1580;
	[sflag:s22] =	ssyncadd.s32 $0xFFFFC000  }
.LBB2_2:
0x41: {  	[spmem:s3] =	stream.indirect.scatter.add.f32 [tilespmem:s18], [sflag:$0x4], $0x80, s2, s16, $0xb8;
	[tilespmem:$0x1E800] =	vst v63  }
0x42: {  	s2 =	smov.u32 s31  }
0x43: {  	p1 =	sne.s32 s31, $0xFFFFFC00;
	s31 =	sadd.s32 $0x400, s31;
	_ =	swait.ge [sflag:s24], $0x4000  }
0x44: {  	s2 =	sshra.s32 s2, $0x2;
	[sflag:s24] =	ssyncset.done $0x0  }
0x45: {  	s0 =	sadd.s32 $0x1380, s2;
	[sflag:s24] =	ssyncadd.s32 $0xFFFFC000  }
0x46: {  	[tilespmem:s18], [sflag:$0x2] =	stream.indirect.gather [hbm4b:s1+s16], $0x80, s0, s16, $0xb8;
	[tilespmem:$0x1E800] =	vst v63  }
0x47: {  	_ =	swait.ge [sflag:s19], $0x4000  }
0x48: {  	[sflag:s19] =	ssyncset.done $0x0  }
0x49: {  	s0 =	sadd.s32 $0x2700, s2;
	[sflag:s19] =	ssyncadd.s32 $0xFFFFC000  }
0x4a: {  	[spmem:s3] =	stream.indirect.scatter.add.f32 [tilespmem:s17], [sflag:$0x3], $0x80, s0, s16, $0xb8;
	[tilespmem:$0x1E800] =	vst v63  }
0x4b: {  	_ =	swait.ge [sflag:s20], $0x4000  }
0x4c: {  	[sflag:s20] =	ssyncset.done $0x0  }
.Ltmp0:
0x4d: {  	s0 =	sadd.s32 $0x1400, s2;
	[sflag:s20] =	ssyncadd.s32 $0xFFFFC000;
	(pc) =	sbr.rel @p1 .LBB2_2-.Ltmp0, $4  }
0x4e: {  	[tilespmem:s17], [sflag:$0x1] =	stream.indirect.gather [hbm4b:s1+s16], $0x80, s0, s16, $0xb8;
	[tilespmem:$0x1E800] =	vst v63  }
0x4f: {  	_ =	swait.ge [sflag:s22], $0x4000  }
0x50: {  	[sflag:s22] =	ssyncset.done $0x0  }
0x51: {  	s2 =	sadd.s32 $0x2780, s2;
	[sflag:s22] =	ssyncadd.s32 $0xFFFFC000  }
0x52: {  	[spmem:s3] =	stream.indirect.scatter.add.f32 [tilespmem:s18], [sflag:$0x4], $0x80, s2, s16, $0xb8;
	[tilespmem:$0x1E800] =	vst v63  }
0x53: {  	_ =	swait.ge [sflag:s24], $0x4000  }
0x54: {  	[sflag:s24] =	ssyncset.done $0x0  }
0x55: {  	[sflag:s24] =	ssyncadd.s32 $0xFFFFC000  }
0x56: {  	[tilespmem:s18], [sflag:$0x2] =	stream.indirect.gather [hbm4b:s1+s16], $0x80, s26, s16, $0xb8;
	[tilespmem:$0x1E800] =	vst v63  }
0x57: {  	_ =	swait.ge [sflag:s19], $0x4000  }
0x58: {  	[sflag:s19] =	ssyncset.done $0x0  }
0x59: {  	[sflag:s19] =	ssyncadd.s32 $0xFFFFC000  }
0x5a: {  	[spmem:s3] =	stream.indirect.scatter.add.f32 [tilespmem:s17], [sflag:$0x3], $0x80, s28, s16, $0xb8;
	[tilespmem:$0x1E800] =	vst v63  }
0x5b: {  	_ =	swait.ge [sflag:s20], $0x4000  }
0x5c: {  	[sflag:s20] =	ssyncset.done $0x0  }
0x5d: {  	[sflag:s20] =	ssyncadd.s32 $0xFFFFC000  }
0x5e: {  	_ =	swait.ge [sflag:s22], $0x4000  }
0x5f: {  	[sflag:s22] =	ssyncset.done $0x0  }
0x60: {  	[sflag:s22] =	ssyncadd.s32 $0xFFFFC000  }
0x61: {  	[spmem:s3] =	stream.indirect.scatter.add.f32 [tilespmem:s18], [sflag:$0x4], $0x80, s29, s16, $0xb8;
	[tilespmem:$0x1E800] =	vst v63  }
0x62: {  	_ =	swait.ge [sflag:s24], $0x4000  }
0x63: {  	[sflag:s24] =	ssyncset.done $0x0  }
0x64: {  	[sflag:s24] =	ssyncadd.s32 $0xFFFFC000  }
0x65: {  	[tilespmem:s4], [sflag:$0x5] =	stream.linear.gather [hbm4b:s12+s4], $0x1400, $0x38;
	[tilespmem:$0x1E800] =	vst v63  }
0x66: {  	_ =	swait.ge [sflag:s14], $0x1400  }
0x67: {  	[sflag:s14] =	ssyncset.done $0x0  }
0x68: {  	[sflag:s14] =	ssyncadd.s32 $0xFFFFEC00  }
0x69: {  	[tilespmem:s15], [sflag:$0x5] =	stream.linear.gather [hbm4b:s8+s4], $0x1400, $0x38;
	[tilespmem:$0x1E800] =	vst v63  }
0x6a: {  	_ =	swait.ge [sflag:s14], $0x1400  }
0x6b: {  	[sflag:s14] =	ssyncset.done $0x0  }
0x6c: {  	[sflag:s14] =	ssyncadd.s32 $0xFFFFEC00  }
0x6d: {  	[tilespmem:s17], [sflag:$0x1] =	stream.indirect.gather [hbm4b:s1+s16], $0x80, s4, s16, $0xb8;
	[tilespmem:$0x1E800] =	vst v63  }
0x6e: {  	_ = 	snop  }
0x6f: {  	[tilespmem:s18], [sflag:$0x2] =	stream.indirect.gather [hbm4b:s1+s16], $0x80, s16, s16, $0xb8;
	[tilespmem:$0x1E800] =	vst v63  }
0x70: {  	_ =	swait.ge [sflag:s19], $0x4000  }
0x71: {  	[sflag:s19] =	ssyncset.done $0x0  }
0x72: {  	[sflag:s19] =	ssyncadd.s32 $0xFFFFC000  }
0x73: {  	[spmem:s3] =	stream.indirect.scatter.add.f32 [tilespmem:s17], [sflag:$0x3], $0x80, s15, s16, $0xb8;
	[tilespmem:$0x1E800] =	vst v63  }
0x74: {  	_ =	swait.ge [sflag:s20], $0x4000  }
0x75: {  	[sflag:s20] =	ssyncset.done $0x0  }
0x76: {  	[sflag:s20] =	ssyncadd.s32 $0xFFFFC000  }
0x77: {  	[tilespmem:s17], [sflag:$0x1] =	stream.indirect.gather [hbm4b:s1+s16], $0x80, s21, s16, $0xb8;
	[tilespmem:$0x1E800] =	vst v63  }
0x78: {  	_ =	swait.ge [sflag:s22], $0x4000  }
0x79: {  	[sflag:s22] =	ssyncset.done $0x0  }
0x7a: {  	[sflag:s22] =	ssyncadd.s32 $0xFFFFC000  }
0x7b: {  	[spmem:s3] =	stream.indirect.scatter.add.f32 [tilespmem:s18], [sflag:$0x4], $0x80, s23, s16, $0xb8;
	[tilespmem:$0x1E800] =	vst v63  }
0x7c: {  	_ =	swait.ge [sflag:s24], $0x4000  }
0x7d: {  	[sflag:s24] =	ssyncset.done $0x0  }
0x7e: {  	s0 =	simm.s32 $0x180;
	[sflag:s24] =	ssyncadd.s32 $0xFFFFC000  }
0x7f: {  	[tilespmem:s18], [sflag:$0x2] =	stream.indirect.gather [hbm4b:s1+s16], $0x80, s0, s16, $0xb8;
	[tilespmem:$0x1E800] =	vst v63  }
0x80: {  	_ =	swait.ge [sflag:s19], $0x4000  }
0x81: {  	[sflag:s19] =	ssyncset.done $0x0  }
0x82: {  	s2 =	simm.s32 $0x1500;
	[sflag:s19] =	ssyncadd.s32 $0xFFFFC000  }
0x83: {  	[spmem:s3] =	stream.indirect.scatter.add.f32 [tilespmem:s17], [sflag:$0x3], $0x80, s2, s16, $0xb8;
	[tilespmem:$0x1E800] =	vst v63  }
0x84: {  	_ =	swait.ge [sflag:s20], $0x4000  }
0x85: {  	[sflag:s20] =	ssyncset.done $0x0  }
0x86: {  	s2 =	simm.s32 $0x200;
	[sflag:s20] =	ssyncadd.s32 $0xFFFFC000  }
0x87: {  	[tilespmem:s17], [sflag:$0x1] =	stream.indirect.gather [hbm4b:s1+s16], $0x80, s2, s16, $0xb8;
	[tilespmem:$0x1E800] =	vst v63  }
0x88: {  	_ =	swait.ge [sflag:s22], $0x4000  }
0x89: {  	[sflag:s22] =	ssyncset.done $0x0  }
0x8a: {  	s31 =	simm.s32 $0xFFFFBC00;
	s2 =	simm.s32 $0x1580;
	[sflag:s22] =	ssyncadd.s32 $0xFFFFC000  }
.LBB2_4:
0x8b: {  	[spmem:s3] =	stream.indirect.scatter.add.f32 [tilespmem:s18], [sflag:$0x4], $0x80, s2, s16, $0xb8;
	[tilespmem:$0x1E800] =	vst v63  }
0x8c: {  	s0 =	smov.u32 s31  }
0x8d: {  	p1 =	sne.s32 s31, $0xFFFFFC00;
	s31 =	sadd.s32 $0x400, s31;
	_ =	swait.ge [sflag:s24], $0x4000  }
0x8e: {  	s0 =	sshra.s32 s0, $0x2;
	[sflag:s24] =	ssyncset.done $0x0  }
0x8f: {  	s2 =	sadd.s32 $0x1380, s0;
	[sflag:s24] =	ssyncadd.s32 $0xFFFFC000  }
0x90: {  	[tilespmem:s18], [sflag:$0x2] =	stream.indirect.gather [hbm4b:s1+s16], $0x80, s2, s16, $0xb8;
	[tilespmem:$0x1E800] =	vst v63  }
0x91: {  	_ =	swait.ge [sflag:s19], $0x4000  }
0x92: {  	[sflag:s19] =	ssyncset.done $0x0  }
0x93: {  	s2 =	sadd.s32 $0x2700, s0;
	[sflag:s19] =	ssyncadd.s32 $0xFFFFC000  }
0x94: {  	[spmem:s3] =	stream.indirect.scatter.add.f32 [tilespmem:s17], [sflag:$0x3], $0x80, s2, s16, $0xb8;
	[tilespmem:$0x1E800] =	vst v63  }
0x95: {  	_ =	swait.ge [sflag:s20], $0x4000  }
0x96: {  	[sflag:s20] =	ssyncset.done $0x0  }
.Ltmp1:
0x97: {  	s2 =	sadd.s32 $0x1400, s0;
	[sflag:s20] =	ssyncadd.s32 $0xFFFFC000;
	(pc) =	sbr.rel @p1 .LBB2_4-.Ltmp1, $4  }
0x98: {  	[tilespmem:s17], [sflag:$0x1] =	stream.indirect.gather [hbm4b:s1+s16], $0x80, s2, s16, $0xb8;
	[tilespmem:$0x1E800] =	vst v63  }
0x99: {  	_ =	swait.ge [sflag:s22], $0x4000  }
0x9a: {  	[sflag:s22] =	ssyncset.done $0x0  }
0x9b: {  	s2 =	sadd.s32 $0x2780, s0;
	[sflag:s22] =	ssyncadd.s32 $0xFFFFC000  }
0x9c: {  	[spmem:s3] =	stream.indirect.scatter.add.f32 [tilespmem:s18], [sflag:$0x4], $0x80, s2, s16, $0xb8;
	[tilespmem:$0x1E800] =	vst v63  }
0x9d: {  	_ =	swait.ge [sflag:s24], $0x4000  }
0x9e: {  	[sflag:s24] =	ssyncset.done $0x0  }
0x9f: {  	[sflag:s24] =	ssyncadd.s32 $0xFFFFC000  }
0xa0: {  	[tilespmem:s18], [sflag:$0x2] =	stream.indirect.gather [hbm4b:s1+s16], $0x80, s26, s16, $0xb8;
	[tilespmem:$0x1E800] =	vst v63  }
0xa1: {  	_ =	swait.ge [sflag:s19], $0x4000  }
0xa2: {  	[sflag:s19] =	ssyncset.done $0x0  }
0xa3: {  	[sflag:s19] =	ssyncadd.s32 $0xFFFFC000  }
0xa4: {  	[spmem:s3] =	stream.indirect.scatter.add.f32 [tilespmem:s17], [sflag:$0x3], $0x80, s28, s16, $0xb8;
	[tilespmem:$0x1E800] =	vst v63  }
0xa5: {  	_ =	swait.ge [sflag:s20], $0x4000  }
0xa6: {  	[sflag:s20] =	ssyncset.done $0x0  }
0xa7: {  	[sflag:s20] =	ssyncadd.s32 $0xFFFFC000  }
0xa8: {  	_ =	swait.ge [sflag:s22], $0x4000  }
0xa9: {  	[sflag:s22] =	ssyncset.done $0x0  }
0xaa: {  	[sflag:s22] =	ssyncadd.s32 $0xFFFFC000  }
0xab: {  	[spmem:s3] =	stream.indirect.scatter.add.f32 [tilespmem:s18], [sflag:$0x4], $0x80, s29, s16, $0xb8;
	[tilespmem:$0x1E800] =	vst v63  }
0xac: {  	_ =	swait.ge [sflag:s24], $0x4000  }
0xad: {  	s30 =	sadd.s32 $0x1, s30;
	[sflag:s24] =	ssyncset.done $0x0  }
0xae: {  	p1 =	sne.s32 s30, s10;
	[sflag:s24] =	ssyncadd.s32 $0xFFFFC000  }
.Ltmp2:
0xaf: {  	s0 =	simm.s32 @!p0 $0x5;
	[bflag:$0x0] =	sbarrier.arrive $0xFFFF;
	(pc) =	sbr.rel @p1 .LBB2_1-.Ltmp2, $4  }
0xb0: {  	[hbm:s9], [sflag:s6] =	dma.local @!p0 [spmem:s25], $0x3E80  }
0xb1: {  	_ =	swait.ge @!p0 [sflag:s0], $0x3E80  }
0xb2: {  	[sflag:s0] =	ssyncset.done @!p0 $0x0  }
0xb3: {  	[sflag:s0] =	ssyncadd.s32 @!p0 $0xFFFFC180  }
0xb4: {  	_ =	sfence.sel $0x180000  }
0xb5: {  	[bflag:$0x0] =	sbarrier.arrive $0xFFFF  }
0xb6: {  	_ =	strace $0x9000004D  }
0xb7: {  	s0 =	stileid.u32;
	[bflag:$0x2] =	sbarrier.arrive $0xFFFF  }
0xb8: {  	p0 =	sne.s32 s0, $0x0;
	s0 =	rddreg [dreg:$0x3]  }
0xb9: {  	s0 =	sadd.s32 @!p0 $0x100000, s0  }
0xba: {  	[sflag:s0] =	ssyncadd.tile.s32 @!p0 $0x1;
	_ =	shalt  }
.Lfunc_end2:
_tile_overlayer_lowered:
.L_overlay_start_2:
0xbb: {  	(tag) =	ssettag $0x2  }
0xbc: {  	s0 =	rddreg [dreg:$0x0];
	s2 =	stileid.u32  }
0xbd: {  	s1 =	rddreg [dreg:$0x1];
	p0 =	sne.s32 s2, $0x0  }
0xbe: {  	s3 =	rddreg [dreg:$0x2];
	[bflag:$0x3] =	sbarrier.arrive $0xFFFF;
	s2 =	simm.s32 @!p0 $0x1C05  }
0xbf: {  	[timem:s3], [sflag:s2] =	dma.local @!p0 [hbm:s0], s1  }
0xc0: {  	s0 =	simm.s32 @!p0 $0x5  }
0xc1: {  	_ =	swait.ge @!p0 [sflag:s0], s1  }
0xc2: {  	s1 =	ssub.s32 @!p0 $0x0, s1;
	[sflag:s0] =	ssyncset.done @!p0 $0x0  }
0xc3: {  	[sflag:s0] =	ssyncadd.s32 @!p0 s1  }
0xc4: {  	[bflag:$0x3] =	sbarrier.arrive $0xFFFF  }
0xc5: {  	_ =	shalt  }

</sc_bundles>
